<compile_context>
chip_gen: v7x
topology: tpu7x:2x2x1
jax: 0.10.2.dev20260603
libtpu: 0.0.44.dev20260713+nightly
codegen_flags: <defaults>
</compile_context>

<pallas_src>
import functools

import jax
import jax.numpy as jnp
from jax import lax
from jax.experimental import pallas as pl
from jax.experimental.pallas import tpu as pltpu
from jax.experimental.pallas import tpu_sc as plsc

N = 10000
E = 320000
F = 128

NC = 2
NS = 16
NW = NC * NS
CHUNK = 128
T_CH = -(-E // (NW * CHUNK))
E_PAD = NW * CHUNK * T_CH
RPT = 624
RPT_LAST = N - (NS - 1) * RPT
N_ACC = N + 8
DW = F

_mesh = plsc.VectorSubcoreMesh(core_axis_name="c", subcore_axis_name="s")


def _stripe(s, fn):

    @pl.when(s < NS - 1)
    def _():
        fn(pl.multiple_of(s * RPT, 8), RPT)

    @pl.when(s == NS - 1)
    def _():
        fn((NS - 1) * RPT, RPT_LAST)


def _deg_body(dst_hbm, zeros_hbm, ones_hbm, out_hbm, di2d, ones_v, acc):
    c = lax.axis_index("c")
    s = lax.axis_index("s")
    wid = c * NS + s
    _stripe(s, lambda r0, nr: pltpu.sync_copy(
        zeros_hbm.at[pl.ds(r0, nr)], acc.at[pl.ds(r0, nr)]))
    pltpu.sync_copy(ones_hbm, ones_v)
    pltpu.sync_copy(dst_hbm.at[wid], di2d)
    plsc.subcore_barrier()

    def step(i, carry):
        pltpu.sync_copy(ones_v, acc.at[di2d.at[i]], add=True)
        return carry

    lax.fori_loop(0, T_CH, step, 0)
    plsc.subcore_barrier()
    _stripe(s, lambda r0, nr: pltpu.sync_copy(
        acc.at[pl.ds(r0, nr)], out_hbm.at[c, pl.ds(r0, nr)]))


_deg_call = functools.partial(
    pl.kernel,
    out_type=jax.ShapeDtypeStruct((NC, N, DW), jnp.float32),
    mesh=_mesh,
    scratch_types=[
        pltpu.VMEM((T_CH, CHUNK), jnp.int32),
        pltpu.VMEM((CHUNK, DW), jnp.float32),
        pltpu.VMEM_SHARED((N_ACC, DW), jnp.float32),
    ],
)(_deg_body)


def _edge_body(src_hbm, dst_hbm, g_hbm, zeros_hbm, out_hbm,
               si, di, rows, acc, sem):
    c = lax.axis_index("c")
    s = lax.axis_index("s")
    wid = c * NS + s

    @pl.when(c == 0)
    def _():
        _stripe(s, lambda r0, nr: pltpu.sync_copy(
            g_hbm.at[pl.ds(r0, nr)], acc.at[pl.ds(r0, nr)]))

    @pl.when(c == 1)
    def _():
        _stripe(s, lambda r0, nr: pltpu.sync_copy(
            zeros_hbm.at[pl.ds(r0, nr)], acc.at[pl.ds(r0, nr)]))

    plsc.subcore_barrier()
    base = wid * (T_CH * CHUNK)

    def step(i, carry):
        off = pl.multiple_of(base + i * CHUNK, CHUNK)
        pltpu.sync_copy(src_hbm.at[pl.ds(off, CHUNK)], si)
        pltpu.sync_copy(dst_hbm.at[pl.ds(off, CHUNK)], di)
        pltpu.async_copy(g_hbm.at[si], rows, sem).wait()
        pltpu.sync_copy(rows, acc.at[di], add=True)
        return carry

    lax.fori_loop(0, T_CH, step, 0)
    plsc.subcore_barrier()
    _stripe(s, lambda r0, nr: pltpu.sync_copy(
        acc.at[pl.ds(r0, nr)], out_hbm.at[c, pl.ds(r0, nr)]))


_edge_call = functools.partial(
    pl.kernel,
    out_type=jax.ShapeDtypeStruct((NC, N, F), jnp.float32),
    mesh=_mesh,
    scratch_types=[
        pltpu.VMEM((CHUNK,), jnp.int32),
        pltpu.VMEM((CHUNK,), jnp.int32),
        pltpu.VMEM((CHUNK, F), jnp.float32),
        pltpu.VMEM_SHARED((N_ACC, F), jnp.float32),
        pltpu.SemaphoreType.DMA,
    ],
)(_edge_body)


BR = 1000


def _tc_first_body(x_ref, w_ref, c0_ref, c1_ref, o_ref):
    dinv = lax.rsqrt(c0_ref[0][:, 0:1] + c1_ref[0][:, 0:1] + 1.0)
    h = jnp.dot(x_ref[...], w_ref[...], preferred_element_type=jnp.float32)
    o_ref[...] = h * dinv


def _tc_mid_body(s0_ref, s1_ref, w_ref, b_ref, c0_ref, c1_ref, o_ref):
    dinv = lax.rsqrt(c0_ref[0][:, 0:1] + c1_ref[0][:, 0:1] + 1.0)
    a = jnp.tanh((s0_ref[0] + s1_ref[0]) * dinv + b_ref[...])
    h = jnp.dot(a, w_ref[...], preferred_element_type=jnp.float32)
    o_ref[...] = h * dinv


def _tc_last_body(s0_ref, s1_ref, b_ref, c0_ref, c1_ref, o_ref):
    dinv = lax.rsqrt(c0_ref[0][:, 0:1] + c1_ref[0][:, 0:1] + 1.0)
    o_ref[...] = jnp.tanh((s0_ref[0] + s1_ref[0]) * dinv + b_ref[...])


def _spec_rows():
    return pl.BlockSpec((BR, F), lambda i: (i, 0))


def _spec_plane(p):
    return pl.BlockSpec((1, BR, F), lambda i, p=p: (p, i, 0))


def _spec_cnt(p):
    return pl.BlockSpec((1, BR, DW), lambda i, p=p: (p, i, 0))


def _spec_w():
    return pl.BlockSpec((F, F), lambda i: (0, 0))


def _spec_b():
    return pl.BlockSpec((1, F), lambda i: (0, 0))


_out_nf = jax.ShapeDtypeStruct((N, F), jnp.float32)
_grid = (N // BR,)

_tc_first = pl.pallas_call(
    _tc_first_body, grid=_grid,
    in_specs=[_spec_rows(), _spec_w(), _spec_cnt(0), _spec_cnt(1)],
    out_specs=_spec_rows(), out_shape=_out_nf)

_tc_mid = pl.pallas_call(
    _tc_mid_body, grid=_grid,
    in_specs=[_spec_plane(0), _spec_plane(1), _spec_w(), _spec_b(),
              _spec_cnt(0), _spec_cnt(1)],
    out_specs=_spec_rows(), out_shape=_out_nf)

_tc_last = pl.pallas_call(
    _tc_last_body, grid=_grid,
    in_specs=[_spec_plane(0), _spec_plane(1), _spec_b(),
              _spec_cnt(0), _spec_cnt(1)],
    out_specs=_spec_rows(), out_shape=_out_nf)


@jax.jit
def _run(x, src, dst, W0, b0, W1, b1, W2, b2, W3, b3):
    pad = E_PAD - E
    src_p = jnp.concatenate([src, jnp.zeros((pad,), jnp.int32)])
    dst_p = jnp.concatenate([dst, jnp.full((pad,), N, jnp.int32)])
    zeros_nf = jnp.zeros((N, F), jnp.float32)
    ones_chunk = jnp.ones((CHUNK, DW), jnp.float32)

    cnt = _deg_call(dst_p.reshape(NW, T_CH, CHUNK), zeros_nf, ones_chunk)

    g = _tc_first(x, W0, cnt, cnt)
    s = _edge_call(src_p, dst_p, g, zeros_nf)
    g = _tc_mid(s, s, W1, b0.reshape(1, F), cnt, cnt)
    s = _edge_call(src_p, dst_p, g, zeros_nf)
    g = _tc_mid(s, s, W2, b1.reshape(1, F), cnt, cnt)
    s = _edge_call(src_p, dst_p, g, zeros_nf)
    g = _tc_mid(s, s, W3, b2.reshape(1, F), cnt, cnt)
    s = _edge_call(src_p, dst_p, g, zeros_nf)
    return _tc_last(s, s, b3.reshape(1, F), cnt, cnt)


def kernel(x, edge_index, W0, b0, W1, b1, W2, b2, W3, b3):
    src = edge_index[0].astype(jnp.int32)
    dst = edge_index[1].astype(jnp.int32)
    return _run(x, src, dst, W0, b0, W1, b1, W2, b2, W3, b3)

# --- scband reference (transcript-rebuilt; emitter-appended) ---
"""Pipeline reference for scband-gcnone-4011499454554 (READ-ONLY COPY).

The authoritative reference and input builder live on the scoring server;
editing this copy changes nothing except your own understanding.
"""

import jax, jax.numpy as jnp
import numpy as np

N = 10000
E = 320000
NFEAT = 128  # assumed get_atom_features_dim()
H = 128      # args.hidden_size


def _glorot(key, shape):
    fan_in, fan_out = shape[0], shape[1]
    lim = np.sqrt(6.0 / (fan_in + fan_out))
    return jax.random.uniform(key, shape, jnp.float32, -lim, lim)


def setup_inputs(seed: int = 0) -> dict:
    key = jax.random.key(seed)
    ks = jax.random.split(key, 10)
    x = jax.random.normal(ks[0], (N, NFEAT), dtype=jnp.float32)
    edge_index = jax.random.randint(ks[1], (2, E), 0, N, dtype=jnp.int64)
    W0 = _glorot(ks[2], (NFEAT, H)); b0 = jnp.zeros((H,), jnp.float32)
    W1 = _glorot(ks[3], (H, H));     b1 = jnp.zeros((H,), jnp.float32)
    W2 = _glorot(ks[4], (H, H));     b2 = jnp.zeros((H,), jnp.float32)
    W3 = _glorot(ks[5], (H, H));     b3 = jnp.zeros((H,), jnp.float32)
    return {"x": x, "edge_index": edge_index,
            "W0": W0, "b0": b0, "W1": W1, "b1": b1,
            "W2": W2, "b2": b2, "W3": W3, "b3": b3}


def _gcn_conv(x, src, dst, norm, W, b):
    # PyG GCNConv: x' = D^{-1/2}(A+I)D^{-1/2} (X W) + b
    h = x @ W
    msg = h[src] * norm[:, None]
    out = jax.ops.segment_sum(msg, dst, num_segments=N)
    return out + b


def _build_norm(edge_index):
    loop = jnp.arange(N, dtype=edge_index.dtype)
    src = jnp.concatenate([edge_index[0], loop])
    dst = jnp.concatenate([edge_index[1], loop])
    deg = jax.ops.segment_sum(jnp.ones_like(dst, dtype=jnp.float32), dst, num_segments=N)
    dinv = jnp.where(deg > 0, 1.0 / jnp.sqrt(deg), 0.0)
    norm = dinv[src] * dinv[dst]
    return src, dst, norm


def reference(x, edge_index, W0, b0, W1, b1, W2, b2, W3, b3):
    src, dst, norm = _build_norm(edge_index)
    h = jnp.tanh(_gcn_conv(x, src, dst, norm, W0, b0))
    h = jnp.tanh(_gcn_conv(h, src, dst, norm, W1, b1))
    h = jnp.tanh(_gcn_conv(h, src, dst, norm, W2, b2))
    h = jnp.tanh(_gcn_conv(h, src, dst, norm, W3, b3))
    return h

if __name__ == "__main__":
    import jax
    _d = setup_inputs()
    print(jax.jit(kernel)(*tuple(_d.values())))

</pallas_src>

<mosaic_0001>
#map = affine_map<(d0, d1) -> (0, 0, 0)>
#map1 = affine_map<(d0, d1) -> (0, 0)>
module attributes {stable_mosaic.version = 14 : i64} {
  func.func @_deg_body(%arg0: i32, %arg1: i32, %arg2: memref<32x79x128xi32, #tpu.memory_space<hbm>>, %arg3: memref<10000x128xf32, #tpu.memory_space<hbm>>, %arg4: memref<128x128xf32, #tpu.memory_space<hbm>>, %arg5: memref<2x10000x128xf32, #tpu.memory_space<hbm>>, %arg6: memref<79x128xi32, #tpu.memory_space<vmem>>, %arg7: memref<128x128xf32, #tpu.memory_space<vmem>>, %arg8: memref<10008x128xf32, #tpu.memory_space<vmem_shared>>) attributes {dimension_semantics = [#tpu.dimension_semantics<core_parallel>, #tpu.dimension_semantics<subcore_parallel>], iteration_bounds = array<i64: 2, 16>, scalar_prefetch = 0 : i64, scratch_operands = 3 : i64, tpu.core_type = #tpu.core_type<sc_vector_subcore>, window_params = [{transform_indices = #map}, {transform_indices = #map1}, {transform_indices = #map1}, {transform_indices = #map}]} {
    %mul3A = arith.constant 16 : i32
    %mul3A_0 = arith.muli %arg0, %mul3A : i32
    %add3A = arith.addi %mul3A_0, %arg1 : i32
    %lt3A = arith.constant 15 : i32
    %lt3A_1 = arith.cmpi slt, %arg1, %lt3A : i32
    %convert_element_type3A = arith.extui %lt3A_1 : i1 to i32
    %cond3A = arith.constant 0 : i32
    %cond3A_2 = arith.cmpi ne, %convert_element_type3A, %cond3A : i32
    scf.if %cond3A_2 {
      %mul3A_23 = arith.constant 624 : i32
      %mul3A_24 = arith.muli %arg1, %mul3A_23 : i32
      %multiple_of3A = tpu.assume_multiple %mul3A_24, 8 : i32
      "tpu.region"() ({
        %run_scoped3A = tpu.sem_alloc : memref<!tpu.dma_semaphore, #tpu.memory_space<semaphore_mem>>
        %dma_start3A = arith.constant 0 : i32
        %dma_start3A_25 = tpu.memref_slice %arg8[%multiple_of3A, %dma_start3A] : memref<10008x128xf32, #tpu.memory_space<vmem_shared>> -> memref<624x128xf32, #tpu.memory_space<vmem_shared>>
        %dma_start3A_26 = arith.constant 0 : i32
        %dma_start3A_27 = tpu.memref_slice %arg3[%multiple_of3A, %dma_start3A_26] : memref<10000x128xf32, #tpu.memory_space<hbm>> -> memref<624x128xf32, #tpu.memory_space<hbm>>
        tpu.enqueue_dma source(%dma_start3A_27 : memref<624x128xf32, #tpu.memory_space<hbm>>) target(%dma_start3A_25 : memref<624x128xf32, #tpu.memory_space<vmem_shared>>) target_semaphore(%run_scoped3A : memref<!tpu.dma_semaphore, #tpu.memory_space<semaphore_mem>>)
        %dma_wait3A = arith.constant 0 : i32
        %dma_wait3A_28 = tpu.memref_slice %arg8[%multiple_of3A, %dma_wait3A] : memref<10008x128xf32, #tpu.memory_space<vmem_shared>> -> memref<624x128xf32, #tpu.memory_space<vmem_shared>>
        %dma_wait3A_29 = arith.constant 0 : i32
        %dma_wait3A_30 = tpu.memref_slice %arg3[%multiple_of3A, %dma_wait3A_29] : memref<10000x128xf32, #tpu.memory_space<hbm>> -> memref<624x128xf32, #tpu.memory_space<hbm>>
        tpu.wait_dma2 semaphore(%run_scoped3A : memref<!tpu.dma_semaphore, #tpu.memory_space<semaphore_mem>>) src(%dma_wait3A_30 : memref<624x128xf32, #tpu.memory_space<hbm>>) dst(%dma_wait3A_28 : memref<624x128xf32, #tpu.memory_space<vmem_shared>>)
        tpu.yield
      }) : () -> ()
    } else {
    }
    %eq3A = arith.constant 15 : i32
    %eq3A_3 = arith.cmpi eq, %arg1, %eq3A : i32
    %convert_element_type3A_4 = arith.extui %eq3A_3 : i1 to i32
    %cond3A_5 = arith.constant 0 : i32
    %cond3A_6 = arith.cmpi ne, %convert_element_type3A_4, %cond3A_5 : i32
    scf.if %cond3A_6 {
      "tpu.region"() ({
        %run_scoped3A = tpu.sem_alloc : memref<!tpu.dma_semaphore, #tpu.memory_space<semaphore_mem>>
        %dma_start3A = arith.constant 9360 : i32
        %dma_start3A_23 = arith.constant 0 : i32
        %dma_start3A_24 = tpu.memref_slice %arg8[%dma_start3A, %dma_start3A_23] : memref<10008x128xf32, #tpu.memory_space<vmem_shared>> -> memref<640x128xf32, #tpu.memory_space<vmem_shared>>
        %dma_start3A_25 = arith.constant 9360 : i32
        %dma_start3A_26 = arith.constant 0 : i32
        %dma_start3A_27 = tpu.memref_slice %arg3[%dma_start3A_25, %dma_start3A_26] : memref<10000x128xf32, #tpu.memory_space<hbm>> -> memref<640x128xf32, #tpu.memory_space<hbm>>
        tpu.enqueue_dma source(%dma_start3A_27 : memref<640x128xf32, #tpu.memory_space<hbm>>) target(%dma_start3A_24 : memref<640x128xf32, #tpu.memory_space<vmem_shared>>) target_semaphore(%run_scoped3A : memref<!tpu.dma_semaphore, #tpu.memory_space<semaphore_mem>>)
        %dma_wait3A = arith.constant 9360 : i32
        %dma_wait3A_28 = arith.constant 0 : i32
        %dma_wait3A_29 = tpu.memref_slice %arg8[%dma_wait3A, %dma_wait3A_28] : memref<10008x128xf32, #tpu.memory_space<vmem_shared>> -> memref<640x128xf32, #tpu.memory_space<vmem_shared>>
        %dma_wait3A_30 = arith.constant 9360 : i32
        %dma_wait3A_31 = arith.constant 0 : i32
        %dma_wait3A_32 = tpu.memref_slice %arg3[%dma_wait3A_30, %dma_wait3A_31] : memref<10000x128xf32, #tpu.memory_space<hbm>> -> memref<640x128xf32, #tpu.memory_space<hbm>>
        tpu.wait_dma2 semaphore(%run_scoped3A : memref<!tpu.dma_semaphore, #tpu.memory_space<semaphore_mem>>) src(%dma_wait3A_32 : memref<640x128xf32, #tpu.memory_space<hbm>>) dst(%dma_wait3A_29 : memref<640x128xf32, #tpu.memory_space<vmem_shared>>)
        tpu.yield
      }) : () -> ()
    } else {
    }
    "tpu.region"() ({
      %run_scoped3A = tpu.sem_alloc : memref<!tpu.dma_semaphore, #tpu.memory_space<semaphore_mem>>
      tpu.enqueue_dma source(%arg4 : memref<128x128xf32, #tpu.memory_space<hbm>>) target(%arg7 : memref<128x128xf32, #tpu.memory_space<vmem>>) target_semaphore(%run_scoped3A : memref<!tpu.dma_semaphore, #tpu.memory_space<semaphore_mem>>)
      tpu.wait_dma2 semaphore(%run_scoped3A : memref<!tpu.dma_semaphore, #tpu.memory_space<semaphore_mem>>) src(%arg4 : memref<128x128xf32, #tpu.memory_space<hbm>>) dst(%arg7 : memref<128x128xf32, #tpu.memory_space<vmem>>)
      tpu.yield
    }) : () -> ()
    "tpu.region"() ({
      %run_scoped3A = tpu.sem_alloc : memref<!tpu.dma_semaphore, #tpu.memory_space<semaphore_mem>>
      %dma_start3A = arith.constant 0 : i32
      %dma_start3A_23 = arith.constant 0 : i32
      %dma_start3A_24 = tpu.memref_slice %arg2[%add3A, %dma_start3A, %dma_start3A_23] : memref<32x79x128xi32, #tpu.memory_space<hbm>> -> memref<1x79x128xi32, #tpu.memory_space<hbm>>
      %dma_start3A_25 = tpu.memref_squeeze %dma_start3A_24 : memref<1x79x128xi32, #tpu.memory_space<hbm>> -> memref<79x128xi32, #tpu.memory_space<hbm>>
      %dma_start3A_26 = arith.constant 0 : i32
      %dma_start3A_27 = arith.constant 0 : i32
      %dma_start3A_28 = tpu.memref_slice %arg2[%add3A, %dma_start3A_26, %dma_start3A_27] : memref<32x79x128xi32, #tpu.memory_space<hbm>> -> memref<1x79x128xi32, #tpu.memory_space<hbm>>
      %dma_start3A_29 = tpu.memref_squeeze %dma_start3A_28 : memref<1x79x128xi32, #tpu.memory_space<hbm>> -> memref<79x128xi32, #tpu.memory_space<hbm>>
      tpu.enqueue_dma source(%dma_start3A_29 : memref<79x128xi32, #tpu.memory_space<hbm>>) target(%arg6 : memref<79x128xi32, #tpu.memory_space<vmem>>) target_semaphore(%run_scoped3A : memref<!tpu.dma_semaphore, #tpu.memory_space<semaphore_mem>>)
      %dma_wait3A = arith.constant 0 : i32
      %dma_wait3A_30 = arith.constant 0 : i32
      %dma_wait3A_31 = tpu.memref_slice %arg2[%add3A, %dma_wait3A, %dma_wait3A_30] : memref<32x79x128xi32, #tpu.memory_space<hbm>> -> memref<1x79x128xi32, #tpu.memory_space<hbm>>
      %dma_wait3A_32 = tpu.memref_squeeze %dma_wait3A_31 : memref<1x79x128xi32, #tpu.memory_space<hbm>> -> memref<79x128xi32, #tpu.memory_space<hbm>>
      %dma_wait3A_33 = arith.constant 0 : i32
      %dma_wait3A_34 = arith.constant 0 : i32
      %dma_wait3A_35 = tpu.memref_slice %arg2[%add3A, %dma_wait3A_33, %dma_wait3A_34] : memref<32x79x128xi32, #tpu.memory_space<hbm>> -> memref<1x79x128xi32, #tpu.memory_space<hbm>>
      %dma_wait3A_36 = tpu.memref_squeeze %dma_wait3A_35 : memref<1x79x128xi32, #tpu.memory_space<hbm>> -> memref<79x128xi32, #tpu.memory_space<hbm>>
      tpu.wait_dma2 semaphore(%run_scoped3A : memref<!tpu.dma_semaphore, #tpu.memory_space<semaphore_mem>>) src(%dma_wait3A_36 : memref<79x128xi32, #tpu.memory_space<hbm>>) dst(%arg6 : memref<79x128xi32, #tpu.memory_space<vmem>>)
      tpu.yield
    }) : () -> ()
    %barrier3A = arith.constant 0 : index
    tpu.barrier barrier_id(%barrier3A)
    %scan3A = arith.constant 0 : i32
    %scan3A_7 = arith.constant 0 : i32
    %scan3A_8 = arith.constant 79 : i32
    %scan3A_9 = arith.addi %scan3A_7, %scan3A_8 : i32
    %scan3A_10 = arith.constant 1 : i32
    scf.for %scan3A_23 = %scan3A_7 to %scan3A_9 step %scan3A_10  : i32 {
      "tpu.region"() ({
        %run_scoped3A = tpu.sem_alloc : memref<!tpu.dma_semaphore, #tpu.memory_space<semaphore_mem>>
        %dma_start3A = arith.constant 0 : i32
        %dma_start3A_24 = tpu.memref_slice %arg6[%scan3A_23, %dma_start3A] : memref<79x128xi32, #tpu.memory_space<vmem>> -> memref<1x128xi32, #tpu.memory_space<vmem>>
        %dma_start3A_25 = tpu.memref_squeeze %dma_start3A_24 : memref<1x128xi32, #tpu.memory_space<vmem>> -> memref<128xi32, #tpu.memory_space<vmem>>
        %dma_start3A_26 = arith.constant 0 : i32
        %dma_start3A_27 = arith.constant 0 : i32
        %dma_start3A_28 = tpu.memref_slice %arg8[%dma_start3A_26, %dma_start3A_27] : memref<10008x128xf32, #tpu.memory_space<vmem_shared>> -> memref<10008x128xf32, #tpu.memory_space<vmem_shared>>
        tpu.enqueue_indirect_dma source(%arg7 : memref<128x128xf32, #tpu.memory_space<vmem>>) target(%dma_start3A_28 : memref<10008x128xf32, #tpu.memory_space<vmem_shared>>) offsets(%dma_start3A_25 : memref<128xi32, #tpu.memory_space<vmem>>) semaphore(%run_scoped3A : memref<!tpu.dma_semaphore, #tpu.memory_space<semaphore_mem>>) {add = true}
        %dma_wait3A = arith.constant 0 : i32
        %dma_wait3A_29 = tpu.memref_slice %arg6[%scan3A_23, %dma_wait3A] : memref<79x128xi32, #tpu.memory_space<vmem>> -> memref<1x128xi32, #tpu.memory_space<vmem>>
        %dma_wait3A_30 = tpu.memref_squeeze %dma_wait3A_29 : memref<1x128xi32, #tpu.memory_space<vmem>> -> memref<128xi32, #tpu.memory_space<vmem>>
        %dma_wait3A_31 = arith.constant 0 : i32
        %dma_wait3A_32 = arith.constant 0 : i32
        %dma_wait3A_33 = tpu.memref_slice %arg8[%dma_wait3A_31, %dma_wait3A_32] : memref<10008x128xf32, #tpu.memory_space<vmem_shared>> -> memref<10008x128xf32, #tpu.memory_space<vmem_shared>>
        tpu.wait_indirect_dma semaphore(%run_scoped3A : memref<!tpu.dma_semaphore, #tpu.memory_space<semaphore_mem>>) src(%arg7 : memref<128x128xf32, #tpu.memory_space<vmem>>) dst(%dma_wait3A_33 : memref<10008x128xf32, #tpu.memory_space<vmem_shared>>)
        tpu.yield
      }) : () -> ()
    }
    %scan3A_11 = arith.constant 79 : i32
    %barrier3A_12 = arith.constant 0 : index
    tpu.barrier barrier_id(%barrier3A_12)
    %lt3A_13 = arith.constant 15 : i32
    %lt3A_14 = arith.cmpi slt, %arg1, %lt3A_13 : i32
    %convert_element_type3A_15 = arith.extui %lt3A_14 : i1 to i32
    %cond3A_16 = arith.constant 0 : i32
    %cond3A_17 = arith.cmpi ne, %convert_element_type3A_15, %cond3A_16 : i32
    scf.if %cond3A_17 {
      %mul3A_23 = arith.constant 624 : i32
      %mul3A_24 = arith.muli %arg1, %mul3A_23 : i32
      %multiple_of3A = tpu.assume_multiple %mul3A_24, 8 : i32
      "tpu.region"() ({
        %run_scoped3A = tpu.sem_alloc : memref<!tpu.dma_semaphore, #tpu.memory_space<semaphore_mem>>
        %dma_start3A = arith.constant 0 : i32
        %dma_start3A_25 = tpu.memref_slice %arg5[%arg0, %multiple_of3A, %dma_start3A] : memref<2x10000x128xf32, #tpu.memory_space<hbm>> -> memref<1x624x128xf32, #tpu.memory_space<hbm>>
        %dma_start3A_26 = tpu.memref_squeeze %dma_start3A_25 : memref<1x624x128xf32, #tpu.memory_space<hbm>> -> memref<624x128xf32, #tpu.memory_space<hbm>>
        %dma_start3A_27 = arith.constant 0 : i32
        %dma_start3A_28 = tpu.memref_slice %arg8[%multiple_of3A, %dma_start3A_27] : memref<10008x128xf32, #tpu.memory_space<vmem_shared>> -> memref<624x128xf32, #tpu.memory_space<vmem_shared>>
        tpu.enqueue_dma source(%dma_start3A_28 : memref<624x128xf32, #tpu.memory_space<vmem_shared>>) target(%dma_start3A_26 : memref<624x128xf32, #tpu.memory_space<hbm>>) target_semaphore(%run_scoped3A : memref<!tpu.dma_semaphore, #tpu.memory_space<semaphore_mem>>)
        %dma_wait3A = arith.constant 0 : i32
        %dma_wait3A_29 = tpu.memref_slice %arg5[%arg0, %multiple_of3A, %dma_wait3A] : memref<2x10000x128xf32, #tpu.memory_space<hbm>> -> memref<1x624x128xf32, #tpu.memory_space<hbm>>
        %dma_wait3A_30 = tpu.memref_squeeze %dma_wait3A_29 : memref<1x624x128xf32, #tpu.memory_space<hbm>> -> memref<624x128xf32, #tpu.memory_space<hbm>>
        %dma_wait3A_31 = arith.constant 0 : i32
        %dma_wait3A_32 = tpu.memref_slice %arg8[%multiple_of3A, %dma_wait3A_31] : memref<10008x128xf32, #tpu.memory_space<vmem_shared>> -> memref<624x128xf32, #tpu.memory_space<vmem_shared>>
        tpu.wait_dma2 semaphore(%run_scoped3A : memref<!tpu.dma_semaphore, #tpu.memory_space<semaphore_mem>>) src(%dma_wait3A_32 : memref<624x128xf32, #tpu.memory_space<vmem_shared>>) dst(%dma_wait3A_30 : memref<624x128xf32, #tpu.memory_space<hbm>>)
        tpu.yield
      }) : () -> ()
    } else {
    }
    %eq3A_18 = arith.constant 15 : i32
    %eq3A_19 = arith.cmpi eq, %arg1, %eq3A_18 : i32
    %convert_element_type3A_20 = arith.extui %eq3A_19 : i1 to i32
    %cond3A_21 = arith.constant 0 : i32
    %cond3A_22 = arith.cmpi ne, %convert_element_type3A_20, %cond3A_21 : i32
    scf.if %cond3A_22 {
      "tpu.region"() ({
        %run_scoped3A = tpu.sem_alloc : memref<!tpu.dma_semaphore, #tpu.memory_space<semaphore_mem>>
        %dma_start3A = arith.constant 9360 : i32
        %dma_start3A_23 = arith.constant 0 : i32
        %dma_start3A_24 = tpu.memref_slice %arg5[%arg0, %dma_start3A, %dma_start3A_23] : memref<2x10000x128xf32, #tpu.memory_space<hbm>> -> memref<1x640x128xf32, #tpu.memory_space<hbm>>
        %dma_start3A_25 = tpu.memref_squeeze %dma_start3A_24 : memref<1x640x128xf32, #tpu.memory_space<hbm>> -> memref<640x128xf32, #tpu.memory_space<hbm>>
        %dma_start3A_26 = arith.constant 9360 : i32
        %dma_start3A_27 = arith.constant 0 : i32
        %dma_start3A_28 = tpu.memref_slice %arg8[%dma_start3A_26, %dma_start3A_27] : memref<10008x128xf32, #tpu.memory_space<vmem_shared>> -> memref<640x128xf32, #tpu.memory_space<vmem_shared>>
        tpu.enqueue_dma source(%dma_start3A_28 : memref<640x128xf32, #tpu.memory_space<vmem_shared>>) target(%dma_start3A_25 : memref<640x128xf32, #tpu.memory_space<hbm>>) target_semaphore(%run_scoped3A : memref<!tpu.dma_semaphore, #tpu.memory_space<semaphore_mem>>)
        %dma_wait3A = arith.constant 9360 : i32
        %dma_wait3A_29 = arith.constant 0 : i32
        %dma_wait3A_30 = tpu.memref_slice %arg5[%arg0, %dma_wait3A, %dma_wait3A_29] : memref<2x10000x128xf32, #tpu.memory_space<hbm>> -> memref<1x640x128xf32, #tpu.memory_space<hbm>>
        %dma_wait3A_31 = tpu.memref_squeeze %dma_wait3A_30 : memref<1x640x128xf32, #tpu.memory_space<hbm>> -> memref<640x128xf32, #tpu.memory_space<hbm>>
        %dma_wait3A_32 = arith.constant 9360 : i32
        %dma_wait3A_33 = arith.constant 0 : i32
        %dma_wait3A_34 = tpu.memref_slice %arg8[%dma_wait3A_32, %dma_wait3A_33] : memref<10008x128xf32, #tpu.memory_space<vmem_shared>> -> memref<640x128xf32, #tpu.memory_space<vmem_shared>>
        tpu.wait_dma2 semaphore(%run_scoped3A : memref<!tpu.dma_semaphore, #tpu.memory_space<semaphore_mem>>) src(%dma_wait3A_34 : memref<640x128xf32, #tpu.memory_space<vmem_shared>>) dst(%dma_wait3A_31 : memref<640x128xf32, #tpu.memory_space<hbm>>)
        tpu.yield
      }) : () -> ()
    } else {
    }
    return
  }
}

#map = affine_map<(d0, d1) -> (0)>
#map1 = affine_map<(d0, d1) -> (0, 0)>
#map2 = affine_map<(d0, d1) -> (0, 0, 0)>
module attributes {stable_mosaic.version = 14 : i64} {
  func.func @_edge_body(%arg0: i32, %arg1: i32, %arg2: memref<323584xi32, #tpu.memory_space<hbm>>, %arg3: memref<323584xi32, #tpu.memory_space<hbm>>, %arg4: memref<10000x128xf32, #tpu.memory_space<hbm>>, %arg5: memref<10000x128xf32, #tpu.memory_space<hbm>>, %arg6: memref<2x10000x128xf32, #tpu.memory_space<hbm>>, %arg7: memref<128xi32, #tpu.memory_space<vmem>>, %arg8: memref<128xi32, #tpu.memory_space<vmem>>, %arg9: memref<128x128xf32, #tpu.memory_space<vmem>>, %arg10: memref<10008x128xf32, #tpu.memory_space<vmem_shared>>, %arg11: memref<!tpu.dma_semaphore, #tpu.memory_space<semaphore_mem>>) attributes {dimension_semantics = [#tpu.dimension_semantics<core_parallel>, #tpu.dimension_semantics<subcore_parallel>], iteration_bounds = array<i64: 2, 16>, scalar_prefetch = 0 : i64, scratch_operands = 5 : i64, tpu.core_type = #tpu.core_type<sc_vector_subcore>, window_params = [{transform_indices = #map}, {transform_indices = #map}, {transform_indices = #map1}, {transform_indices = #map1}, {transform_indices = #map2}]} {
    %mul3A = arith.constant 16 : i32
    %mul3A_0 = arith.muli %arg0, %mul3A : i32
    %add3A = arith.addi %mul3A_0, %arg1 : i32
    %eq3A = arith.constant 0 : i32
    %eq3A_1 = arith.cmpi eq, %arg0, %eq3A : i32
    %convert_element_type3A = arith.extui %eq3A_1 : i1 to i32
    %cond3A = arith.constant 0 : i32
    %cond3A_2 = arith.cmpi ne, %convert_element_type3A, %cond3A : i32
    scf.if %cond3A_2 {
      %lt3A_25 = arith.constant 15 : i32
      %lt3A_26 = arith.cmpi slt, %arg1, %lt3A_25 : i32
      %convert_element_type3A_27 = arith.extui %lt3A_26 : i1 to i32
      %cond3A_28 = arith.constant 0 : i32
      %cond3A_29 = arith.cmpi ne, %convert_element_type3A_27, %cond3A_28 : i32
      scf.if %cond3A_29 {
        %mul3A_35 = arith.constant 624 : i32
        %mul3A_36 = arith.muli %arg1, %mul3A_35 : i32
        %multiple_of3A = tpu.assume_multiple %mul3A_36, 8 : i32
        "tpu.region"() ({
          %run_scoped3A = tpu.sem_alloc : memref<!tpu.dma_semaphore, #tpu.memory_space<semaphore_mem>>
          %dma_start3A = arith.constant 0 : i32
          %dma_start3A_37 = tpu.memref_slice %arg10[%multiple_of3A, %dma_start3A] : memref<10008x128xf32, #tpu.memory_space<vmem_shared>> -> memref<624x128xf32, #tpu.memory_space<vmem_shared>>
          %dma_start3A_38 = arith.constant 0 : i32
          %dma_start3A_39 = tpu.memref_slice %arg4[%multiple_of3A, %dma_start3A_38] : memref<10000x128xf32, #tpu.memory_space<hbm>> -> memref<624x128xf32, #tpu.memory_space<hbm>>
          tpu.enqueue_dma source(%dma_start3A_39 : memref<624x128xf32, #tpu.memory_space<hbm>>) target(%dma_start3A_37 : memref<624x128xf32, #tpu.memory_space<vmem_shared>>) target_semaphore(%run_scoped3A : memref<!tpu.dma_semaphore, #tpu.memory_space<semaphore_mem>>)
          %dma_wait3A = arith.constant 0 : i32
          %dma_wait3A_40 = tpu.memref_slice %arg10[%multiple_of3A, %dma_wait3A] : memref<10008x128xf32, #tpu.memory_space<vmem_shared>> -> memref<624x128xf32, #tpu.memory_space<vmem_shared>>
          %dma_wait3A_41 = arith.constant 0 : i32
          %dma_wait3A_42 = tpu.memref_slice %arg4[%multiple_of3A, %dma_wait3A_41] : memref<10000x128xf32, #tpu.memory_space<hbm>> -> memref<624x128xf32, #tpu.memory_space<hbm>>
          tpu.wait_dma2 semaphore(%run_scoped3A : memref<!tpu.dma_semaphore, #tpu.memory_space<semaphore_mem>>) src(%dma_wait3A_42 : memref<624x128xf32, #tpu.memory_space<hbm>>) dst(%dma_wait3A_40 : memref<624x128xf32, #tpu.memory_space<vmem_shared>>)
          tpu.yield
        }) : () -> ()
      } else {
      }
      %eq3A_30 = arith.constant 15 : i32
      %eq3A_31 = arith.cmpi eq, %arg1, %eq3A_30 : i32
      %convert_element_type3A_32 = arith.extui %eq3A_31 : i1 to i32
      %cond3A_33 = arith.constant 0 : i32
      %cond3A_34 = arith.cmpi ne, %convert_element_type3A_32, %cond3A_33 : i32
      scf.if %cond3A_34 {
        "tpu.region"() ({
          %run_scoped3A = tpu.sem_alloc : memref<!tpu.dma_semaphore, #tpu.memory_space<semaphore_mem>>
          %dma_start3A = arith.constant 9360 : i32
          %dma_start3A_35 = arith.constant 0 : i32
          %dma_start3A_36 = tpu.memref_slice %arg10[%dma_start3A, %dma_start3A_35] : memref<10008x128xf32, #tpu.memory_space<vmem_shared>> -> memref<640x128xf32, #tpu.memory_space<vmem_shared>>
          %dma_start3A_37 = arith.constant 9360 : i32
          %dma_start3A_38 = arith.constant 0 : i32
          %dma_start3A_39 = tpu.memref_slice %arg4[%dma_start3A_37, %dma_start3A_38] : memref<10000x128xf32, #tpu.memory_space<hbm>> -> memref<640x128xf32, #tpu.memory_space<hbm>>
          tpu.enqueue_dma source(%dma_start3A_39 : memref<640x128xf32, #tpu.memory_space<hbm>>) target(%dma_start3A_36 : memref<640x128xf32, #tpu.memory_space<vmem_shared>>) target_semaphore(%run_scoped3A : memref<!tpu.dma_semaphore, #tpu.memory_space<semaphore_mem>>)
          %dma_wait3A = arith.constant 9360 : i32
          %dma_wait3A_40 = arith.constant 0 : i32
          %dma_wait3A_41 = tpu.memref_slice %arg10[%dma_wait3A, %dma_wait3A_40] : memref<10008x128xf32, #tpu.memory_space<vmem_shared>> -> memref<640x128xf32, #tpu.memory_space<vmem_shared>>
          %dma_wait3A_42 = arith.constant 9360 : i32
          %dma_wait3A_43 = arith.constant 0 : i32
          %dma_wait3A_44 = tpu.memref_slice %arg4[%dma_wait3A_42, %dma_wait3A_43] : memref<10000x128xf32, #tpu.memory_space<hbm>> -> memref<640x128xf32, #tpu.memory_space<hbm>>
          tpu.wait_dma2 semaphore(%run_scoped3A : memref<!tpu.dma_semaphore, #tpu.memory_space<semaphore_mem>>) src(%dma_wait3A_44 : memref<640x128xf32, #tpu.memory_space<hbm>>) dst(%dma_wait3A_41 : memref<640x128xf32, #tpu.memory_space<vmem_shared>>)
          tpu.yield
        }) : () -> ()
      } else {
      }
    } else {
    }
    %eq3A_3 = arith.constant 1 : i32
    %eq3A_4 = arith.cmpi eq, %arg0, %eq3A_3 : i32
    %convert_element_type3A_5 = arith.extui %eq3A_4 : i1 to i32
    %cond3A_6 = arith.constant 0 : i32
    %cond3A_7 = arith.cmpi ne, %convert_element_type3A_5, %cond3A_6 : i32
    scf.if %cond3A_7 {
      %lt3A_25 = arith.constant 15 : i32
      %lt3A_26 = arith.cmpi slt, %arg1, %lt3A_25 : i32
      %convert_element_type3A_27 = arith.extui %lt3A_26 : i1 to i32
      %cond3A_28 = arith.constant 0 : i32
      %cond3A_29 = arith.cmpi ne, %convert_element_type3A_27, %cond3A_28 : i32
      scf.if %cond3A_29 {
        %mul3A_35 = arith.constant 624 : i32
        %mul3A_36 = arith.muli %arg1, %mul3A_35 : i32
        %multiple_of3A = tpu.assume_multiple %mul3A_36, 8 : i32
        "tpu.region"() ({
          %run_scoped3A = tpu.sem_alloc : memref<!tpu.dma_semaphore, #tpu.memory_space<semaphore_mem>>
          %dma_start3A = arith.constant 0 : i32
          %dma_start3A_37 = tpu.memref_slice %arg10[%multiple_of3A, %dma_start3A] : memref<10008x128xf32, #tpu.memory_space<vmem_shared>> -> memref<624x128xf32, #tpu.memory_space<vmem_shared>>
          %dma_start3A_38 = arith.constant 0 : i32
          %dma_start3A_39 = tpu.memref_slice %arg5[%multiple_of3A, %dma_start3A_38] : memref<10000x128xf32, #tpu.memory_space<hbm>> -> memref<624x128xf32, #tpu.memory_space<hbm>>
          tpu.enqueue_dma source(%dma_start3A_39 : memref<624x128xf32, #tpu.memory_space<hbm>>) target(%dma_start3A_37 : memref<624x128xf32, #tpu.memory_space<vmem_shared>>) target_semaphore(%run_scoped3A : memref<!tpu.dma_semaphore, #tpu.memory_space<semaphore_mem>>)
          %dma_wait3A = arith.constant 0 : i32
          %dma_wait3A_40 = tpu.memref_slice %arg10[%multiple_of3A, %dma_wait3A] : memref<10008x128xf32, #tpu.memory_space<vmem_shared>> -> memref<624x128xf32, #tpu.memory_space<vmem_shared>>
          %dma_wait3A_41 = arith.constant 0 : i32
          %dma_wait3A_42 = tpu.memref_slice %arg5[%multiple_of3A, %dma_wait3A_41] : memref<10000x128xf32, #tpu.memory_space<hbm>> -> memref<624x128xf32, #tpu.memory_space<hbm>>
          tpu.wait_dma2 semaphore(%run_scoped3A : memref<!tpu.dma_semaphore, #tpu.memory_space<semaphore_mem>>) src(%dma_wait3A_42 : memref<624x128xf32, #tpu.memory_space<hbm>>) dst(%dma_wait3A_40 : memref<624x128xf32, #tpu.memory_space<vmem_shared>>)
          tpu.yield
        }) : () -> ()
      } else {
      }
      %eq3A_30 = arith.constant 15 : i32
      %eq3A_31 = arith.cmpi eq, %arg1, %eq3A_30 : i32
      %convert_element_type3A_32 = arith.extui %eq3A_31 : i1 to i32
      %cond3A_33 = arith.constant 0 : i32
      %cond3A_34 = arith.cmpi ne, %convert_element_type3A_32, %cond3A_33 : i32
      scf.if %cond3A_34 {
        "tpu.region"() ({
          %run_scoped3A = tpu.sem_alloc : memref<!tpu.dma_semaphore, #tpu.memory_space<semaphore_mem>>
          %dma_start3A = arith.constant 9360 : i32
          %dma_start3A_35 = arith.constant 0 : i32
          %dma_start3A_36 = tpu.memref_slice %arg10[%dma_start3A, %dma_start3A_35] : memref<10008x128xf32, #tpu.memory_space<vmem_shared>> -> memref<640x128xf32, #tpu.memory_space<vmem_shared>>
          %dma_start3A_37 = arith.constant 9360 : i32
          %dma_start3A_38 = arith.constant 0 : i32
          %dma_start3A_39 = tpu.memref_slice %arg5[%dma_start3A_37, %dma_start3A_38] : memref<10000x128xf32, #tpu.memory_space<hbm>> -> memref<640x128xf32, #tpu.memory_space<hbm>>
          tpu.enqueue_dma source(%dma_start3A_39 : memref<640x128xf32, #tpu.memory_space<hbm>>) target(%dma_start3A_36 : memref<640x128xf32, #tpu.memory_space<vmem_shared>>) target_semaphore(%run_scoped3A : memref<!tpu.dma_semaphore, #tpu.memory_space<semaphore_mem>>)
          %dma_wait3A = arith.constant 9360 : i32
          %dma_wait3A_40 = arith.constant 0 : i32
          %dma_wait3A_41 = tpu.memref_slice %arg10[%dma_wait3A, %dma_wait3A_40] : memref<10008x128xf32, #tpu.memory_space<vmem_shared>> -> memref<640x128xf32, #tpu.memory_space<vmem_shared>>
          %dma_wait3A_42 = arith.constant 9360 : i32
          %dma_wait3A_43 = arith.constant 0 : i32
          %dma_wait3A_44 = tpu.memref_slice %arg5[%dma_wait3A_42, %dma_wait3A_43] : memref<10000x128xf32, #tpu.memory_space<hbm>> -> memref<640x128xf32, #tpu.memory_space<hbm>>
          tpu.wait_dma2 semaphore(%run_scoped3A : memref<!tpu.dma_semaphore, #tpu.memory_space<semaphore_mem>>) src(%dma_wait3A_44 : memref<640x128xf32, #tpu.memory_space<hbm>>) dst(%dma_wait3A_41 : memref<640x128xf32, #tpu.memory_space<vmem_shared>>)
          tpu.yield
        }) : () -> ()
      } else {
      }
    } else {
    }
    %barrier3A = arith.constant 0 : index
    tpu.barrier barrier_id(%barrier3A)
    %mul3A_8 = arith.constant 10112 : i32
    %mul3A_9 = arith.muli %add3A, %mul3A_8 : i32
    %scan3A = arith.constant 0 : i32
    %scan3A_10 = arith.constant 0 : i32
    %scan3A_11 = arith.constant 79 : i32
    %scan3A_12 = arith.addi %scan3A_10, %scan3A_11 : i32
    %scan3A_13 = arith.constant 1 : i32
    scf.for %scan3A_25 = %scan3A_10 to %scan3A_12 step %scan3A_13  : i32 {
      %mul3A_26 = arith.constant 128 : i32
      %mul3A_27 = arith.muli %scan3A_25, %mul3A_26 : i32
      %add3A_28 = arith.addi %mul3A_9, %mul3A_27 : i32
      %multiple_of3A = tpu.assume_multiple %add3A_28, 128 : i32
      "tpu.region"() ({
        %run_scoped3A = tpu.sem_alloc : memref<!tpu.dma_semaphore, #tpu.memory_space<semaphore_mem>>
        %dma_start3A_33 = tpu.memref_slice %arg2[%multiple_of3A] : memref<323584xi32, #tpu.memory_space<hbm>> -> memref<128xi32, #tpu.memory_space<hbm>>
        %dma_start3A_34 = tpu.memref_slice %arg2[%multiple_of3A] : memref<323584xi32, #tpu.memory_space<hbm>> -> memref<128xi32, #tpu.memory_space<hbm>>
        tpu.enqueue_dma source(%dma_start3A_34 : memref<128xi32, #tpu.memory_space<hbm>>) target(%arg7 : memref<128xi32, #tpu.memory_space<vmem>>) target_semaphore(%run_scoped3A : memref<!tpu.dma_semaphore, #tpu.memory_space<semaphore_mem>>)
        %dma_wait3A_35 = tpu.memref_slice %arg2[%multiple_of3A] : memref<323584xi32, #tpu.memory_space<hbm>> -> memref<128xi32, #tpu.memory_space<hbm>>
        %dma_wait3A_36 = tpu.memref_slice %arg2[%multiple_of3A] : memref<323584xi32, #tpu.memory_space<hbm>> -> memref<128xi32, #tpu.memory_space<hbm>>
        tpu.wait_dma2 semaphore(%run_scoped3A : memref<!tpu.dma_semaphore, #tpu.memory_space<semaphore_mem>>) src(%dma_wait3A_36 : memref<128xi32, #tpu.memory_space<hbm>>) dst(%arg7 : memref<128xi32, #tpu.memory_space<vmem>>)
        tpu.yield
      }) : () -> ()
      "tpu.region"() ({
        %run_scoped3A = tpu.sem_alloc : memref<!tpu.dma_semaphore, #tpu.memory_space<semaphore_mem>>
        %dma_start3A_33 = tpu.memref_slice %arg3[%multiple_of3A] : memref<323584xi32, #tpu.memory_space<hbm>> -> memref<128xi32, #tpu.memory_space<hbm>>
        %dma_start3A_34 = tpu.memref_slice %arg3[%multiple_of3A] : memref<323584xi32, #tpu.memory_space<hbm>> -> memref<128xi32, #tpu.memory_space<hbm>>
        tpu.enqueue_dma source(%dma_start3A_34 : memref<128xi32, #tpu.memory_space<hbm>>) target(%arg8 : memref<128xi32, #tpu.memory_space<vmem>>) target_semaphore(%run_scoped3A : memref<!tpu.dma_semaphore, #tpu.memory_space<semaphore_mem>>)
        %dma_wait3A_35 = tpu.memref_slice %arg3[%multiple_of3A] : memref<323584xi32, #tpu.memory_space<hbm>> -> memref<128xi32, #tpu.memory_space<hbm>>
        %dma_wait3A_36 = tpu.memref_slice %arg3[%multiple_of3A] : memref<323584xi32, #tpu.memory_space<hbm>> -> memref<128xi32, #tpu.memory_space<hbm>>
        tpu.wait_dma2 semaphore(%run_scoped3A : memref<!tpu.dma_semaphore, #tpu.memory_space<semaphore_mem>>) src(%dma_wait3A_36 : memref<128xi32, #tpu.memory_space<hbm>>) dst(%arg8 : memref<128xi32, #tpu.memory_space<vmem>>)
        tpu.yield
      }) : () -> ()
      %dma_start3A = arith.constant 0 : i32
      %dma_start3A_29 = arith.constant 0 : i32
      %dma_start3A_30 = tpu.memref_slice %arg4[%dma_start3A, %dma_start3A_29] : memref<10000x128xf32, #tpu.memory_space<hbm>> -> memref<10000x128xf32, #tpu.memory_space<hbm>>
      tpu.enqueue_indirect_dma source(%dma_start3A_30 : memref<10000x128xf32, #tpu.memory_space<hbm>>) target(%arg9 : memref<128x128xf32, #tpu.memory_space<vmem>>) offsets(%arg7 : memref<128xi32, #tpu.memory_space<vmem>>) semaphore(%arg11 : memref<!tpu.dma_semaphore, #tpu.memory_space<semaphore_mem>>)
      %dma_wait3A = arith.constant 0 : i32
      %dma_wait3A_31 = arith.constant 0 : i32
      %dma_wait3A_32 = tpu.memref_slice %arg4[%dma_wait3A, %dma_wait3A_31] : memref<10000x128xf32, #tpu.memory_space<hbm>> -> memref<10000x128xf32, #tpu.memory_space<hbm>>
      tpu.wait_indirect_dma semaphore(%arg11 : memref<!tpu.dma_semaphore, #tpu.memory_space<semaphore_mem>>) src(%dma_wait3A_32 : memref<10000x128xf32, #tpu.memory_space<hbm>>) dst(%arg9 : memref<128x128xf32, #tpu.memory_space<vmem>>)
      "tpu.region"() ({
        %run_scoped3A = tpu.sem_alloc : memref<!tpu.dma_semaphore, #tpu.memory_space<semaphore_mem>>
        %dma_start3A_33 = arith.constant 0 : i32
        %dma_start3A_34 = arith.constant 0 : i32
        %dma_start3A_35 = tpu.memref_slice %arg10[%dma_start3A_33, %dma_start3A_34] : memref<10008x128xf32, #tpu.memory_space<vmem_shared>> -> memref<10008x128xf32, #tpu.memory_space<vmem_shared>>
        tpu.enqueue_indirect_dma source(%arg9 : memref<128x128xf32, #tpu.memory_space<vmem>>) target(%dma_start3A_35 : memref<10008x128xf32, #tpu.memory_space<vmem_shared>>) offsets(%arg8 : memref<128xi32, #tpu.memory_space<vmem>>) semaphore(%run_scoped3A : memref<!tpu.dma_semaphore, #tpu.memory_space<semaphore_mem>>) {add = true}
        %dma_wait3A_36 = arith.constant 0 : i32
        %dma_wait3A_37 = arith.constant 0 : i32
        %dma_wait3A_38 = tpu.memref_slice %arg10[%dma_wait3A_36, %dma_wait3A_37] : memref<10008x128xf32, #tpu.memory_space<vmem_shared>> -> memref<10008x128xf32, #tpu.memory_space<vmem_shared>>
        tpu.wait_indirect_dma semaphore(%run_scoped3A : memref<!tpu.dma_semaphore, #tpu.memory_space<semaphore_mem>>) src(%arg9 : memref<128x128xf32, #tpu.memory_space<vmem>>) dst(%dma_wait3A_38 : memref<10008x128xf32, #tpu.memory_space<vmem_shared>>)
        tpu.yield
      }) : () -> ()
    }
    %scan3A_14 = arith.constant 79 : i32
    %barrier3A_15 = arith.constant 0 : index
    tpu.barrier barrier_id(%barrier3A_15)
    %lt3A = arith.constant 15 : i32
    %lt3A_16 = arith.cmpi slt, %arg1, %lt3A : i32
    %convert_element_type3A_17 = arith.extui %lt3A_16 : i1 to i32
    %cond3A_18 = arith.constant 0 : i32
    %cond3A_19 = arith.cmpi ne, %convert_element_type3A_17, %cond3A_18 : i32
    scf.if %cond3A_19 {
      %mul3A_25 = arith.constant 624 : i32
      %mul3A_26 = arith.muli %arg1, %mul3A_25 : i32
      %multiple_of3A = tpu.assume_multiple %mul3A_26, 8 : i32
      "tpu.region"() ({
        %run_scoped3A = tpu.sem_alloc : memref<!tpu.dma_semaphore, #tpu.memory_space<semaphore_mem>>
        %dma_start3A = arith.constant 0 : i32
        %dma_start3A_27 = tpu.memref_slice %arg6[%arg0, %multiple_of3A, %dma_start3A] : memref<2x10000x128xf32, #tpu.memory_space<hbm>> -> memref<1x624x128xf32, #tpu.memory_space<hbm>>
        %dma_start3A_28 = tpu.memref_squeeze %dma_start3A_27 : memref<1x624x128xf32, #tpu.memory_space<hbm>> -> memref<624x128xf32, #tpu.memory_space<hbm>>
        %dma_start3A_29 = arith.constant 0 : i32
        %dma_start3A_30 = tpu.memref_slice %arg10[%multiple_of3A, %dma_start3A_29] : memref<10008x128xf32, #tpu.memory_space<vmem_shared>> -> memref<624x128xf32, #tpu.memory_space<vmem_shared>>
        tpu.enqueue_dma source(%dma_start3A_30 : memref<624x128xf32, #tpu.memory_space<vmem_shared>>) target(%dma_start3A_28 : memref<624x128xf32, #tpu.memory_space<hbm>>) target_semaphore(%run_scoped3A : memref<!tpu.dma_semaphore, #tpu.memory_space<semaphore_mem>>)
        %dma_wait3A = arith.constant 0 : i32
        %dma_wait3A_31 = tpu.memref_slice %arg6[%arg0, %multiple_of3A, %dma_wait3A] : memref<2x10000x128xf32, #tpu.memory_space<hbm>> -> memref<1x624x128xf32, #tpu.memory_space<hbm>>
        %dma_wait3A_32 = tpu.memref_squeeze %dma_wait3A_31 : memref<1x624x128xf32, #tpu.memory_space<hbm>> -> memref<624x128xf32, #tpu.memory_space<hbm>>
        %dma_wait3A_33 = arith.constant 0 : i32
        %dma_wait3A_34 = tpu.memref_slice %arg10[%multiple_of3A, %dma_wait3A_33] : memref<10008x128xf32, #tpu.memory_space<vmem_shared>> -> memref<624x128xf32, #tpu.memory_space<vmem_shared>>
        tpu.wait_dma2 semaphore(%run_scoped3A : memref<!tpu.dma_semaphore, #tpu.memory_space<semaphore_mem>>) src(%dma_wait3A_34 : memref<624x128xf32, #tpu.memory_space<vmem_shared>>) dst(%dma_wait3A_32 : memref<624x128xf32, #tpu.memory_space<hbm>>)
        tpu.yield
      }) : () -> ()
    } else {
    }
    %eq3A_20 = arith.constant 15 : i32
    %eq3A_21 = arith.cmpi eq, %arg1, %eq3A_20 : i32
    %convert_element_type3A_22 = arith.extui %eq3A_21 : i1 to i32
    %cond3A_23 = arith.constant 0 : i32
    %cond3A_24 = arith.cmpi ne, %convert_element_type3A_22, %cond3A_23 : i32
    scf.if %cond3A_24 {
      "tpu.region"() ({
        %run_scoped3A = tpu.sem_alloc : memref<!tpu.dma_semaphore, #tpu.memory_space<semaphore_mem>>
        %dma_start3A = arith.constant 9360 : i32
        %dma_start3A_25 = arith.constant 0 : i32
        %dma_start3A_26 = tpu.memref_slice %arg6[%arg0, %dma_start3A, %dma_start3A_25] : memref<2x10000x128xf32, #tpu.memory_space<hbm>> -> memref<1x640x128xf32, #tpu.memory_space<hbm>>
        %dma_start3A_27 = tpu.memref_squeeze %dma_start3A_26 : memref<1x640x128xf32, #tpu.memory_space<hbm>> -> memref<640x128xf32, #tpu.memory_space<hbm>>
        %dma_start3A_28 = arith.constant 9360 : i32
        %dma_start3A_29 = arith.constant 0 : i32
        %dma_start3A_30 = tpu.memref_slice %arg10[%dma_start3A_28, %dma_start3A_29] : memref<10008x128xf32, #tpu.memory_space<vmem_shared>> -> memref<640x128xf32, #tpu.memory_space<vmem_shared>>
        tpu.enqueue_dma source(%dma_start3A_30 : memref<640x128xf32, #tpu.memory_space<vmem_shared>>) target(%dma_start3A_27 : memref<640x128xf32, #tpu.memory_space<hbm>>) target_semaphore(%run_scoped3A : memref<!tpu.dma_semaphore, #tpu.memory_space<semaphore_mem>>)
        %dma_wait3A = arith.constant 9360 : i32
        %dma_wait3A_31 = arith.constant 0 : i32
        %dma_wait3A_32 = tpu.memref_slice %arg6[%arg0, %dma_wait3A, %dma_wait3A_31] : memref<2x10000x128xf32, #tpu.memory_space<hbm>> -> memref<1x640x128xf32, #tpu.memory_space<hbm>>
        %dma_wait3A_33 = tpu.memref_squeeze %dma_wait3A_32 : memref<1x640x128xf32, #tpu.memory_space<hbm>> -> memref<640x128xf32, #tpu.memory_space<hbm>>
        %dma_wait3A_34 = arith.constant 9360 : i32
        %dma_wait3A_35 = arith.constant 0 : i32
        %dma_wait3A_36 = tpu.memref_slice %arg10[%dma_wait3A_34, %dma_wait3A_35] : memref<10008x128xf32, #tpu.memory_space<vmem_shared>> -> memref<640x128xf32, #tpu.memory_space<vmem_shared>>
        tpu.wait_dma2 semaphore(%run_scoped3A : memref<!tpu.dma_semaphore, #tpu.memory_space<semaphore_mem>>) src(%dma_wait3A_36 : memref<640x128xf32, #tpu.memory_space<vmem_shared>>) dst(%dma_wait3A_33 : memref<640x128xf32, #tpu.memory_space<hbm>>)
        tpu.yield
      }) : () -> ()
    } else {
    }
    return
  }
}

#map = affine_map<(d0, d1) -> (0)>
#map1 = affine_map<(d0, d1) -> (0, 0)>
#map2 = affine_map<(d0, d1) -> (0, 0, 0)>
module attributes {stable_mosaic.version = 14 : i64} {
  func.func @_edge_body(%arg0: i32, %arg1: i32, %arg2: memref<323584xi32, #tpu.memory_space<hbm>>, %arg3: memref<323584xi32, #tpu.memory_space<hbm>>, %arg4: memref<10000x128xf32, #tpu.memory_space<hbm>>, %arg5: memref<10000x128xf32, #tpu.memory_space<hbm>>, %arg6: memref<2x10000x128xf32, #tpu.memory_space<hbm>>, %arg7: memref<128xi32, #tpu.memory_space<vmem>>, %arg8: memref<128xi32, #tpu.memory_space<vmem>>, %arg9: memref<128x128xf32, #tpu.memory_space<vmem>>, %arg10: memref<10008x128xf32, #tpu.memory_space<vmem_shared>>, %arg11: memref<!tpu.dma_semaphore, #tpu.memory_space<semaphore_mem>>) attributes {dimension_semantics = [#tpu.dimension_semantics<core_parallel>, #tpu.dimension_semantics<subcore_parallel>], iteration_bounds = array<i64: 2, 16>, scalar_prefetch = 0 : i64, scratch_operands = 5 : i64, tpu.core_type = #tpu.core_type<sc_vector_subcore>, window_params = [{transform_indices = #map}, {transform_indices = #map}, {transform_indices = #map1}, {transform_indices = #map1}, {transform_indices = #map2}]} {
    %mul3A = arith.constant 16 : i32
    %mul3A_0 = arith.muli %arg0, %mul3A : i32
    %add3A = arith.addi %mul3A_0, %arg1 : i32
    %eq3A = arith.constant 0 : i32
    %eq3A_1 = arith.cmpi eq, %arg0, %eq3A : i32
    %convert_element_type3A = arith.extui %eq3A_1 : i1 to i32
    %cond3A = arith.constant 0 : i32
    %cond3A_2 = arith.cmpi ne, %convert_element_type3A, %cond3A : i32
    scf.if %cond3A_2 {
      %lt3A_25 = arith.constant 15 : i32
      %lt3A_26 = arith.cmpi slt, %arg1, %lt3A_25 : i32
      %convert_element_type3A_27 = arith.extui %lt3A_26 : i1 to i32
      %cond3A_28 = arith.constant 0 : i32
      %cond3A_29 = arith.cmpi ne, %convert_element_type3A_27, %cond3A_28 : i32
      scf.if %cond3A_29 {
        %mul3A_35 = arith.constant 624 : i32
        %mul3A_36 = arith.muli %arg1, %mul3A_35 : i32
        %multiple_of3A = tpu.assume_multiple %mul3A_36, 8 : i32
        "tpu.region"() ({
          %run_scoped3A = tpu.sem_alloc : memref<!tpu.dma_semaphore, #tpu.memory_space<semaphore_mem>>
          %dma_start3A = arith.constant 0 : i32
          %dma_start3A_37 = tpu.memref_slice %arg10[%multiple_of3A, %dma_start3A] : memref<10008x128xf32, #tpu.memory_space<vmem_shared>> -> memref<624x128xf32, #tpu.memory_space<vmem_shared>>
          %dma_start3A_38 = arith.constant 0 : i32
          %dma_start3A_39 = tpu.memref_slice %arg4[%multiple_of3A, %dma_start3A_38] : memref<10000x128xf32, #tpu.memory_space<hbm>> -> memref<624x128xf32, #tpu.memory_space<hbm>>
          tpu.enqueue_dma source(%dma_start3A_39 : memref<624x128xf32, #tpu.memory_space<hbm>>) target(%dma_start3A_37 : memref<624x128xf32, #tpu.memory_space<vmem_shared>>) target_semaphore(%run_scoped3A : memref<!tpu.dma_semaphore, #tpu.memory_space<semaphore_mem>>)
          %dma_wait3A = arith.constant 0 : i32
          %dma_wait3A_40 = tpu.memref_slice %arg10[%multiple_of3A, %dma_wait3A] : memref<10008x128xf32, #tpu.memory_space<vmem_shared>> -> memref<624x128xf32, #tpu.memory_space<vmem_shared>>
          %dma_wait3A_41 = arith.constant 0 : i32
          %dma_wait3A_42 = tpu.memref_slice %arg4[%multiple_of3A, %dma_wait3A_41] : memref<10000x128xf32, #tpu.memory_space<hbm>> -> memref<624x128xf32, #tpu.memory_space<hbm>>
          tpu.wait_dma2 semaphore(%run_scoped3A : memref<!tpu.dma_semaphore, #tpu.memory_space<semaphore_mem>>) src(%dma_wait3A_42 : memref<624x128xf32, #tpu.memory_space<hbm>>) dst(%dma_wait3A_40 : memref<624x128xf32, #tpu.memory_space<vmem_shared>>)
          tpu.yield
        }) : () -> ()
      } else {
      }
      %eq3A_30 = arith.constant 15 : i32
      %eq3A_31 = arith.cmpi eq, %arg1, %eq3A_30 : i32
      %convert_element_type3A_32 = arith.extui %eq3A_31 : i1 to i32
      %cond3A_33 = arith.constant 0 : i32
      %cond3A_34 = arith.cmpi ne, %convert_element_type3A_32, %cond3A_33 : i32
      scf.if %cond3A_34 {
        "tpu.region"() ({
          %run_scoped3A = tpu.sem_alloc : memref<!tpu.dma_semaphore, #tpu.memory_space<semaphore_mem>>
          %dma_start3A = arith.constant 9360 : i32
          %dma_start3A_35 = arith.constant 0 : i32
          %dma_start3A_36 = tpu.memref_slice %arg10[%dma_start3A, %dma_start3A_35] : memref<10008x128xf32, #tpu.memory_space<vmem_shared>> -> memref<640x128xf32, #tpu.memory_space<vmem_shared>>
          %dma_start3A_37 = arith.constant 9360 : i32
          %dma_start3A_38 = arith.constant 0 : i32
          %dma_start3A_39 = tpu.memref_slice %arg4[%dma_start3A_37, %dma_start3A_38] : memref<10000x128xf32, #tpu.memory_space<hbm>> -> memref<640x128xf32, #tpu.memory_space<hbm>>
          tpu.enqueue_dma source(%dma_start3A_39 : memref<640x128xf32, #tpu.memory_space<hbm>>) target(%dma_start3A_36 : memref<640x128xf32, #tpu.memory_space<vmem_shared>>) target_semaphore(%run_scoped3A : memref<!tpu.dma_semaphore, #tpu.memory_space<semaphore_mem>>)
          %dma_wait3A = arith.constant 9360 : i32
          %dma_wait3A_40 = arith.constant 0 : i32
          %dma_wait3A_41 = tpu.memref_slice %arg10[%dma_wait3A, %dma_wait3A_40] : memref<10008x128xf32, #tpu.memory_space<vmem_shared>> -> memref<640x128xf32, #tpu.memory_space<vmem_shared>>
          %dma_wait3A_42 = arith.constant 9360 : i32
          %dma_wait3A_43 = arith.constant 0 : i32
          %dma_wait3A_44 = tpu.memref_slice %arg4[%dma_wait3A_42, %dma_wait3A_43] : memref<10000x128xf32, #tpu.memory_space<hbm>> -> memref<640x128xf32, #tpu.memory_space<hbm>>
          tpu.wait_dma2 semaphore(%run_scoped3A : memref<!tpu.dma_semaphore, #tpu.memory_space<semaphore_mem>>) src(%dma_wait3A_44 : memref<640x128xf32, #tpu.memory_space<hbm>>) dst(%dma_wait3A_41 : memref<640x128xf32, #tpu.memory_space<vmem_shared>>)
          tpu.yield
        }) : () -> ()
      } else {
      }
    } else {
    }
    %eq3A_3 = arith.constant 1 : i32
    %eq3A_4 = arith.cmpi eq, %arg0, %eq3A_3 : i32
    %convert_element_type3A_5 = arith.extui %eq3A_4 : i1 to i32
    %cond3A_6 = arith.constant 0 : i32
    %cond3A_7 = arith.cmpi ne, %convert_element_type3A_5, %cond3A_6 : i32
    scf.if %cond3A_7 {
      %lt3A_25 = arith.constant 15 : i32
      %lt3A_26 = arith.cmpi slt, %arg1, %lt3A_25 : i32
      %convert_element_type3A_27 = arith.extui %lt3A_26 : i1 to i32
      %cond3A_28 = arith.constant 0 : i32
      %cond3A_29 = arith.cmpi ne, %convert_element_type3A_27, %cond3A_28 : i32
      scf.if %cond3A_29 {
        %mul3A_35 = arith.constant 624 : i32
        %mul3A_36 = arith.muli %arg1, %mul3A_35 : i32
        %multiple_of3A = tpu.assume_multiple %mul3A_36, 8 : i32
        "tpu.region"() ({
          %run_scoped3A = tpu.sem_alloc : memref<!tpu.dma_semaphore, #tpu.memory_space<semaphore_mem>>
          %dma_start3A = arith.constant 0 : i32
          %dma_start3A_37 = tpu.memref_slice %arg10[%multiple_of3A, %dma_start3A] : memref<10008x128xf32, #tpu.memory_space<vmem_shared>> -> memref<624x128xf32, #tpu.memory_space<vmem_shared>>
          %dma_start3A_38 = arith.constant 0 : i32
          %dma_start3A_39 = tpu.memref_slice %arg5[%multiple_of3A, %dma_start3A_38] : memref<10000x128xf32, #tpu.memory_space<hbm>> -> memref<624x128xf32, #tpu.memory_space<hbm>>
          tpu.enqueue_dma source(%dma_start3A_39 : memref<624x128xf32, #tpu.memory_space<hbm>>) target(%dma_start3A_37 : memref<624x128xf32, #tpu.memory_space<vmem_shared>>) target_semaphore(%run_scoped3A : memref<!tpu.dma_semaphore, #tpu.memory_space<semaphore_mem>>)
          %dma_wait3A = arith.constant 0 : i32
          %dma_wait3A_40 = tpu.memref_slice %arg10[%multiple_of3A, %dma_wait3A] : memref<10008x128xf32, #tpu.memory_space<vmem_shared>> -> memref<624x128xf32, #tpu.memory_space<vmem_shared>>
          %dma_wait3A_41 = arith.constant 0 : i32
          %dma_wait3A_42 = tpu.memref_slice %arg5[%multiple_of3A, %dma_wait3A_41] : memref<10000x128xf32, #tpu.memory_space<hbm>> -> memref<624x128xf32, #tpu.memory_space<hbm>>
          tpu.wait_dma2 semaphore(%run_scoped3A : memref<!tpu.dma_semaphore, #tpu.memory_space<semaphore_mem>>) src(%dma_wait3A_42 : memref<624x128xf32, #tpu.memory_space<hbm>>) dst(%dma_wait3A_40 : memref<624x128xf32, #tpu.memory_space<vmem_shared>>)
          tpu.yield
        }) : () -> ()
      } else {
      }
      %eq3A_30 = arith.constant 15 : i32
      %eq3A_31 = arith.cmpi eq, %arg1, %eq3A_30 : i32
      %convert_element_type3A_32 = arith.extui %eq3A_31 : i1 to i32
      %cond3A_33 = arith.constant 0 : i32
      %cond3A_34 = arith.cmpi ne, %convert_element_type3A_32, %cond3A_33 : i32
      scf.if %cond3A_34 {
        "tpu.region"() ({
          %run_scoped3A = tpu.sem_alloc : memref<!tpu.dma_semaphore, #tpu.memory_space<semaphore_mem>>
          %dma_start3A = arith.constant 9360 : i32
          %dma_start3A_35 = arith.constant 0 : i32
          %dma_start3A_36 = tpu.memref_slice %arg10[%dma_start3A, %dma_start3A_35] : memref<10008x128xf32, #tpu.memory_space<vmem_shared>> -> memref<640x128xf32, #tpu.memory_space<vmem_shared>>
          %dma_start3A_37 = arith.constant 9360 : i32
          %dma_start3A_38 = arith.constant 0 : i32
          %dma_start3A_39 = tpu.memref_slice %arg5[%dma_start3A_37, %dma_start3A_38] : memref<10000x128xf32, #tpu.memory_space<hbm>> -> memref<640x128xf32, #tpu.memory_space<hbm>>
          tpu.enqueue_dma source(%dma_start3A_39 : memref<640x128xf32, #tpu.memory_space<hbm>>) target(%dma_start3A_36 : memref<640x128xf32, #tpu.memory_space<vmem_shared>>) target_semaphore(%run_scoped3A : memref<!tpu.dma_semaphore, #tpu.memory_space<semaphore_mem>>)
          %dma_wait3A = arith.constant 9360 : i32
          %dma_wait3A_40 = arith.constant 0 : i32
          %dma_wait3A_41 = tpu.memref_slice %arg10[%dma_wait3A, %dma_wait3A_40] : memref<10008x128xf32, #tpu.memory_space<vmem_shared>> -> memref<640x128xf32, #tpu.memory_space<vmem_shared>>
          %dma_wait3A_42 = arith.constant 9360 : i32
          %dma_wait3A_43 = arith.constant 0 : i32
          %dma_wait3A_44 = tpu.memref_slice %arg5[%dma_wait3A_42, %dma_wait3A_43] : memref<10000x128xf32, #tpu.memory_space<hbm>> -> memref<640x128xf32, #tpu.memory_space<hbm>>
          tpu.wait_dma2 semaphore(%run_scoped3A : memref<!tpu.dma_semaphore, #tpu.memory_space<semaphore_mem>>) src(%dma_wait3A_44 : memref<640x128xf32, #tpu.memory_space<hbm>>) dst(%dma_wait3A_41 : memref<640x128xf32, #tpu.memory_space<vmem_shared>>)
          tpu.yield
        }) : () -> ()
      } else {
      }
    } else {
    }
    %barrier3A = arith.constant 0 : index
    tpu.barrier barrier_id(%barrier3A)
    %mul3A_8 = arith.constant 10112 : i32
    %mul3A_9 = arith.muli %add3A, %mul3A_8 : i32
    %scan3A = arith.constant 0 : i32
    %scan3A_10 = arith.constant 0 : i32
    %scan3A_11 = arith.constant 79 : i32
    %scan3A_12 = arith.addi %scan3A_10, %scan3A_11 : i32
    %scan3A_13 = arith.constant 1 : i32
    scf.for %scan3A_25 = %scan3A_10 to %scan3A_12 step %scan3A_13  : i32 {
      %mul3A_26 = arith.constant 128 : i32
      %mul3A_27 = arith.muli %scan3A_25, %mul3A_26 : i32
      %add3A_28 = arith.addi %mul3A_9, %mul3A_27 : i32
      %multiple_of3A = tpu.assume_multiple %add3A_28, 128 : i32
      "tpu.region"() ({
        %run_scoped3A = tpu.sem_alloc : memref<!tpu.dma_semaphore, #tpu.memory_space<semaphore_mem>>
        %dma_start3A_33 = tpu.memref_slice %arg2[%multiple_of3A] : memref<323584xi32, #tpu.memory_space<hbm>> -> memref<128xi32, #tpu.memory_space<hbm>>
        %dma_start3A_34 = tpu.memref_slice %arg2[%multiple_of3A] : memref<323584xi32, #tpu.memory_space<hbm>> -> memref<128xi32, #tpu.memory_space<hbm>>
        tpu.enqueue_dma source(%dma_start3A_34 : memref<128xi32, #tpu.memory_space<hbm>>) target(%arg7 : memref<128xi32, #tpu.memory_space<vmem>>) target_semaphore(%run_scoped3A : memref<!tpu.dma_semaphore, #tpu.memory_space<semaphore_mem>>)
        %dma_wait3A_35 = tpu.memref_slice %arg2[%multiple_of3A] : memref<323584xi32, #tpu.memory_space<hbm>> -> memref<128xi32, #tpu.memory_space<hbm>>
        %dma_wait3A_36 = tpu.memref_slice %arg2[%multiple_of3A] : memref<323584xi32, #tpu.memory_space<hbm>> -> memref<128xi32, #tpu.memory_space<hbm>>
        tpu.wait_dma2 semaphore(%run_scoped3A : memref<!tpu.dma_semaphore, #tpu.memory_space<semaphore_mem>>) src(%dma_wait3A_36 : memref<128xi32, #tpu.memory_space<hbm>>) dst(%arg7 : memref<128xi32, #tpu.memory_space<vmem>>)
        tpu.yield
      }) : () -> ()
      "tpu.region"() ({
        %run_scoped3A = tpu.sem_alloc : memref<!tpu.dma_semaphore, #tpu.memory_space<semaphore_mem>>
        %dma_start3A_33 = tpu.memref_slice %arg3[%multiple_of3A] : memref<323584xi32, #tpu.memory_space<hbm>> -> memref<128xi32, #tpu.memory_space<hbm>>
        %dma_start3A_34 = tpu.memref_slice %arg3[%multiple_of3A] : memref<323584xi32, #tpu.memory_space<hbm>> -> memref<128xi32, #tpu.memory_space<hbm>>
        tpu.enqueue_dma source(%dma_start3A_34 : memref<128xi32, #tpu.memory_space<hbm>>) target(%arg8 : memref<128xi32, #tpu.memory_space<vmem>>) target_semaphore(%run_scoped3A : memref<!tpu.dma_semaphore, #tpu.memory_space<semaphore_mem>>)
        %dma_wait3A_35 = tpu.memref_slice %arg3[%multiple_of3A] : memref<323584xi32, #tpu.memory_space<hbm>> -> memref<128xi32, #tpu.memory_space<hbm>>
        %dma_wait3A_36 = tpu.memref_slice %arg3[%multiple_of3A] : memref<323584xi32, #tpu.memory_space<hbm>> -> memref<128xi32, #tpu.memory_space<hbm>>
        tpu.wait_dma2 semaphore(%run_scoped3A : memref<!tpu.dma_semaphore, #tpu.memory_space<semaphore_mem>>) src(%dma_wait3A_36 : memref<128xi32, #tpu.memory_space<hbm>>) dst(%arg8 : memref<128xi32, #tpu.memory_space<vmem>>)
        tpu.yield
      }) : () -> ()
      %dma_start3A = arith.constant 0 : i32
      %dma_start3A_29 = arith.constant 0 : i32
      %dma_start3A_30 = tpu.memref_slice %arg4[%dma_start3A, %dma_start3A_29] : memref<10000x128xf32, #tpu.memory_space<hbm>> -> memref<10000x128xf32, #tpu.memory_space<hbm>>
      tpu.enqueue_indirect_dma source(%dma_start3A_30 : memref<10000x128xf32, #tpu.memory_space<hbm>>) target(%arg9 : memref<128x128xf32, #tpu.memory_space<vmem>>) offsets(%arg7 : memref<128xi32, #tpu.memory_space<vmem>>) semaphore(%arg11 : memref<!tpu.dma_semaphore, #tpu.memory_space<semaphore_mem>>)
      %dma_wait3A = arith.constant 0 : i32
      %dma_wait3A_31 = arith.constant 0 : i32
      %dma_wait3A_32 = tpu.memref_slice %arg4[%dma_wait3A, %dma_wait3A_31] : memref<10000x128xf32, #tpu.memory_space<hbm>> -> memref<10000x128xf32, #tpu.memory_space<hbm>>
      tpu.wait_indirect_dma semaphore(%arg11 : memref<!tpu.dma_semaphore, #tpu.memory_space<semaphore_mem>>) src(%dma_wait3A_32 : memref<10000x128xf32, #tpu.memory_space<hbm>>) dst(%arg9 : memref<128x128xf32, #tpu.memory_space<vmem>>)
      "tpu.region"() ({
        %run_scoped3A = tpu.sem_alloc : memref<!tpu.dma_semaphore, #tpu.memory_space<semaphore_mem>>
        %dma_start3A_33 = arith.constant 0 : i32
        %dma_start3A_34 = arith.constant 0 : i32
        %dma_start3A_35 = tpu.memref_slice %arg10[%dma_start3A_33, %dma_start3A_34] : memref<10008x128xf32, #tpu.memory_space<vmem_shared>> -> memref<10008x128xf32, #tpu.memory_space<vmem_shared>>
        tpu.enqueue_indirect_dma source(%arg9 : memref<128x128xf32, #tpu.memory_space<vmem>>) target(%dma_start3A_35 : memref<10008x128xf32, #tpu.memory_space<vmem_shared>>) offsets(%arg8 : memref<128xi32, #tpu.memory_space<vmem>>) semaphore(%run_scoped3A : memref<!tpu.dma_semaphore, #tpu.memory_space<semaphore_mem>>) {add = true}
        %dma_wait3A_36 = arith.constant 0 : i32
        %dma_wait3A_37 = arith.constant 0 : i32
        %dma_wait3A_38 = tpu.memref_slice %arg10[%dma_wait3A_36, %dma_wait3A_37] : memref<10008x128xf32, #tpu.memory_space<vmem_shared>> -> memref<10008x128xf32, #tpu.memory_space<vmem_shared>>
        tpu.wait_indirect_dma semaphore(%run_scoped3A : memref<!tpu.dma_semaphore, #tpu.memory_space<semaphore_mem>>) src(%arg9 : memref<128x128xf32, #tpu.memory_space<vmem>>) dst(%dma_wait3A_38 : memref<10008x128xf32, #tpu.memory_space<vmem_shared>>)
        tpu.yield
      }) : () -> ()
    }
    %scan3A_14 = arith.constant 79 : i32
    %barrier3A_15 = arith.constant 0 : index
    tpu.barrier barrier_id(%barrier3A_15)
    %lt3A = arith.constant 15 : i32
    %lt3A_16 = arith.cmpi slt, %arg1, %lt3A : i32
    %convert_element_type3A_17 = arith.extui %lt3A_16 : i1 to i32
    %cond3A_18 = arith.constant 0 : i32
    %cond3A_19 = arith.cmpi ne, %convert_element_type3A_17, %cond3A_18 : i32
    scf.if %cond3A_19 {
      %mul3A_25 = arith.constant 624 : i32
      %mul3A_26 = arith.muli %arg1, %mul3A_25 : i32
      %multiple_of3A = tpu.assume_multiple %mul3A_26, 8 : i32
      "tpu.region"() ({
        %run_scoped3A = tpu.sem_alloc : memref<!tpu.dma_semaphore, #tpu.memory_space<semaphore_mem>>
        %dma_start3A = arith.constant 0 : i32
        %dma_start3A_27 = tpu.memref_slice %arg6[%arg0, %multiple_of3A, %dma_start3A] : memref<2x10000x128xf32, #tpu.memory_space<hbm>> -> memref<1x624x128xf32, #tpu.memory_space<hbm>>
        %dma_start3A_28 = tpu.memref_squeeze %dma_start3A_27 : memref<1x624x128xf32, #tpu.memory_space<hbm>> -> memref<624x128xf32, #tpu.memory_space<hbm>>
        %dma_start3A_29 = arith.constant 0 : i32
        %dma_start3A_30 = tpu.memref_slice %arg10[%multiple_of3A, %dma_start3A_29] : memref<10008x128xf32, #tpu.memory_space<vmem_shared>> -> memref<624x128xf32, #tpu.memory_space<vmem_shared>>
        tpu.enqueue_dma source(%dma_start3A_30 : memref<624x128xf32, #tpu.memory_space<vmem_shared>>) target(%dma_start3A_28 : memref<624x128xf32, #tpu.memory_space<hbm>>) target_semaphore(%run_scoped3A : memref<!tpu.dma_semaphore, #tpu.memory_space<semaphore_mem>>)
        %dma_wait3A = arith.constant 0 : i32
        %dma_wait3A_31 = tpu.memref_slice %arg6[%arg0, %multiple_of3A, %dma_wait3A] : memref<2x10000x128xf32, #tpu.memory_space<hbm>> -> memref<1x624x128xf32, #tpu.memory_space<hbm>>
        %dma_wait3A_32 = tpu.memref_squeeze %dma_wait3A_31 : memref<1x624x128xf32, #tpu.memory_space<hbm>> -> memref<624x128xf32, #tpu.memory_space<hbm>>
        %dma_wait3A_33 = arith.constant 0 : i32
        %dma_wait3A_34 = tpu.memref_slice %arg10[%multiple_of3A, %dma_wait3A_33] : memref<10008x128xf32, #tpu.memory_space<vmem_shared>> -> memref<624x128xf32, #tpu.memory_space<vmem_shared>>
        tpu.wait_dma2 semaphore(%run_scoped3A : memref<!tpu.dma_semaphore, #tpu.memory_space<semaphore_mem>>) src(%dma_wait3A_34 : memref<624x128xf32, #tpu.memory_space<vmem_shared>>) dst(%dma_wait3A_32 : memref<624x128xf32, #tpu.memory_space<hbm>>)
        tpu.yield
      }) : () -> ()
    } else {
    }
    %eq3A_20 = arith.constant 15 : i32
    %eq3A_21 = arith.cmpi eq, %arg1, %eq3A_20 : i32
    %convert_element_type3A_22 = arith.extui %eq3A_21 : i1 to i32
    %cond3A_23 = arith.constant 0 : i32
    %cond3A_24 = arith.cmpi ne, %convert_element_type3A_22, %cond3A_23 : i32
    scf.if %cond3A_24 {
      "tpu.region"() ({
        %run_scoped3A = tpu.sem_alloc : memref<!tpu.dma_semaphore, #tpu.memory_space<semaphore_mem>>
        %dma_start3A = arith.constant 9360 : i32
        %dma_start3A_25 = arith.constant 0 : i32
        %dma_start3A_26 = tpu.memref_slice %arg6[%arg0, %dma_start3A, %dma_start3A_25] : memref<2x10000x128xf32, #tpu.memory_space<hbm>> -> memref<1x640x128xf32, #tpu.memory_space<hbm>>
        %dma_start3A_27 = tpu.memref_squeeze %dma_start3A_26 : memref<1x640x128xf32, #tpu.memory_space<hbm>> -> memref<640x128xf32, #tpu.memory_space<hbm>>
        %dma_start3A_28 = arith.constant 9360 : i32
        %dma_start3A_29 = arith.constant 0 : i32
        %dma_start3A_30 = tpu.memref_slice %arg10[%dma_start3A_28, %dma_start3A_29] : memref<10008x128xf32, #tpu.memory_space<vmem_shared>> -> memref<640x128xf32, #tpu.memory_space<vmem_shared>>
        tpu.enqueue_dma source(%dma_start3A_30 : memref<640x128xf32, #tpu.memory_space<vmem_shared>>) target(%dma_start3A_27 : memref<640x128xf32, #tpu.memory_space<hbm>>) target_semaphore(%run_scoped3A : memref<!tpu.dma_semaphore, #tpu.memory_space<semaphore_mem>>)
        %dma_wait3A = arith.constant 9360 : i32
        %dma_wait3A_31 = arith.constant 0 : i32
        %dma_wait3A_32 = tpu.memref_slice %arg6[%arg0, %dma_wait3A, %dma_wait3A_31] : memref<2x10000x128xf32, #tpu.memory_space<hbm>> -> memref<1x640x128xf32, #tpu.memory_space<hbm>>
        %dma_wait3A_33 = tpu.memref_squeeze %dma_wait3A_32 : memref<1x640x128xf32, #tpu.memory_space<hbm>> -> memref<640x128xf32, #tpu.memory_space<hbm>>
        %dma_wait3A_34 = arith.constant 9360 : i32
        %dma_wait3A_35 = arith.constant 0 : i32
        %dma_wait3A_36 = tpu.memref_slice %arg10[%dma_wait3A_34, %dma_wait3A_35] : memref<10008x128xf32, #tpu.memory_space<vmem_shared>> -> memref<640x128xf32, #tpu.memory_space<vmem_shared>>
        tpu.wait_dma2 semaphore(%run_scoped3A : memref<!tpu.dma_semaphore, #tpu.memory_space<semaphore_mem>>) src(%dma_wait3A_36 : memref<640x128xf32, #tpu.memory_space<vmem_shared>>) dst(%dma_wait3A_33 : memref<640x128xf32, #tpu.memory_space<hbm>>)
        tpu.yield
      }) : () -> ()
    } else {
    }
    return
  }
}

#map = affine_map<(d0, d1) -> (0)>
#map1 = affine_map<(d0, d1) -> (0, 0)>
#map2 = affine_map<(d0, d1) -> (0, 0, 0)>
module attributes {stable_mosaic.version = 14 : i64} {
  func.func @_edge_body(%arg0: i32, %arg1: i32, %arg2: memref<323584xi32, #tpu.memory_space<hbm>>, %arg3: memref<323584xi32, #tpu.memory_space<hbm>>, %arg4: memref<10000x128xf32, #tpu.memory_space<hbm>>, %arg5: memref<10000x128xf32, #tpu.memory_space<hbm>>, %arg6: memref<2x10000x128xf32, #tpu.memory_space<hbm>>, %arg7: memref<128xi32, #tpu.memory_space<vmem>>, %arg8: memref<128xi32, #tpu.memory_space<vmem>>, %arg9: memref<128x128xf32, #tpu.memory_space<vmem>>, %arg10: memref<10008x128xf32, #tpu.memory_space<vmem_shared>>, %arg11: memref<!tpu.dma_semaphore, #tpu.memory_space<semaphore_mem>>) attributes {dimension_semantics = [#tpu.dimension_semantics<core_parallel>, #tpu.dimension_semantics<subcore_parallel>], iteration_bounds = array<i64: 2, 16>, scalar_prefetch = 0 : i64, scratch_operands = 5 : i64, tpu.core_type = #tpu.core_type<sc_vector_subcore>, window_params = [{transform_indices = #map}, {transform_indices = #map}, {transform_indices = #map1}, {transform_indices = #map1}, {transform_indices = #map2}]} {
    %mul3A = arith.constant 16 : i32
    %mul3A_0 = arith.muli %arg0, %mul3A : i32
    %add3A = arith.addi %mul3A_0, %arg1 : i32
    %eq3A = arith.constant 0 : i32
    %eq3A_1 = arith.cmpi eq, %arg0, %eq3A : i32
    %convert_element_type3A = arith.extui %eq3A_1 : i1 to i32
    %cond3A = arith.constant 0 : i32
    %cond3A_2 = arith.cmpi ne, %convert_element_type3A, %cond3A : i32
    scf.if %cond3A_2 {
      %lt3A_25 = arith.constant 15 : i32
      %lt3A_26 = arith.cmpi slt, %arg1, %lt3A_25 : i32
      %convert_element_type3A_27 = arith.extui %lt3A_26 : i1 to i32
      %cond3A_28 = arith.constant 0 : i32
      %cond3A_29 = arith.cmpi ne, %convert_element_type3A_27, %cond3A_28 : i32
      scf.if %cond3A_29 {
        %mul3A_35 = arith.constant 624 : i32
        %mul3A_36 = arith.muli %arg1, %mul3A_35 : i32
        %multiple_of3A = tpu.assume_multiple %mul3A_36, 8 : i32
        "tpu.region"() ({
          %run_scoped3A = tpu.sem_alloc : memref<!tpu.dma_semaphore, #tpu.memory_space<semaphore_mem>>
          %dma_start3A = arith.constant 0 : i32
          %dma_start3A_37 = tpu.memref_slice %arg10[%multiple_of3A, %dma_start3A] : memref<10008x128xf32, #tpu.memory_space<vmem_shared>> -> memref<624x128xf32, #tpu.memory_space<vmem_shared>>
          %dma_start3A_38 = arith.constant 0 : i32
          %dma_start3A_39 = tpu.memref_slice %arg4[%multiple_of3A, %dma_start3A_38] : memref<10000x128xf32, #tpu.memory_space<hbm>> -> memref<624x128xf32, #tpu.memory_space<hbm>>
          tpu.enqueue_dma source(%dma_start3A_39 : memref<624x128xf32, #tpu.memory_space<hbm>>) target(%dma_start3A_37 : memref<624x128xf32, #tpu.memory_space<vmem_shared>>) target_semaphore(%run_scoped3A : memref<!tpu.dma_semaphore, #tpu.memory_space<semaphore_mem>>)
          %dma_wait3A = arith.constant 0 : i32
          %dma_wait3A_40 = tpu.memref_slice %arg10[%multiple_of3A, %dma_wait3A] : memref<10008x128xf32, #tpu.memory_space<vmem_shared>> -> memref<624x128xf32, #tpu.memory_space<vmem_shared>>
          %dma_wait3A_41 = arith.constant 0 : i32
          %dma_wait3A_42 = tpu.memref_slice %arg4[%multiple_of3A, %dma_wait3A_41] : memref<10000x128xf32, #tpu.memory_space<hbm>> -> memref<624x128xf32, #tpu.memory_space<hbm>>
          tpu.wait_dma2 semaphore(%run_scoped3A : memref<!tpu.dma_semaphore, #tpu.memory_space<semaphore_mem>>) src(%dma_wait3A_42 : memref<624x128xf32, #tpu.memory_space<hbm>>) dst(%dma_wait3A_40 : memref<624x128xf32, #tpu.memory_space<vmem_shared>>)
          tpu.yield
        }) : () -> ()
      } else {
      }
      %eq3A_30 = arith.constant 15 : i32
      %eq3A_31 = arith.cmpi eq, %arg1, %eq3A_30 : i32
      %convert_element_type3A_32 = arith.extui %eq3A_31 : i1 to i32
      %cond3A_33 = arith.constant 0 : i32
      %cond3A_34 = arith.cmpi ne, %convert_element_type3A_32, %cond3A_33 : i32
      scf.if %cond3A_34 {
        "tpu.region"() ({
          %run_scoped3A = tpu.sem_alloc : memref<!tpu.dma_semaphore, #tpu.memory_space<semaphore_mem>>
          %dma_start3A = arith.constant 9360 : i32
          %dma_start3A_35 = arith.constant 0 : i32
          %dma_start3A_36 = tpu.memref_slice %arg10[%dma_start3A, %dma_start3A_35] : memref<10008x128xf32, #tpu.memory_space<vmem_shared>> -> memref<640x128xf32, #tpu.memory_space<vmem_shared>>
          %dma_start3A_37 = arith.constant 9360 : i32
          %dma_start3A_38 = arith.constant 0 : i32
          %dma_start3A_39 = tpu.memref_slice %arg4[%dma_start3A_37, %dma_start3A_38] : memref<10000x128xf32, #tpu.memory_space<hbm>> -> memref<640x128xf32, #tpu.memory_space<hbm>>
          tpu.enqueue_dma source(%dma_start3A_39 : memref<640x128xf32, #tpu.memory_space<hbm>>) target(%dma_start3A_36 : memref<640x128xf32, #tpu.memory_space<vmem_shared>>) target_semaphore(%run_scoped3A : memref<!tpu.dma_semaphore, #tpu.memory_space<semaphore_mem>>)
          %dma_wait3A = arith.constant 9360 : i32
          %dma_wait3A_40 = arith.constant 0 : i32
          %dma_wait3A_41 = tpu.memref_slice %arg10[%dma_wait3A, %dma_wait3A_40] : memref<10008x128xf32, #tpu.memory_space<vmem_shared>> -> memref<640x128xf32, #tpu.memory_space<vmem_shared>>
          %dma_wait3A_42 = arith.constant 9360 : i32
          %dma_wait3A_43 = arith.constant 0 : i32
          %dma_wait3A_44 = tpu.memref_slice %arg4[%dma_wait3A_42, %dma_wait3A_43] : memref<10000x128xf32, #tpu.memory_space<hbm>> -> memref<640x128xf32, #tpu.memory_space<hbm>>
          tpu.wait_dma2 semaphore(%run_scoped3A : memref<!tpu.dma_semaphore, #tpu.memory_space<semaphore_mem>>) src(%dma_wait3A_44 : memref<640x128xf32, #tpu.memory_space<hbm>>) dst(%dma_wait3A_41 : memref<640x128xf32, #tpu.memory_space<vmem_shared>>)
          tpu.yield
        }) : () -> ()
      } else {
      }
    } else {
    }
    %eq3A_3 = arith.constant 1 : i32
    %eq3A_4 = arith.cmpi eq, %arg0, %eq3A_3 : i32
    %convert_element_type3A_5 = arith.extui %eq3A_4 : i1 to i32
    %cond3A_6 = arith.constant 0 : i32
    %cond3A_7 = arith.cmpi ne, %convert_element_type3A_5, %cond3A_6 : i32
    scf.if %cond3A_7 {
      %lt3A_25 = arith.constant 15 : i32
      %lt3A_26 = arith.cmpi slt, %arg1, %lt3A_25 : i32
      %convert_element_type3A_27 = arith.extui %lt3A_26 : i1 to i32
      %cond3A_28 = arith.constant 0 : i32
      %cond3A_29 = arith.cmpi ne, %convert_element_type3A_27, %cond3A_28 : i32
      scf.if %cond3A_29 {
        %mul3A_35 = arith.constant 624 : i32
        %mul3A_36 = arith.muli %arg1, %mul3A_35 : i32
        %multiple_of3A = tpu.assume_multiple %mul3A_36, 8 : i32
        "tpu.region"() ({
          %run_scoped3A = tpu.sem_alloc : memref<!tpu.dma_semaphore, #tpu.memory_space<semaphore_mem>>
          %dma_start3A = arith.constant 0 : i32
          %dma_start3A_37 = tpu.memref_slice %arg10[%multiple_of3A, %dma_start3A] : memref<10008x128xf32, #tpu.memory_space<vmem_shared>> -> memref<624x128xf32, #tpu.memory_space<vmem_shared>>
          %dma_start3A_38 = arith.constant 0 : i32
          %dma_start3A_39 = tpu.memref_slice %arg5[%multiple_of3A, %dma_start3A_38] : memref<10000x128xf32, #tpu.memory_space<hbm>> -> memref<624x128xf32, #tpu.memory_space<hbm>>
          tpu.enqueue_dma source(%dma_start3A_39 : memref<624x128xf32, #tpu.memory_space<hbm>>) target(%dma_start3A_37 : memref<624x128xf32, #tpu.memory_space<vmem_shared>>) target_semaphore(%run_scoped3A : memref<!tpu.dma_semaphore, #tpu.memory_space<semaphore_mem>>)
          %dma_wait3A = arith.constant 0 : i32
          %dma_wait3A_40 = tpu.memref_slice %arg10[%multiple_of3A, %dma_wait3A] : memref<10008x128xf32, #tpu.memory_space<vmem_shared>> -> memref<624x128xf32, #tpu.memory_space<vmem_shared>>
          %dma_wait3A_41 = arith.constant 0 : i32
          %dma_wait3A_42 = tpu.memref_slice %arg5[%multiple_of3A, %dma_wait3A_41] : memref<10000x128xf32, #tpu.memory_space<hbm>> -> memref<624x128xf32, #tpu.memory_space<hbm>>
          tpu.wait_dma2 semaphore(%run_scoped3A : memref<!tpu.dma_semaphore, #tpu.memory_space<semaphore_mem>>) src(%dma_wait3A_42 : memref<624x128xf32, #tpu.memory_space<hbm>>) dst(%dma_wait3A_40 : memref<624x128xf32, #tpu.memory_space<vmem_shared>>)
          tpu.yield
        }) : () -> ()
      } else {
      }
      %eq3A_30 = arith.constant 15 : i32
      %eq3A_31 = arith.cmpi eq, %arg1, %eq3A_30 : i32
      %convert_element_type3A_32 = arith.extui %eq3A_31 : i1 to i32
      %cond3A_33 = arith.constant 0 : i32
      %cond3A_34 = arith.cmpi ne, %convert_element_type3A_32, %cond3A_33 : i32
      scf.if %cond3A_34 {
        "tpu.region"() ({
          %run_scoped3A = tpu.sem_alloc : memref<!tpu.dma_semaphore, #tpu.memory_space<semaphore_mem>>
          %dma_start3A = arith.constant 9360 : i32
          %dma_start3A_35 = arith.constant 0 : i32
          %dma_start3A_36 = tpu.memref_slice %arg10[%dma_start3A, %dma_start3A_35] : memref<10008x128xf32, #tpu.memory_space<vmem_shared>> -> memref<640x128xf32, #tpu.memory_space<vmem_shared>>
          %dma_start3A_37 = arith.constant 9360 : i32
          %dma_start3A_38 = arith.constant 0 : i32
          %dma_start3A_39 = tpu.memref_slice %arg5[%dma_start3A_37, %dma_start3A_38] : memref<10000x128xf32, #tpu.memory_space<hbm>> -> memref<640x128xf32, #tpu.memory_space<hbm>>
          tpu.enqueue_dma source(%dma_start3A_39 : memref<640x128xf32, #tpu.memory_space<hbm>>) target(%dma_start3A_36 : memref<640x128xf32, #tpu.memory_space<vmem_shared>>) target_semaphore(%run_scoped3A : memref<!tpu.dma_semaphore, #tpu.memory_space<semaphore_mem>>)
          %dma_wait3A = arith.constant 9360 : i32
          %dma_wait3A_40 = arith.constant 0 : i32
          %dma_wait3A_41 = tpu.memref_slice %arg10[%dma_wait3A, %dma_wait3A_40] : memref<10008x128xf32, #tpu.memory_space<vmem_shared>> -> memref<640x128xf32, #tpu.memory_space<vmem_shared>>
          %dma_wait3A_42 = arith.constant 9360 : i32
          %dma_wait3A_43 = arith.constant 0 : i32
          %dma_wait3A_44 = tpu.memref_slice %arg5[%dma_wait3A_42, %dma_wait3A_43] : memref<10000x128xf32, #tpu.memory_space<hbm>> -> memref<640x128xf32, #tpu.memory_space<hbm>>
          tpu.wait_dma2 semaphore(%run_scoped3A : memref<!tpu.dma_semaphore, #tpu.memory_space<semaphore_mem>>) src(%dma_wait3A_44 : memref<640x128xf32, #tpu.memory_space<hbm>>) dst(%dma_wait3A_41 : memref<640x128xf32, #tpu.memory_space<vmem_shared>>)
          tpu.yield
        }) : () -> ()
      } else {
      }
    } else {
    }
    %barrier3A = arith.constant 0 : index
    tpu.barrier barrier_id(%barrier3A)
    %mul3A_8 = arith.constant 10112 : i32
    %mul3A_9 = arith.muli %add3A, %mul3A_8 : i32
    %scan3A = arith.constant 0 : i32
    %scan3A_10 = arith.constant 0 : i32
    %scan3A_11 = arith.constant 79 : i32
    %scan3A_12 = arith.addi %scan3A_10, %scan3A_11 : i32
    %scan3A_13 = arith.constant 1 : i32
    scf.for %scan3A_25 = %scan3A_10 to %scan3A_12 step %scan3A_13  : i32 {
      %mul3A_26 = arith.constant 128 : i32
      %mul3A_27 = arith.muli %scan3A_25, %mul3A_26 : i32
      %add3A_28 = arith.addi %mul3A_9, %mul3A_27 : i32
      %multiple_of3A = tpu.assume_multiple %add3A_28, 128 : i32
      "tpu.region"() ({
        %run_scoped3A = tpu.sem_alloc : memref<!tpu.dma_semaphore, #tpu.memory_space<semaphore_mem>>
        %dma_start3A_33 = tpu.memref_slice %arg2[%multiple_of3A] : memref<323584xi32, #tpu.memory_space<hbm>> -> memref<128xi32, #tpu.memory_space<hbm>>
        %dma_start3A_34 = tpu.memref_slice %arg2[%multiple_of3A] : memref<323584xi32, #tpu.memory_space<hbm>> -> memref<128xi32, #tpu.memory_space<hbm>>
        tpu.enqueue_dma source(%dma_start3A_34 : memref<128xi32, #tpu.memory_space<hbm>>) target(%arg7 : memref<128xi32, #tpu.memory_space<vmem>>) target_semaphore(%run_scoped3A : memref<!tpu.dma_semaphore, #tpu.memory_space<semaphore_mem>>)
        %dma_wait3A_35 = tpu.memref_slice %arg2[%multiple_of3A] : memref<323584xi32, #tpu.memory_space<hbm>> -> memref<128xi32, #tpu.memory_space<hbm>>
        %dma_wait3A_36 = tpu.memref_slice %arg2[%multiple_of3A] : memref<323584xi32, #tpu.memory_space<hbm>> -> memref<128xi32, #tpu.memory_space<hbm>>
        tpu.wait_dma2 semaphore(%run_scoped3A : memref<!tpu.dma_semaphore, #tpu.memory_space<semaphore_mem>>) src(%dma_wait3A_36 : memref<128xi32, #tpu.memory_space<hbm>>) dst(%arg7 : memref<128xi32, #tpu.memory_space<vmem>>)
        tpu.yield
      }) : () -> ()
      "tpu.region"() ({
        %run_scoped3A = tpu.sem_alloc : memref<!tpu.dma_semaphore, #tpu.memory_space<semaphore_mem>>
        %dma_start3A_33 = tpu.memref_slice %arg3[%multiple_of3A] : memref<323584xi32, #tpu.memory_space<hbm>> -> memref<128xi32, #tpu.memory_space<hbm>>
        %dma_start3A_34 = tpu.memref_slice %arg3[%multiple_of3A] : memref<323584xi32, #tpu.memory_space<hbm>> -> memref<128xi32, #tpu.memory_space<hbm>>
        tpu.enqueue_dma source(%dma_start3A_34 : memref<128xi32, #tpu.memory_space<hbm>>) target(%arg8 : memref<128xi32, #tpu.memory_space<vmem>>) target_semaphore(%run_scoped3A : memref<!tpu.dma_semaphore, #tpu.memory_space<semaphore_mem>>)
        %dma_wait3A_35 = tpu.memref_slice %arg3[%multiple_of3A] : memref<323584xi32, #tpu.memory_space<hbm>> -> memref<128xi32, #tpu.memory_space<hbm>>
        %dma_wait3A_36 = tpu.memref_slice %arg3[%multiple_of3A] : memref<323584xi32, #tpu.memory_space<hbm>> -> memref<128xi32, #tpu.memory_space<hbm>>
        tpu.wait_dma2 semaphore(%run_scoped3A : memref<!tpu.dma_semaphore, #tpu.memory_space<semaphore_mem>>) src(%dma_wait3A_36 : memref<128xi32, #tpu.memory_space<hbm>>) dst(%arg8 : memref<128xi32, #tpu.memory_space<vmem>>)
        tpu.yield
      }) : () -> ()
      %dma_start3A = arith.constant 0 : i32
      %dma_start3A_29 = arith.constant 0 : i32
      %dma_start3A_30 = tpu.memref_slice %arg4[%dma_start3A, %dma_start3A_29] : memref<10000x128xf32, #tpu.memory_space<hbm>> -> memref<10000x128xf32, #tpu.memory_space<hbm>>
      tpu.enqueue_indirect_dma source(%dma_start3A_30 : memref<10000x128xf32, #tpu.memory_space<hbm>>) target(%arg9 : memref<128x128xf32, #tpu.memory_space<vmem>>) offsets(%arg7 : memref<128xi32, #tpu.memory_space<vmem>>) semaphore(%arg11 : memref<!tpu.dma_semaphore, #tpu.memory_space<semaphore_mem>>)
      %dma_wait3A = arith.constant 0 : i32
      %dma_wait3A_31 = arith.constant 0 : i32
      %dma_wait3A_32 = tpu.memref_slice %arg4[%dma_wait3A, %dma_wait3A_31] : memref<10000x128xf32, #tpu.memory_space<hbm>> -> memref<10000x128xf32, #tpu.memory_space<hbm>>
      tpu.wait_indirect_dma semaphore(%arg11 : memref<!tpu.dma_semaphore, #tpu.memory_space<semaphore_mem>>) src(%dma_wait3A_32 : memref<10000x128xf32, #tpu.memory_space<hbm>>) dst(%arg9 : memref<128x128xf32, #tpu.memory_space<vmem>>)
      "tpu.region"() ({
        %run_scoped3A = tpu.sem_alloc : memref<!tpu.dma_semaphore, #tpu.memory_space<semaphore_mem>>
        %dma_start3A_33 = arith.constant 0 : i32
        %dma_start3A_34 = arith.constant 0 : i32
        %dma_start3A_35 = tpu.memref_slice %arg10[%dma_start3A_33, %dma_start3A_34] : memref<10008x128xf32, #tpu.memory_space<vmem_shared>> -> memref<10008x128xf32, #tpu.memory_space<vmem_shared>>
        tpu.enqueue_indirect_dma source(%arg9 : memref<128x128xf32, #tpu.memory_space<vmem>>) target(%dma_start3A_35 : memref<10008x128xf32, #tpu.memory_space<vmem_shared>>) offsets(%arg8 : memref<128xi32, #tpu.memory_space<vmem>>) semaphore(%run_scoped3A : memref<!tpu.dma_semaphore, #tpu.memory_space<semaphore_mem>>) {add = true}
        %dma_wait3A_36 = arith.constant 0 : i32
        %dma_wait3A_37 = arith.constant 0 : i32
        %dma_wait3A_38 = tpu.memref_slice %arg10[%dma_wait3A_36, %dma_wait3A_37] : memref<10008x128xf32, #tpu.memory_space<vmem_shared>> -> memref<10008x128xf32, #tpu.memory_space<vmem_shared>>
        tpu.wait_indirect_dma semaphore(%run_scoped3A : memref<!tpu.dma_semaphore, #tpu.memory_space<semaphore_mem>>) src(%arg9 : memref<128x128xf32, #tpu.memory_space<vmem>>) dst(%dma_wait3A_38 : memref<10008x128xf32, #tpu.memory_space<vmem_shared>>)
        tpu.yield
      }) : () -> ()
    }
    %scan3A_14 = arith.constant 79 : i32
    %barrier3A_15 = arith.constant 0 : index
    tpu.barrier barrier_id(%barrier3A_15)
    %lt3A = arith.constant 15 : i32
    %lt3A_16 = arith.cmpi slt, %arg1, %lt3A : i32
    %convert_element_type3A_17 = arith.extui %lt3A_16 : i1 to i32
    %cond3A_18 = arith.constant 0 : i32
    %cond3A_19 = arith.cmpi ne, %convert_element_type3A_17, %cond3A_18 : i32
    scf.if %cond3A_19 {
      %mul3A_25 = arith.constant 624 : i32
      %mul3A_26 = arith.muli %arg1, %mul3A_25 : i32
      %multiple_of3A = tpu.assume_multiple %mul3A_26, 8 : i32
      "tpu.region"() ({
        %run_scoped3A = tpu.sem_alloc : memref<!tpu.dma_semaphore, #tpu.memory_space<semaphore_mem>>
        %dma_start3A = arith.constant 0 : i32
        %dma_start3A_27 = tpu.memref_slice %arg6[%arg0, %multiple_of3A, %dma_start3A] : memref<2x10000x128xf32, #tpu.memory_space<hbm>> -> memref<1x624x128xf32, #tpu.memory_space<hbm>>
        %dma_start3A_28 = tpu.memref_squeeze %dma_start3A_27 : memref<1x624x128xf32, #tpu.memory_space<hbm>> -> memref<624x128xf32, #tpu.memory_space<hbm>>
        %dma_start3A_29 = arith.constant 0 : i32
        %dma_start3A_30 = tpu.memref_slice %arg10[%multiple_of3A, %dma_start3A_29] : memref<10008x128xf32, #tpu.memory_space<vmem_shared>> -> memref<624x128xf32, #tpu.memory_space<vmem_shared>>
        tpu.enqueue_dma source(%dma_start3A_30 : memref<624x128xf32, #tpu.memory_space<vmem_shared>>) target(%dma_start3A_28 : memref<624x128xf32, #tpu.memory_space<hbm>>) target_semaphore(%run_scoped3A : memref<!tpu.dma_semaphore, #tpu.memory_space<semaphore_mem>>)
        %dma_wait3A = arith.constant 0 : i32
        %dma_wait3A_31 = tpu.memref_slice %arg6[%arg0, %multiple_of3A, %dma_wait3A] : memref<2x10000x128xf32, #tpu.memory_space<hbm>> -> memref<1x624x128xf32, #tpu.memory_space<hbm>>
        %dma_wait3A_32 = tpu.memref_squeeze %dma_wait3A_31 : memref<1x624x128xf32, #tpu.memory_space<hbm>> -> memref<624x128xf32, #tpu.memory_space<hbm>>
        %dma_wait3A_33 = arith.constant 0 : i32
        %dma_wait3A_34 = tpu.memref_slice %arg10[%multiple_of3A, %dma_wait3A_33] : memref<10008x128xf32, #tpu.memory_space<vmem_shared>> -> memref<624x128xf32, #tpu.memory_space<vmem_shared>>
        tpu.wait_dma2 semaphore(%run_scoped3A : memref<!tpu.dma_semaphore, #tpu.memory_space<semaphore_mem>>) src(%dma_wait3A_34 : memref<624x128xf32, #tpu.memory_space<vmem_shared>>) dst(%dma_wait3A_32 : memref<624x128xf32, #tpu.memory_space<hbm>>)
        tpu.yield
      }) : () -> ()
    } else {
    }
    %eq3A_20 = arith.constant 15 : i32
    %eq3A_21 = arith.cmpi eq, %arg1, %eq3A_20 : i32
    %convert_element_type3A_22 = arith.extui %eq3A_21 : i1 to i32
    %cond3A_23 = arith.constant 0 : i32
    %cond3A_24 = arith.cmpi ne, %convert_element_type3A_22, %cond3A_23 : i32
    scf.if %cond3A_24 {
      "tpu.region"() ({
        %run_scoped3A = tpu.sem_alloc : memref<!tpu.dma_semaphore, #tpu.memory_space<semaphore_mem>>
        %dma_start3A = arith.constant 9360 : i32
        %dma_start3A_25 = arith.constant 0 : i32
        %dma_start3A_26 = tpu.memref_slice %arg6[%arg0, %dma_start3A, %dma_start3A_25] : memref<2x10000x128xf32, #tpu.memory_space<hbm>> -> memref<1x640x128xf32, #tpu.memory_space<hbm>>
        %dma_start3A_27 = tpu.memref_squeeze %dma_start3A_26 : memref<1x640x128xf32, #tpu.memory_space<hbm>> -> memref<640x128xf32, #tpu.memory_space<hbm>>
        %dma_start3A_28 = arith.constant 9360 : i32
        %dma_start3A_29 = arith.constant 0 : i32
        %dma_start3A_30 = tpu.memref_slice %arg10[%dma_start3A_28, %dma_start3A_29] : memref<10008x128xf32, #tpu.memory_space<vmem_shared>> -> memref<640x128xf32, #tpu.memory_space<vmem_shared>>
        tpu.enqueue_dma source(%dma_start3A_30 : memref<640x128xf32, #tpu.memory_space<vmem_shared>>) target(%dma_start3A_27 : memref<640x128xf32, #tpu.memory_space<hbm>>) target_semaphore(%run_scoped3A : memref<!tpu.dma_semaphore, #tpu.memory_space<semaphore_mem>>)
        %dma_wait3A = arith.constant 9360 : i32
        %dma_wait3A_31 = arith.constant 0 : i32
        %dma_wait3A_32 = tpu.memref_slice %arg6[%arg0, %dma_wait3A, %dma_wait3A_31] : memref<2x10000x128xf32, #tpu.memory_space<hbm>> -> memref<1x640x128xf32, #tpu.memory_space<hbm>>
        %dma_wait3A_33 = tpu.memref_squeeze %dma_wait3A_32 : memref<1x640x128xf32, #tpu.memory_space<hbm>> -> memref<640x128xf32, #tpu.memory_space<hbm>>
        %dma_wait3A_34 = arith.constant 9360 : i32
        %dma_wait3A_35 = arith.constant 0 : i32
        %dma_wait3A_36 = tpu.memref_slice %arg10[%dma_wait3A_34, %dma_wait3A_35] : memref<10008x128xf32, #tpu.memory_space<vmem_shared>> -> memref<640x128xf32, #tpu.memory_space<vmem_shared>>
        tpu.wait_dma2 semaphore(%run_scoped3A : memref<!tpu.dma_semaphore, #tpu.memory_space<semaphore_mem>>) src(%dma_wait3A_36 : memref<640x128xf32, #tpu.memory_space<vmem_shared>>) dst(%dma_wait3A_33 : memref<640x128xf32, #tpu.memory_space<hbm>>)
        tpu.yield
      }) : () -> ()
    } else {
    }
    return
  }
}

#map = affine_map<(d0, d1) -> (0)>
#map1 = affine_map<(d0, d1) -> (0, 0)>
#map2 = affine_map<(d0, d1) -> (0, 0, 0)>
module attributes {stable_mosaic.version = 14 : i64} {
  func.func @_edge_body(%arg0: i32, %arg1: i32, %arg2: memref<323584xi32, #tpu.memory_space<hbm>>, %arg3: memref<323584xi32, #tpu.memory_space<hbm>>, %arg4: memref<10000x128xf32, #tpu.memory_space<hbm>>, %arg5: memref<10000x128xf32, #tpu.memory_space<hbm>>, %arg6: memref<2x10000x128xf32, #tpu.memory_space<hbm>>, %arg7: memref<128xi32, #tpu.memory_space<vmem>>, %arg8: memref<128xi32, #tpu.memory_space<vmem>>, %arg9: memref<128x128xf32, #tpu.memory_space<vmem>>, %arg10: memref<10008x128xf32, #tpu.memory_space<vmem_shared>>, %arg11: memref<!tpu.dma_semaphore, #tpu.memory_space<semaphore_mem>>) attributes {dimension_semantics = [#tpu.dimension_semantics<core_parallel>, #tpu.dimension_semantics<subcore_parallel>], iteration_bounds = array<i64: 2, 16>, scalar_prefetch = 0 : i64, scratch_operands = 5 : i64, tpu.core_type = #tpu.core_type<sc_vector_subcore>, window_params = [{transform_indices = #map}, {transform_indices = #map}, {transform_indices = #map1}, {transform_indices = #map1}, {transform_indices = #map2}]} {
    %mul3A = arith.constant 16 : i32
    %mul3A_0 = arith.muli %arg0, %mul3A : i32
    %add3A = arith.addi %mul3A_0, %arg1 : i32
    %eq3A = arith.constant 0 : i32
    %eq3A_1 = arith.cmpi eq, %arg0, %eq3A : i32
    %convert_element_type3A = arith.extui %eq3A_1 : i1 to i32
    %cond3A = arith.constant 0 : i32
    %cond3A_2 = arith.cmpi ne, %convert_element_type3A, %cond3A : i32
    scf.if %cond3A_2 {
      %lt3A_25 = arith.constant 15 : i32
      %lt3A_26 = arith.cmpi slt, %arg1, %lt3A_25 : i32
      %convert_element_type3A_27 = arith.extui %lt3A_26 : i1 to i32
      %cond3A_28 = arith.constant 0 : i32
      %cond3A_29 = arith.cmpi ne, %convert_element_type3A_27, %cond3A_28 : i32
      scf.if %cond3A_29 {
        %mul3A_35 = arith.constant 624 : i32
        %mul3A_36 = arith.muli %arg1, %mul3A_35 : i32
        %multiple_of3A = tpu.assume_multiple %mul3A_36, 8 : i32
        "tpu.region"() ({
          %run_scoped3A = tpu.sem_alloc : memref<!tpu.dma_semaphore, #tpu.memory_space<semaphore_mem>>
          %dma_start3A = arith.constant 0 : i32
          %dma_start3A_37 = tpu.memref_slice %arg10[%multiple_of3A, %dma_start3A] : memref<10008x128xf32, #tpu.memory_space<vmem_shared>> -> memref<624x128xf32, #tpu.memory_space<vmem_shared>>
          %dma_start3A_38 = arith.constant 0 : i32
          %dma_start3A_39 = tpu.memref_slice %arg4[%multiple_of3A, %dma_start3A_38] : memref<10000x128xf32, #tpu.memory_space<hbm>> -> memref<624x128xf32, #tpu.memory_space<hbm>>
          tpu.enqueue_dma source(%dma_start3A_39 : memref<624x128xf32, #tpu.memory_space<hbm>>) target(%dma_start3A_37 : memref<624x128xf32, #tpu.memory_space<vmem_shared>>) target_semaphore(%run_scoped3A : memref<!tpu.dma_semaphore, #tpu.memory_space<semaphore_mem>>)
          %dma_wait3A = arith.constant 0 : i32
          %dma_wait3A_40 = tpu.memref_slice %arg10[%multiple_of3A, %dma_wait3A] : memref<10008x128xf32, #tpu.memory_space<vmem_shared>> -> memref<624x128xf32, #tpu.memory_space<vmem_shared>>
          %dma_wait3A_41 = arith.constant 0 : i32
          %dma_wait3A_42 = tpu.memref_slice %arg4[%multiple_of3A, %dma_wait3A_41] : memref<10000x128xf32, #tpu.memory_space<hbm>> -> memref<624x128xf32, #tpu.memory_space<hbm>>
          tpu.wait_dma2 semaphore(%run_scoped3A : memref<!tpu.dma_semaphore, #tpu.memory_space<semaphore_mem>>) src(%dma_wait3A_42 : memref<624x128xf32, #tpu.memory_space<hbm>>) dst(%dma_wait3A_40 : memref<624x128xf32, #tpu.memory_space<vmem_shared>>)
          tpu.yield
        }) : () -> ()
      } else {
      }
      %eq3A_30 = arith.constant 15 : i32
      %eq3A_31 = arith.cmpi eq, %arg1, %eq3A_30 : i32
      %convert_element_type3A_32 = arith.extui %eq3A_31 : i1 to i32
      %cond3A_33 = arith.constant 0 : i32
      %cond3A_34 = arith.cmpi ne, %convert_element_type3A_32, %cond3A_33 : i32
      scf.if %cond3A_34 {
        "tpu.region"() ({
          %run_scoped3A = tpu.sem_alloc : memref<!tpu.dma_semaphore, #tpu.memory_space<semaphore_mem>>
          %dma_start3A = arith.constant 9360 : i32
          %dma_start3A_35 = arith.constant 0 : i32
          %dma_start3A_36 = tpu.memref_slice %arg10[%dma_start3A, %dma_start3A_35] : memref<10008x128xf32, #tpu.memory_space<vmem_shared>> -> memref<640x128xf32, #tpu.memory_space<vmem_shared>>
          %dma_start3A_37 = arith.constant 9360 : i32
          %dma_start3A_38 = arith.constant 0 : i32
          %dma_start3A_39 = tpu.memref_slice %arg4[%dma_start3A_37, %dma_start3A_38] : memref<10000x128xf32, #tpu.memory_space<hbm>> -> memref<640x128xf32, #tpu.memory_space<hbm>>
          tpu.enqueue_dma source(%dma_start3A_39 : memref<640x128xf32, #tpu.memory_space<hbm>>) target(%dma_start3A_36 : memref<640x128xf32, #tpu.memory_space<vmem_shared>>) target_semaphore(%run_scoped3A : memref<!tpu.dma_semaphore, #tpu.memory_space<semaphore_mem>>)
          %dma_wait3A = arith.constant 9360 : i32
          %dma_wait3A_40 = arith.constant 0 : i32
          %dma_wait3A_41 = tpu.memref_slice %arg10[%dma_wait3A, %dma_wait3A_40] : memref<10008x128xf32, #tpu.memory_space<vmem_shared>> -> memref<640x128xf32, #tpu.memory_space<vmem_shared>>
          %dma_wait3A_42 = arith.constant 9360 : i32
          %dma_wait3A_43 = arith.constant 0 : i32
          %dma_wait3A_44 = tpu.memref_slice %arg4[%dma_wait3A_42, %dma_wait3A_43] : memref<10000x128xf32, #tpu.memory_space<hbm>> -> memref<640x128xf32, #tpu.memory_space<hbm>>
          tpu.wait_dma2 semaphore(%run_scoped3A : memref<!tpu.dma_semaphore, #tpu.memory_space<semaphore_mem>>) src(%dma_wait3A_44 : memref<640x128xf32, #tpu.memory_space<hbm>>) dst(%dma_wait3A_41 : memref<640x128xf32, #tpu.memory_space<vmem_shared>>)
          tpu.yield
        }) : () -> ()
      } else {
      }
    } else {
    }
    %eq3A_3 = arith.constant 1 : i32
    %eq3A_4 = arith.cmpi eq, %arg0, %eq3A_3 : i32
    %convert_element_type3A_5 = arith.extui %eq3A_4 : i1 to i32
    %cond3A_6 = arith.constant 0 : i32
    %cond3A_7 = arith.cmpi ne, %convert_element_type3A_5, %cond3A_6 : i32
    scf.if %cond3A_7 {
      %lt3A_25 = arith.constant 15 : i32
      %lt3A_26 = arith.cmpi slt, %arg1, %lt3A_25 : i32
      %convert_element_type3A_27 = arith.extui %lt3A_26 : i1 to i32
      %cond3A_28 = arith.constant 0 : i32
      %cond3A_29 = arith.cmpi ne, %convert_element_type3A_27, %cond3A_28 : i32
      scf.if %cond3A_29 {
        %mul3A_35 = arith.constant 624 : i32
        %mul3A_36 = arith.muli %arg1, %mul3A_35 : i32
        %multiple_of3A = tpu.assume_multiple %mul3A_36, 8 : i32
        "tpu.region"() ({
          %run_scoped3A = tpu.sem_alloc : memref<!tpu.dma_semaphore, #tpu.memory_space<semaphore_mem>>
          %dma_start3A = arith.constant 0 : i32
          %dma_start3A_37 = tpu.memref_slice %arg10[%multiple_of3A, %dma_start3A] : memref<10008x128xf32, #tpu.memory_space<vmem_shared>> -> memref<624x128xf32, #tpu.memory_space<vmem_shared>>
          %dma_start3A_38 = arith.constant 0 : i32
          %dma_start3A_39 = tpu.memref_slice %arg5[%multiple_of3A, %dma_start3A_38] : memref<10000x128xf32, #tpu.memory_space<hbm>> -> memref<624x128xf32, #tpu.memory_space<hbm>>
          tpu.enqueue_dma source(%dma_start3A_39 : memref<624x128xf32, #tpu.memory_space<hbm>>) target(%dma_start3A_37 : memref<624x128xf32, #tpu.memory_space<vmem_shared>>) target_semaphore(%run_scoped3A : memref<!tpu.dma_semaphore, #tpu.memory_space<semaphore_mem>>)
          %dma_wait3A = arith.constant 0 : i32
          %dma_wait3A_40 = tpu.memref_slice %arg10[%multiple_of3A, %dma_wait3A] : memref<10008x128xf32, #tpu.memory_space<vmem_shared>> -> memref<624x128xf32, #tpu.memory_space<vmem_shared>>
          %dma_wait3A_41 = arith.constant 0 : i32
          %dma_wait3A_42 = tpu.memref_slice %arg5[%multiple_of3A, %dma_wait3A_41] : memref<10000x128xf32, #tpu.memory_space<hbm>> -> memref<624x128xf32, #tpu.memory_space<hbm>>
          tpu.wait_dma2 semaphore(%run_scoped3A : memref<!tpu.dma_semaphore, #tpu.memory_space<semaphore_mem>>) src(%dma_wait3A_42 : memref<624x128xf32, #tpu.memory_space<hbm>>) dst(%dma_wait3A_40 : memref<624x128xf32, #tpu.memory_space<vmem_shared>>)
          tpu.yield
        }) : () -> ()
      } else {
      }
      %eq3A_30 = arith.constant 15 : i32
      %eq3A_31 = arith.cmpi eq, %arg1, %eq3A_30 : i32
      %convert_element_type3A_32 = arith.extui %eq3A_31 : i1 to i32
      %cond3A_33 = arith.constant 0 : i32
      %cond3A_34 = arith.cmpi ne, %convert_element_type3A_32, %cond3A_33 : i32
      scf.if %cond3A_34 {
        "tpu.region"() ({
          %run_scoped3A = tpu.sem_alloc : memref<!tpu.dma_semaphore, #tpu.memory_space<semaphore_mem>>
          %dma_start3A = arith.constant 9360 : i32
          %dma_start3A_35 = arith.constant 0 : i32
          %dma_start3A_36 = tpu.memref_slice %arg10[%dma_start3A, %dma_start3A_35] : memref<10008x128xf32, #tpu.memory_space<vmem_shared>> -> memref<640x128xf32, #tpu.memory_space<vmem_shared>>
          %dma_start3A_37 = arith.constant 9360 : i32
          %dma_start3A_38 = arith.constant 0 : i32
          %dma_start3A_39 = tpu.memref_slice %arg5[%dma_start3A_37, %dma_start3A_38] : memref<10000x128xf32, #tpu.memory_space<hbm>> -> memref<640x128xf32, #tpu.memory_space<hbm>>
          tpu.enqueue_dma source(%dma_start3A_39 : memref<640x128xf32, #tpu.memory_space<hbm>>) target(%dma_start3A_36 : memref<640x128xf32, #tpu.memory_space<vmem_shared>>) target_semaphore(%run_scoped3A : memref<!tpu.dma_semaphore, #tpu.memory_space<semaphore_mem>>)
          %dma_wait3A = arith.constant 9360 : i32
          %dma_wait3A_40 = arith.constant 0 : i32
          %dma_wait3A_41 = tpu.memref_slice %arg10[%dma_wait3A, %dma_wait3A_40] : memref<10008x128xf32, #tpu.memory_space<vmem_shared>> -> memref<640x128xf32, #tpu.memory_space<vmem_shared>>
          %dma_wait3A_42 = arith.constant 9360 : i32
          %dma_wait3A_43 = arith.constant 0 : i32
          %dma_wait3A_44 = tpu.memref_slice %arg5[%dma_wait3A_42, %dma_wait3A_43] : memref<10000x128xf32, #tpu.memory_space<hbm>> -> memref<640x128xf32, #tpu.memory_space<hbm>>
          tpu.wait_dma2 semaphore(%run_scoped3A : memref<!tpu.dma_semaphore, #tpu.memory_space<semaphore_mem>>) src(%dma_wait3A_44 : memref<640x128xf32, #tpu.memory_space<hbm>>) dst(%dma_wait3A_41 : memref<640x128xf32, #tpu.memory_space<vmem_shared>>)
          tpu.yield
        }) : () -> ()
      } else {
      }
    } else {
    }
    %barrier3A = arith.constant 0 : index
    tpu.barrier barrier_id(%barrier3A)
    %mul3A_8 = arith.constant 10112 : i32
    %mul3A_9 = arith.muli %add3A, %mul3A_8 : i32
    %scan3A = arith.constant 0 : i32
    %scan3A_10 = arith.constant 0 : i32
    %scan3A_11 = arith.constant 79 : i32
    %scan3A_12 = arith.addi %scan3A_10, %scan3A_11 : i32
    %scan3A_13 = arith.constant 1 : i32
    scf.for %scan3A_25 = %scan3A_10 to %scan3A_12 step %scan3A_13  : i32 {
      %mul3A_26 = arith.constant 128 : i32
      %mul3A_27 = arith.muli %scan3A_25, %mul3A_26 : i32
      %add3A_28 = arith.addi %mul3A_9, %mul3A_27 : i32
      %multiple_of3A = tpu.assume_multiple %add3A_28, 128 : i32
      "tpu.region"() ({
        %run_scoped3A = tpu.sem_alloc : memref<!tpu.dma_semaphore, #tpu.memory_space<semaphore_mem>>
        %dma_start3A_33 = tpu.memref_slice %arg2[%multiple_of3A] : memref<323584xi32, #tpu.memory_space<hbm>> -> memref<128xi32, #tpu.memory_space<hbm>>
        %dma_start3A_34 = tpu.memref_slice %arg2[%multiple_of3A] : memref<323584xi32, #tpu.memory_space<hbm>> -> memref<128xi32, #tpu.memory_space<hbm>>
        tpu.enqueue_dma source(%dma_start3A_34 : memref<128xi32, #tpu.memory_space<hbm>>) target(%arg7 : memref<128xi32, #tpu.memory_space<vmem>>) target_semaphore(%run_scoped3A : memref<!tpu.dma_semaphore, #tpu.memory_space<semaphore_mem>>)
        %dma_wait3A_35 = tpu.memref_slice %arg2[%multiple_of3A] : memref<323584xi32, #tpu.memory_space<hbm>> -> memref<128xi32, #tpu.memory_space<hbm>>
        %dma_wait3A_36 = tpu.memref_slice %arg2[%multiple_of3A] : memref<323584xi32, #tpu.memory_space<hbm>> -> memref<128xi32, #tpu.memory_space<hbm>>
        tpu.wait_dma2 semaphore(%run_scoped3A : memref<!tpu.dma_semaphore, #tpu.memory_space<semaphore_mem>>) src(%dma_wait3A_36 : memref<128xi32, #tpu.memory_space<hbm>>) dst(%arg7 : memref<128xi32, #tpu.memory_space<vmem>>)
        tpu.yield
      }) : () -> ()
      "tpu.region"() ({
        %run_scoped3A = tpu.sem_alloc : memref<!tpu.dma_semaphore, #tpu.memory_space<semaphore_mem>>
        %dma_start3A_33 = tpu.memref_slice %arg3[%multiple_of3A] : memref<323584xi32, #tpu.memory_space<hbm>> -> memref<128xi32, #tpu.memory_space<hbm>>
        %dma_start3A_34 = tpu.memref_slice %arg3[%multiple_of3A] : memref<323584xi32, #tpu.memory_space<hbm>> -> memref<128xi32, #tpu.memory_space<hbm>>
        tpu.enqueue_dma source(%dma_start3A_34 : memref<128xi32, #tpu.memory_space<hbm>>) target(%arg8 : memref<128xi32, #tpu.memory_space<vmem>>) target_semaphore(%run_scoped3A : memref<!tpu.dma_semaphore, #tpu.memory_space<semaphore_mem>>)
        %dma_wait3A_35 = tpu.memref_slice %arg3[%multiple_of3A] : memref<323584xi32, #tpu.memory_space<hbm>> -> memref<128xi32, #tpu.memory_space<hbm>>
        %dma_wait3A_36 = tpu.memref_slice %arg3[%multiple_of3A] : memref<323584xi32, #tpu.memory_space<hbm>> -> memref<128xi32, #tpu.memory_space<hbm>>
        tpu.wait_dma2 semaphore(%run_scoped3A : memref<!tpu.dma_semaphore, #tpu.memory_space<semaphore_mem>>) src(%dma_wait3A_36 : memref<128xi32, #tpu.memory_space<hbm>>) dst(%arg8 : memref<128xi32, #tpu.memory_space<vmem>>)
        tpu.yield
      }) : () -> ()
      %dma_start3A = arith.constant 0 : i32
      %dma_start3A_29 = arith.constant 0 : i32
      %dma_start3A_30 = tpu.memref_slice %arg4[%dma_start3A, %dma_start3A_29] : memref<10000x128xf32, #tpu.memory_space<hbm>> -> memref<10000x128xf32, #tpu.memory_space<hbm>>
      tpu.enqueue_indirect_dma source(%dma_start3A_30 : memref<10000x128xf32, #tpu.memory_space<hbm>>) target(%arg9 : memref<128x128xf32, #tpu.memory_space<vmem>>) offsets(%arg7 : memref<128xi32, #tpu.memory_space<vmem>>) semaphore(%arg11 : memref<!tpu.dma_semaphore, #tpu.memory_space<semaphore_mem>>)
      %dma_wait3A = arith.constant 0 : i32
      %dma_wait3A_31 = arith.constant 0 : i32
      %dma_wait3A_32 = tpu.memref_slice %arg4[%dma_wait3A, %dma_wait3A_31] : memref<10000x128xf32, #tpu.memory_space<hbm>> -> memref<10000x128xf32, #tpu.memory_space<hbm>>
      tpu.wait_indirect_dma semaphore(%arg11 : memref<!tpu.dma_semaphore, #tpu.memory_space<semaphore_mem>>) src(%dma_wait3A_32 : memref<10000x128xf32, #tpu.memory_space<hbm>>) dst(%arg9 : memref<128x128xf32, #tpu.memory_space<vmem>>)
      "tpu.region"() ({
        %run_scoped3A = tpu.sem_alloc : memref<!tpu.dma_semaphore, #tpu.memory_space<semaphore_mem>>
        %dma_start3A_33 = arith.constant 0 : i32
        %dma_start3A_34 = arith.constant 0 : i32
        %dma_start3A_35 = tpu.memref_slice %arg10[%dma_start3A_33, %dma_start3A_34] : memref<10008x128xf32, #tpu.memory_space<vmem_shared>> -> memref<10008x128xf32, #tpu.memory_space<vmem_shared>>
        tpu.enqueue_indirect_dma source(%arg9 : memref<128x128xf32, #tpu.memory_space<vmem>>) target(%dma_start3A_35 : memref<10008x128xf32, #tpu.memory_space<vmem_shared>>) offsets(%arg8 : memref<128xi32, #tpu.memory_space<vmem>>) semaphore(%run_scoped3A : memref<!tpu.dma_semaphore, #tpu.memory_space<semaphore_mem>>) {add = true}
        %dma_wait3A_36 = arith.constant 0 : i32
        %dma_wait3A_37 = arith.constant 0 : i32
        %dma_wait3A_38 = tpu.memref_slice %arg10[%dma_wait3A_36, %dma_wait3A_37] : memref<10008x128xf32, #tpu.memory_space<vmem_shared>> -> memref<10008x128xf32, #tpu.memory_space<vmem_shared>>
        tpu.wait_indirect_dma semaphore(%run_scoped3A : memref<!tpu.dma_semaphore, #tpu.memory_space<semaphore_mem>>) src(%arg9 : memref<128x128xf32, #tpu.memory_space<vmem>>) dst(%dma_wait3A_38 : memref<10008x128xf32, #tpu.memory_space<vmem_shared>>)
        tpu.yield
      }) : () -> ()
    }
    %scan3A_14 = arith.constant 79 : i32
    %barrier3A_15 = arith.constant 0 : index
    tpu.barrier barrier_id(%barrier3A_15)
    %lt3A = arith.constant 15 : i32
    %lt3A_16 = arith.cmpi slt, %arg1, %lt3A : i32
    %convert_element_type3A_17 = arith.extui %lt3A_16 : i1 to i32
    %cond3A_18 = arith.constant 0 : i32
    %cond3A_19 = arith.cmpi ne, %convert_element_type3A_17, %cond3A_18 : i32
    scf.if %cond3A_19 {
      %mul3A_25 = arith.constant 624 : i32
      %mul3A_26 = arith.muli %arg1, %mul3A_25 : i32
      %multiple_of3A = tpu.assume_multiple %mul3A_26, 8 : i32
      "tpu.region"() ({
        %run_scoped3A = tpu.sem_alloc : memref<!tpu.dma_semaphore, #tpu.memory_space<semaphore_mem>>
        %dma_start3A = arith.constant 0 : i32
        %dma_start3A_27 = tpu.memref_slice %arg6[%arg0, %multiple_of3A, %dma_start3A] : memref<2x10000x128xf32, #tpu.memory_space<hbm>> -> memref<1x624x128xf32, #tpu.memory_space<hbm>>
        %dma_start3A_28 = tpu.memref_squeeze %dma_start3A_27 : memref<1x624x128xf32, #tpu.memory_space<hbm>> -> memref<624x128xf32, #tpu.memory_space<hbm>>
        %dma_start3A_29 = arith.constant 0 : i32
        %dma_start3A_30 = tpu.memref_slice %arg10[%multiple_of3A, %dma_start3A_29] : memref<10008x128xf32, #tpu.memory_space<vmem_shared>> -> memref<624x128xf32, #tpu.memory_space<vmem_shared>>
        tpu.enqueue_dma source(%dma_start3A_30 : memref<624x128xf32, #tpu.memory_space<vmem_shared>>) target(%dma_start3A_28 : memref<624x128xf32, #tpu.memory_space<hbm>>) target_semaphore(%run_scoped3A : memref<!tpu.dma_semaphore, #tpu.memory_space<semaphore_mem>>)
        %dma_wait3A = arith.constant 0 : i32
        %dma_wait3A_31 = tpu.memref_slice %arg6[%arg0, %multiple_of3A, %dma_wait3A] : memref<2x10000x128xf32, #tpu.memory_space<hbm>> -> memref<1x624x128xf32, #tpu.memory_space<hbm>>
        %dma_wait3A_32 = tpu.memref_squeeze %dma_wait3A_31 : memref<1x624x128xf32, #tpu.memory_space<hbm>> -> memref<624x128xf32, #tpu.memory_space<hbm>>
        %dma_wait3A_33 = arith.constant 0 : i32
        %dma_wait3A_34 = tpu.memref_slice %arg10[%multiple_of3A, %dma_wait3A_33] : memref<10008x128xf32, #tpu.memory_space<vmem_shared>> -> memref<624x128xf32, #tpu.memory_space<vmem_shared>>
        tpu.wait_dma2 semaphore(%run_scoped3A : memref<!tpu.dma_semaphore, #tpu.memory_space<semaphore_mem>>) src(%dma_wait3A_34 : memref<624x128xf32, #tpu.memory_space<vmem_shared>>) dst(%dma_wait3A_32 : memref<624x128xf32, #tpu.memory_space<hbm>>)
        tpu.yield
      }) : () -> ()
    } else {
    }
    %eq3A_20 = arith.constant 15 : i32
    %eq3A_21 = arith.cmpi eq, %arg1, %eq3A_20 : i32
    %convert_element_type3A_22 = arith.extui %eq3A_21 : i1 to i32
    %cond3A_23 = arith.constant 0 : i32
    %cond3A_24 = arith.cmpi ne, %convert_element_type3A_22, %cond3A_23 : i32
    scf.if %cond3A_24 {
      "tpu.region"() ({
        %run_scoped3A = tpu.sem_alloc : memref<!tpu.dma_semaphore, #tpu.memory_space<semaphore_mem>>
        %dma_start3A = arith.constant 9360 : i32
        %dma_start3A_25 = arith.constant 0 : i32
        %dma_start3A_26 = tpu.memref_slice %arg6[%arg0, %dma_start3A, %dma_start3A_25] : memref<2x10000x128xf32, #tpu.memory_space<hbm>> -> memref<1x640x128xf32, #tpu.memory_space<hbm>>
        %dma_start3A_27 = tpu.memref_squeeze %dma_start3A_26 : memref<1x640x128xf32, #tpu.memory_space<hbm>> -> memref<640x128xf32, #tpu.memory_space<hbm>>
        %dma_start3A_28 = arith.constant 9360 : i32
        %dma_start3A_29 = arith.constant 0 : i32
        %dma_start3A_30 = tpu.memref_slice %arg10[%dma_start3A_28, %dma_start3A_29] : memref<10008x128xf32, #tpu.memory_space<vmem_shared>> -> memref<640x128xf32, #tpu.memory_space<vmem_shared>>
        tpu.enqueue_dma source(%dma_start3A_30 : memref<640x128xf32, #tpu.memory_space<vmem_shared>>) target(%dma_start3A_27 : memref<640x128xf32, #tpu.memory_space<hbm>>) target_semaphore(%run_scoped3A : memref<!tpu.dma_semaphore, #tpu.memory_space<semaphore_mem>>)
        %dma_wait3A = arith.constant 9360 : i32
        %dma_wait3A_31 = arith.constant 0 : i32
        %dma_wait3A_32 = tpu.memref_slice %arg6[%arg0, %dma_wait3A, %dma_wait3A_31] : memref<2x10000x128xf32, #tpu.memory_space<hbm>> -> memref<1x640x128xf32, #tpu.memory_space<hbm>>
        %dma_wait3A_33 = tpu.memref_squeeze %dma_wait3A_32 : memref<1x640x128xf32, #tpu.memory_space<hbm>> -> memref<640x128xf32, #tpu.memory_space<hbm>>
        %dma_wait3A_34 = arith.constant 9360 : i32
        %dma_wait3A_35 = arith.constant 0 : i32
        %dma_wait3A_36 = tpu.memref_slice %arg10[%dma_wait3A_34, %dma_wait3A_35] : memref<10008x128xf32, #tpu.memory_space<vmem_shared>> -> memref<640x128xf32, #tpu.memory_space<vmem_shared>>
        tpu.wait_dma2 semaphore(%run_scoped3A : memref<!tpu.dma_semaphore, #tpu.memory_space<semaphore_mem>>) src(%dma_wait3A_36 : memref<640x128xf32, #tpu.memory_space<vmem_shared>>) dst(%dma_wait3A_33 : memref<640x128xf32, #tpu.memory_space<hbm>>)
        tpu.yield
      }) : () -> ()
    } else {
    }
    return
  }
}

module attributes {stable_mosaic.version = 14 : i64} {
  func.func @_tc_first_body(%arg0: i32, %arg1: memref<1000x128xf32, #tpu.memory_space<vmem>>, %arg2: memref<128x128xf32, #tpu.memory_space<vmem>>, %arg3: memref<1x1000x128xf32, #tpu.memory_space<vmem>>, %arg4: memref<1x1000x128xf32, #tpu.memory_space<vmem>>, %arg5: memref<1000x128xf32, #tpu.memory_space<vmem>>) attributes {dimension_semantics = [#tpu.dimension_semantics<arbitrary>], iteration_bounds = array<i64: 10>, scalar_prefetch = 0 : i64, scratch_operands = 0 : i64, tpu.core_type = #tpu.core_type<tc>, window_params = [{transform_indices = @transform_0, window_bounds = array<i64: 1000, 128>}, {pipeline_mode = #tpu.pipeline_mode<synchronous>, transform_indices = @transform_1, window_bounds = array<i64: 128, 128>}, {transform_indices = @transform_2, window_bounds = array<i64: 1, 1000, 128>}, {transform_indices = @transform_3, window_bounds = array<i64: 1, 1000, 128>}, {transform_indices = @transform_4, window_bounds = array<i64: 1000, 128>}]} {
    %get3A = arith.constant 0 : index
    %get3A_0 = arith.constant 0 : index
    %get3A_1 = arith.constant 0 : index
    %get3A_2 = vector.load %arg3[%get3A, %get3A_0, %get3A_1] : memref<1x1000x128xf32, #tpu.memory_space<vmem>>, vector<1x1000x128xf32>
    %get3A_3 = vector.shape_cast %get3A_2 : vector<1x1000x128xf32> to vector<1000x128xf32>
    %slice3A = vector.extract_strided_slice %get3A_3 {offsets = [0, 0], sizes = [1000, 1], strides = [1, 1]} : vector<1000x128xf32> to vector<1000x1xf32>
    %get3A_4 = arith.constant 0 : index
    %get3A_5 = arith.constant 0 : index
    %get3A_6 = arith.constant 0 : index
    %get3A_7 = vector.load %arg4[%get3A_4, %get3A_5, %get3A_6] : memref<1x1000x128xf32, #tpu.memory_space<vmem>>, vector<1x1000x128xf32>
    %get3A_8 = vector.shape_cast %get3A_7 : vector<1x1000x128xf32> to vector<1000x128xf32>
    %slice3A_9 = vector.extract_strided_slice %get3A_8 {offsets = [0, 0], sizes = [1000, 1], strides = [1, 1]} : vector<1000x128xf32> to vector<1000x1xf32>
    %add3A = arith.addf %slice3A, %slice3A_9 : vector<1000x1xf32>
    %add3A_10 = arith.constant 1.000000e+00 : f32
    %add3A_11 = vector.broadcast %add3A_10 : f32 to vector<1000x1xf32>
    %add3A_12 = arith.addf %add3A, %add3A_11 : vector<1000x1xf32>
    %rsqrt3A = math.rsqrt %add3A_12 : vector<1000x1xf32>
    %get3A_13 = arith.constant 0 : index
    %get3A_14 = arith.constant 0 : index
    %get3A_15 = vector.load %arg1[%get3A_13, %get3A_14] : memref<1000x128xf32, #tpu.memory_space<vmem>>, vector<1000x128xf32>
    %get3A_16 = arith.constant 0 : index
    %get3A_17 = arith.constant 0 : index
    %get3A_18 = vector.load %arg2[%get3A_16, %get3A_17] : memref<128x128xf32, #tpu.memory_space<vmem>>, vector<128x128xf32>
    %dot_general3A = arith.constant dense<0.000000e+00> : vector<1000x128xf32>
    %dot_general3A_19 = tpu.matmul %get3A_15, %get3A_18, %dot_general3A {dimension_numbers = #tpu.dot_dimension_numbers<[1], [0], [0], [1], [0, 0, 1, 1], [], []>, transpose_lhs_hint = false} : vector<1000x128xf32>, vector<128x128xf32>, vector<1000x128xf32> -> vector<1000x128xf32>
    %mul3A = vector.broadcast %rsqrt3A : vector<1000x1xf32> to vector<1000x128xf32>
    %mul3A_20 = arith.mulf %dot_general3A_19, %mul3A : vector<1000x128xf32>
    %swap3A = arith.constant 0 : index
    %swap3A_21 = arith.constant 0 : index
    %swap3A_22 = vector.load %arg5[%swap3A, %swap3A_21] : memref<1000x128xf32, #tpu.memory_space<vmem>>, vector<1000x128xf32>
    tpu.vector_store %arg5[%swap3A, %swap3A_21], %mul3A_20 {strides = array<i32>} : memref<1000x128xf32, #tpu.memory_space<vmem>>, vector<1000x128xf32>,
    return
  }
  func.func @transform_0(%arg0: i32) -> (i32, i32) {
    %c0_i32 = arith.constant 0 : i32
    %c0_i32_0 = arith.constant 0 : i32
    return %arg0, %c0_i32 : i32, i32
  }
  func.func @transform_1(%arg0: i32) -> (i32, i32) {
    %c0_i32 = arith.constant 0 : i32
    %c0_i32_0 = arith.constant 0 : i32
    %c0_i32_1 = arith.constant 0 : i32
    return %c0_i32, %c0_i32_0 : i32, i32
  }
  func.func @transform_2(%arg0: i32) -> (i32, i32, i32) {
    %c0_i32 = arith.constant 0 : i32
    %c0_i32_0 = arith.constant 0 : i32
    %c0_i32_1 = arith.constant 0 : i32
    return %c0_i32, %arg0, %c0_i32_0 : i32, i32, i32
  }
  func.func @transform_3(%arg0: i32) -> (i32, i32, i32) {
    %c1_i32 = arith.constant 1 : i32
    %c0_i32 = arith.constant 0 : i32
    %c0_i32_0 = arith.constant 0 : i32
    return %c1_i32, %arg0, %c0_i32 : i32, i32, i32
  }
  func.func @transform_4(%arg0: i32) -> (i32, i32) {
    %c0_i32 = arith.constant 0 : i32
    %c0_i32_0 = arith.constant 0 : i32
    return %arg0, %c0_i32 : i32, i32
  }
}

module attributes {stable_mosaic.version = 14 : i64} {
  func.func @_tc_last_body(%arg0: i32, %arg1: memref<1x1000x128xf32, #tpu.memory_space<vmem>>, %arg2: memref<1x1000x128xf32, #tpu.memory_space<vmem>>, %arg3: memref<1x128xf32, #tpu.memory_space<vmem>>, %arg4: memref<1x1000x128xf32, #tpu.memory_space<vmem>>, %arg5: memref<1x1000x128xf32, #tpu.memory_space<vmem>>, %arg6: memref<1000x128xf32, #tpu.memory_space<vmem>>) attributes {dimension_semantics = [#tpu.dimension_semantics<arbitrary>], iteration_bounds = array<i64: 10>, scalar_prefetch = 0 : i64, scratch_operands = 0 : i64, tpu.core_type = #tpu.core_type<tc>, window_params = [{transform_indices = @transform_0, window_bounds = array<i64: 1, 1000, 128>}, {transform_indices = @transform_1, window_bounds = array<i64: 1, 1000, 128>}, {pipeline_mode = #tpu.pipeline_mode<synchronous>, transform_indices = @transform_2, window_bounds = array<i64: 1, 128>}, {transform_indices = @transform_3, window_bounds = array<i64: 1, 1000, 128>}, {transform_indices = @transform_4, window_bounds = array<i64: 1, 1000, 128>}, {transform_indices = @transform_5, window_bounds = array<i64: 1000, 128>}]} {
    %get3A = arith.constant 0 : index
    %get3A_0 = arith.constant 0 : index
    %get3A_1 = arith.constant 0 : index
    %get3A_2 = vector.load %arg4[%get3A, %get3A_0, %get3A_1] : memref<1x1000x128xf32, #tpu.memory_space<vmem>>, vector<1x1000x128xf32>
    %get3A_3 = vector.shape_cast %get3A_2 : vector<1x1000x128xf32> to vector<1000x128xf32>
    %slice3A = vector.extract_strided_slice %get3A_3 {offsets = [0, 0], sizes = [1000, 1], strides = [1, 1]} : vector<1000x128xf32> to vector<1000x1xf32>
    %get3A_4 = arith.constant 0 : index
    %get3A_5 = arith.constant 0 : index
    %get3A_6 = arith.constant 0 : index
    %get3A_7 = vector.load %arg5[%get3A_4, %get3A_5, %get3A_6] : memref<1x1000x128xf32, #tpu.memory_space<vmem>>, vector<1x1000x128xf32>
    %get3A_8 = vector.shape_cast %get3A_7 : vector<1x1000x128xf32> to vector<1000x128xf32>
    %slice3A_9 = vector.extract_strided_slice %get3A_8 {offsets = [0, 0], sizes = [1000, 1], strides = [1, 1]} : vector<1000x128xf32> to vector<1000x1xf32>
    %add3A = arith.addf %slice3A, %slice3A_9 : vector<1000x1xf32>
    %add3A_10 = arith.constant 1.000000e+00 : f32
    %add3A_11 = vector.broadcast %add3A_10 : f32 to vector<1000x1xf32>
    %add3A_12 = arith.addf %add3A, %add3A_11 : vector<1000x1xf32>
    %rsqrt3A = math.rsqrt %add3A_12 : vector<1000x1xf32>
    %get3A_13 = arith.constant 0 : index
    %get3A_14 = arith.constant 0 : index
    %get3A_15 = arith.constant 0 : index
    %get3A_16 = vector.load %arg1[%get3A_13, %get3A_14, %get3A_15] : memref<1x1000x128xf32, #tpu.memory_space<vmem>>, vector<1x1000x128xf32>
    %get3A_17 = vector.shape_cast %get3A_16 : vector<1x1000x128xf32> to vector<1000x128xf32>
    %get3A_18 = arith.constant 0 : index
    %get3A_19 = arith.constant 0 : index
    %get3A_20 = arith.constant 0 : index
    %get3A_21 = vector.load %arg2[%get3A_18, %get3A_19, %get3A_20] : memref<1x1000x128xf32, #tpu.memory_space<vmem>>, vector<1x1000x128xf32>
    %get3A_22 = vector.shape_cast %get3A_21 : vector<1x1000x128xf32> to vector<1000x128xf32>
    %add3A_23 = arith.addf %get3A_17, %get3A_22 : vector<1000x128xf32>
    %mul3A = vector.broadcast %rsqrt3A : vector<1000x1xf32> to vector<1000x128xf32>
    %mul3A_24 = arith.mulf %add3A_23, %mul3A : vector<1000x128xf32>
    %get3A_25 = arith.constant 0 : index
    %get3A_26 = arith.constant 0 : index
    %get3A_27 = vector.load %arg3[%get3A_25, %get3A_26] : memref<1x128xf32, #tpu.memory_space<vmem>>, vector<1x128xf32>
    %add3A_28 = vector.broadcast %get3A_27 : vector<1x128xf32> to vector<1000x128xf32>
    %add3A_29 = arith.addf %mul3A_24, %add3A_28 : vector<1000x128xf32>
    %tanh3A = math.tanh %add3A_29 : vector<1000x128xf32>
    %swap3A = arith.constant 0 : index
    %swap3A_30 = arith.constant 0 : index
    %swap3A_31 = vector.load %arg6[%swap3A, %swap3A_30] : memref<1000x128xf32, #tpu.memory_space<vmem>>, vector<1000x128xf32>
    tpu.vector_store %arg6[%swap3A, %swap3A_30], %tanh3A {strides = array<i32>} : memref<1000x128xf32, #tpu.memory_space<vmem>>, vector<1000x128xf32>,
    return
  }
  func.func @transform_0(%arg0: i32) -> (i32, i32, i32) {
    %c0_i32 = arith.constant 0 : i32
    %c0_i32_0 = arith.constant 0 : i32
    %c0_i32_1 = arith.constant 0 : i32
    return %c0_i32, %arg0, %c0_i32_0 : i32, i32, i32
  }
  func.func @transform_1(%arg0: i32) -> (i32, i32, i32) {
    %c1_i32 = arith.constant 1 : i32
    %c0_i32 = arith.constant 0 : i32
    %c0_i32_0 = arith.constant 0 : i32
    return %c1_i32, %arg0, %c0_i32 : i32, i32, i32
  }
  func.func @transform_2(%arg0: i32) -> (i32, i32) {
    %c0_i32 = arith.constant 0 : i32
    %c0_i32_0 = arith.constant 0 : i32
    %c0_i32_1 = arith.constant 0 : i32
    return %c0_i32, %c0_i32_0 : i32, i32
  }
  func.func @transform_3(%arg0: i32) -> (i32, i32, i32) {
    %c0_i32 = arith.constant 0 : i32
    %c0_i32_0 = arith.constant 0 : i32
    %c0_i32_1 = arith.constant 0 : i32
    return %c0_i32, %arg0, %c0_i32_0 : i32, i32, i32
  }
  func.func @transform_4(%arg0: i32) -> (i32, i32, i32) {
    %c1_i32 = arith.constant 1 : i32
    %c0_i32 = arith.constant 0 : i32
    %c0_i32_0 = arith.constant 0 : i32
    return %c1_i32, %arg0, %c0_i32 : i32, i32, i32
  }
  func.func @transform_5(%arg0: i32) -> (i32, i32) {
    %c0_i32 = arith.constant 0 : i32
    %c0_i32_0 = arith.constant 0 : i32
    return %arg0, %c0_i32 : i32, i32
  }
}

module attributes {stable_mosaic.version = 14 : i64} {
  func.func @_tc_mid_body(%arg0: i32, %arg1: memref<1x1000x128xf32, #tpu.memory_space<vmem>>, %arg2: memref<1x1000x128xf32, #tpu.memory_space<vmem>>, %arg3: memref<128x128xf32, #tpu.memory_space<vmem>>, %arg4: memref<1x128xf32, #tpu.memory_space<vmem>>, %arg5: memref<1x1000x128xf32, #tpu.memory_space<vmem>>, %arg6: memref<1x1000x128xf32, #tpu.memory_space<vmem>>, %arg7: memref<1000x128xf32, #tpu.memory_space<vmem>>) attributes {dimension_semantics = [#tpu.dimension_semantics<arbitrary>], iteration_bounds = array<i64: 10>, scalar_prefetch = 0 : i64, scratch_operands = 0 : i64, tpu.core_type = #tpu.core_type<tc>, window_params = [{transform_indices = @transform_0, window_bounds = array<i64: 1, 1000, 128>}, {transform_indices = @transform_1, window_bounds = array<i64: 1, 1000, 128>}, {pipeline_mode = #tpu.pipeline_mode<synchronous>, transform_indices = @transform_2, window_bounds = array<i64: 128, 128>}, {pipeline_mode = #tpu.pipeline_mode<synchronous>, transform_indices = @transform_3, window_bounds = array<i64: 1, 128>}, {transform_indices = @transform_4, window_bounds = array<i64: 1, 1000, 128>}, {transform_indices = @transform_5, window_bounds = array<i64: 1, 1000, 128>}, {transform_indices = @transform_6, window_bounds = array<i64: 1000, 128>}]} {
    %get3A = arith.constant 0 : index
    %get3A_0 = arith.constant 0 : index
    %get3A_1 = arith.constant 0 : index
    %get3A_2 = vector.load %arg5[%get3A, %get3A_0, %get3A_1] : memref<1x1000x128xf32, #tpu.memory_space<vmem>>, vector<1x1000x128xf32>
    %get3A_3 = vector.shape_cast %get3A_2 : vector<1x1000x128xf32> to vector<1000x128xf32>
    %slice3A = vector.extract_strided_slice %get3A_3 {offsets = [0, 0], sizes = [1000, 1], strides = [1, 1]} : vector<1000x128xf32> to vector<1000x1xf32>
    %get3A_4 = arith.constant 0 : index
    %get3A_5 = arith.constant 0 : index
    %get3A_6 = arith.constant 0 : index
    %get3A_7 = vector.load %arg6[%get3A_4, %get3A_5, %get3A_6] : memref<1x1000x128xf32, #tpu.memory_space<vmem>>, vector<1x1000x128xf32>
    %get3A_8 = vector.shape_cast %get3A_7 : vector<1x1000x128xf32> to vector<1000x128xf32>
    %slice3A_9 = vector.extract_strided_slice %get3A_8 {offsets = [0, 0], sizes = [1000, 1], strides = [1, 1]} : vector<1000x128xf32> to vector<1000x1xf32>
    %add3A = arith.addf %slice3A, %slice3A_9 : vector<1000x1xf32>
    %add3A_10 = arith.constant 1.000000e+00 : f32
    %add3A_11 = vector.broadcast %add3A_10 : f32 to vector<1000x1xf32>
    %add3A_12 = arith.addf %add3A, %add3A_11 : vector<1000x1xf32>
    %rsqrt3A = math.rsqrt %add3A_12 : vector<1000x1xf32>
    %get3A_13 = arith.constant 0 : index
    %get3A_14 = arith.constant 0 : index
    %get3A_15 = arith.constant 0 : index
    %get3A_16 = vector.load %arg1[%get3A_13, %get3A_14, %get3A_15] : memref<1x1000x128xf32, #tpu.memory_space<vmem>>, vector<1x1000x128xf32>
    %get3A_17 = vector.shape_cast %get3A_16 : vector<1x1000x128xf32> to vector<1000x128xf32>
    %get3A_18 = arith.constant 0 : index
    %get3A_19 = arith.constant 0 : index
    %get3A_20 = arith.constant 0 : index
    %get3A_21 = vector.load %arg2[%get3A_18, %get3A_19, %get3A_20] : memref<1x1000x128xf32, #tpu.memory_space<vmem>>, vector<1x1000x128xf32>
    %get3A_22 = vector.shape_cast %get3A_21 : vector<1x1000x128xf32> to vector<1000x128xf32>
    %add3A_23 = arith.addf %get3A_17, %get3A_22 : vector<1000x128xf32>
    %mul3A = vector.broadcast %rsqrt3A : vector<1000x1xf32> to vector<1000x128xf32>
    %mul3A_24 = arith.mulf %add3A_23, %mul3A : vector<1000x128xf32>
    %get3A_25 = arith.constant 0 : index
    %get3A_26 = arith.constant 0 : index
    %get3A_27 = vector.load %arg4[%get3A_25, %get3A_26] : memref<1x128xf32, #tpu.memory_space<vmem>>, vector<1x128xf32>
    %add3A_28 = vector.broadcast %get3A_27 : vector<1x128xf32> to vector<1000x128xf32>
    %add3A_29 = arith.addf %mul3A_24, %add3A_28 : vector<1000x128xf32>
    %tanh3A = math.tanh %add3A_29 : vector<1000x128xf32>
    %get3A_30 = arith.constant 0 : index
    %get3A_31 = arith.constant 0 : index
    %get3A_32 = vector.load %arg3[%get3A_30, %get3A_31] : memref<128x128xf32, #tpu.memory_space<vmem>>, vector<128x128xf32>
    %dot_general3A = arith.constant dense<0.000000e+00> : vector<1000x128xf32>
    %dot_general3A_33 = tpu.matmul %tanh3A, %get3A_32, %dot_general3A {dimension_numbers = #tpu.dot_dimension_numbers<[1], [0], [0], [1], [0, 0, 1, 1], [], []>, transpose_lhs_hint = false} : vector<1000x128xf32>, vector<128x128xf32>, vector<1000x128xf32> -> vector<1000x128xf32>
    %mul3A_34 = vector.broadcast %rsqrt3A : vector<1000x1xf32> to vector<1000x128xf32>
    %mul3A_35 = arith.mulf %dot_general3A_33, %mul3A_34 : vector<1000x128xf32>
    %swap3A = arith.constant 0 : index
    %swap3A_36 = arith.constant 0 : index
    %swap3A_37 = vector.load %arg7[%swap3A, %swap3A_36] : memref<1000x128xf32, #tpu.memory_space<vmem>>, vector<1000x128xf32>
    tpu.vector_store %arg7[%swap3A, %swap3A_36], %mul3A_35 {strides = array<i32>} : memref<1000x128xf32, #tpu.memory_space<vmem>>, vector<1000x128xf32>,
    return
  }
  func.func @transform_0(%arg0: i32) -> (i32, i32, i32) {
    %c0_i32 = arith.constant 0 : i32
    %c0_i32_0 = arith.constant 0 : i32
    %c0_i32_1 = arith.constant 0 : i32
    return %c0_i32, %arg0, %c0_i32_0 : i32, i32, i32
  }
  func.func @transform_1(%arg0: i32) -> (i32, i32, i32) {
    %c1_i32 = arith.constant 1 : i32
    %c0_i32 = arith.constant 0 : i32
    %c0_i32_0 = arith.constant 0 : i32
    return %c1_i32, %arg0, %c0_i32 : i32, i32, i32
  }
  func.func @transform_2(%arg0: i32) -> (i32, i32) {
    %c0_i32 = arith.constant 0 : i32
    %c0_i32_0 = arith.constant 0 : i32
    %c0_i32_1 = arith.constant 0 : i32
    return %c0_i32, %c0_i32_0 : i32, i32
  }
  func.func @transform_3(%arg0: i32) -> (i32, i32) {
    %c0_i32 = arith.constant 0 : i32
    %c0_i32_0 = arith.constant 0 : i32
    %c0_i32_1 = arith.constant 0 : i32
    return %c0_i32, %c0_i32_0 : i32, i32
  }
  func.func @transform_4(%arg0: i32) -> (i32, i32, i32) {
    %c0_i32 = arith.constant 0 : i32
    %c0_i32_0 = arith.constant 0 : i32
    %c0_i32_1 = arith.constant 0 : i32
    return %c0_i32, %arg0, %c0_i32_0 : i32, i32, i32
  }
  func.func @transform_5(%arg0: i32) -> (i32, i32, i32) {
    %c1_i32 = arith.constant 1 : i32
    %c0_i32 = arith.constant 0 : i32
    %c0_i32_0 = arith.constant 0 : i32
    return %c1_i32, %arg0, %c0_i32 : i32, i32, i32
  }
  func.func @transform_6(%arg0: i32) -> (i32, i32) {
    %c0_i32 = arith.constant 0 : i32
    %c0_i32_0 = arith.constant 0 : i32
    return %arg0, %c0_i32 : i32, i32
  }
}

</mosaic_0001>

<sc_bundles>
// kernel: _run.12.cloned.1.call-start
scs
__scs_entry_jumppad:
0x0: {  	(pc) =	sbr.rel $0x88, $3  }
0x1: {  	(tag) =	ssettag $0x0;
	lr =	simm.s32 $0x1  }
0x2: {  	[smem:$0x3F96] =	sst lr;
	_ =	strace $0xD0000000  }
0x3: {  	_ = 	snop  }
0x4: {  	_ = 	snop  }
0x5: {  	_ = 	snop  }
0x6: {  	_ = 	snop  }
0x7: {  	_ = 	snop  }
__scs_overlays_trampoline_lowered:
0x8: {  	[smem:$0x3FA5] =	sst s0  }
0x9: {  	[smem:$0x3FA6] =	sst s1  }
0xa: {  	[smem:$0x3FA7] =	sst s2  }
0xb: {  	[smem:$0x3FA8] =	sst s3  }
0xc: {  	[smem:$0x3FA9] =	sst s4  }
0xd: {  	[smem:$0x3FAA] =	sst s5  }
0xe: {  	[smem:$0x3FAB] =	sst s6  }
0xf: {  	[smem:$0x3FAC] =	sst s7  }
0x10: {  	[smem:$0x3FAD] =	sst s8  }
0x11: {  	[smem:$0x3FAE] =	sst s9;
	s0 =	simm.s32 @!p0 $0x0  }
0x12: {  	s1 =	sld [smem:$0x3F94];
	s0 =	simm.s32 @p0 $0x1  }
0x13: {  	[smem:$0x3FAF] =	sst s0;
	s0 =	simm.s32 @!p1 $0x0  }
0x14: {  	s2 =	sld [smem:$0x3F93];
	s0 =	simm.s32 @p1 $0x1  }
0x15: {  	[smem:$0x3FB0] =	sst s0;
	s0 =	simm.s32 @!p2 $0x0  }
0x16: {  	s3 =	sld [smem:$0x3FDB];
	s0 =	simm.s32 @p2 $0x1  }
0x17: {  	s4 =	simm.s32 $0x1BF5;
	[smem:$0x3FB2] =	sst s0  }
0x18: {  	s0 =	sld [smem:$0x3F95];
	_ =	swait.ge [sflag:s4], $0x0  }
0x19: {  	s7 =	sld [smem:$0x3F96]  }
0x1a: {  	s8 =	sadd.s32 $0xFFFFE003, lr  }
0x1b: {  	s9 =	sadd.s32 $0xFFFFFEF7, lr;
	s5 =	simm.s32 $0xFFFFFFFF;
	p2 =	slt.u32 s8, $0xFFFFF086  }
0x1c: {  	p1 =	slt.u32 s9, $0xF7A;
	s5 =	simm.s32 @!p2 $0x0  }
0x1d: {  	s5 =	simm.s32 @p1 $0x1;
	p0 =	seq.s32 s7, s2  }
0x1e: {  	s7 =	smul.u32 @!p0 $0xF7A, s2;
	p2 =	seq.s32 @!p0 s5, $0x0  }
0x1f: {  	s9 =	smul.u32 $0xF7A, s1;
	s8 =	simm.s32 @!p0 $0x1BF5;
	p2 =	por !p2, p0  }
0x20: {  	[sflag:s8] =	ssyncset.s32 @!p0 $0xFFFFF086;
	s6 =	sadd.s32 @!p0 s3, s7;
	s7 =	simm.s32 @!p0 $0x108  }
0x21: {  	s3 =	sadd.s32 s3, s9;
	s6 =	sadd.s32 @!p0 $0x88, s6;
	s7 =	simm.s32 @p2 $0x1082  }
0x22: {  	[simem:s7], [sflag:s8] =	dma.local @!p0 [hbm:s6], $0xF7A  }
0x23: {  	s9 =	sor.u32 $0xD0000000, s2;
	s6 =	simm.s32 $0x108;
	_ =	swait.ge @!p0 [sflag:s8], $0x0  }
0x24: {  	s3 =	sadd.s32 $0x88, s3;
	s6 =	simm.s32 @!p1 $0x1082;
	[sflag:s4] =	ssyncset.s32 $0xFFFFF086  }
0x25: {  	[simem:s6], [sflag:s4] =	dma.local [hbm:s3], $0xF7A  }
0x26: {  	[smem:$0x3F96] =	sst s1;
	(tag) =	ssettag s2;
	_ =	strace s9  }
0x27: {  	s1 =	sld [smem:$0x3FA6]  }
0x28: {  	s2 =	sld [smem:$0x3FA7]  }
0x29: {  	s4 =	sld [smem:$0x3FA9]  }
0x2a: {  	p0 =	seq.s32 s5, $0x0;
	s5 =	sld [smem:$0x3FAA]  }
0x2b: {  	s6 =	sld [smem:$0x3FAB]  }
0x2c: {  	s7 =	sld [smem:$0x3FAC]  }
0x2d: {  	s3 =	simm.s32 $0x108;
	s8 =	sld [smem:$0x3FAD]  }
0x2e: {  	s3 =	simm.s32 @!p0 $0x1082;
	s9 =	sld [smem:$0x3FAE]  }
0x2f: {  	lr =	sadd.s32 s0, s3;
	s0 =	sld [smem:$0x3FA5]  }
0x30: {  	s3 =	sld [smem:$0x3FA8]  }
0x31: {  	[smem:$0x3FB1] =	sst s10  }
0x32: {  	s10 =	sld [smem:$0x3FAF];
	_ =	sdelay $0x3  }
0x33: {  	p0 =	seq.s32 s10, $0x1;
	s10 =	sld [smem:$0x3FB1];
	_ =	sdelay $0x3  }
0x34: {  	[smem:$0x3FB1] =	sst s10  }
0x35: {  	s10 =	sld [smem:$0x3FB0];
	_ =	sdelay $0x3  }
0x36: {  	p1 =	seq.s32 s10, $0x1;
	s10 =	sld [smem:$0x3FB1];
	_ =	sdelay $0x3  }
0x37: {  	[smem:$0x3FB1] =	sst s10  }
0x38: {  	s10 =	sld [smem:$0x3FB2]  }
0x39: {  	_ = 	snop;
	(pc) =	sbr.ind lr, $3  }
0x3a: {  	_ = 	snop  }
0x3b: {  	_ = 	snop  }
0x3c: {  	p2 =	seq.s32 s10, $0x1;
	s10 =	sld [smem:$0x3FB1]  }
0x3d: {  	_ =	shalt  }
0x3e: {  	_ =	shalt  }
0x3f: {  	_ =	shalt  }
0x40: {  	_ =	shalt  }
0x41: {  	_ =	shalt  }
0x42: {  	_ =	shalt  }
0x43: {  	_ =	shalt  }
0x44: {  	_ =	shalt  }
0x45: {  	_ =	shalt  }
0x46: {  	_ =	shalt  }
0x47: {  	_ =	shalt  }
0x48: {  	_ =	shalt  }
0x49: {  	_ =	shalt  }
0x4a: {  	_ =	shalt  }
0x4b: {  	_ =	shalt  }
0x4c: {  	_ =	shalt  }
0x4d: {  	_ =	shalt  }
0x4e: {  	_ =	shalt  }
0x4f: {  	_ =	shalt  }
0x50: {  	_ =	shalt  }
0x51: {  	_ =	shalt  }
0x52: {  	_ =	shalt  }
0x53: {  	_ =	shalt  }
0x54: {  	_ =	shalt  }
0x55: {  	_ =	shalt  }
0x56: {  	_ =	shalt  }
0x57: {  	_ =	shalt  }
0x58: {  	_ =	shalt  }
0x59: {  	_ =	shalt  }
0x5a: {  	_ =	shalt  }
0x5b: {  	_ =	shalt  }
0x5c: {  	_ =	shalt  }
0x5d: {  	_ =	shalt  }
0x5e: {  	_ =	shalt  }
0x5f: {  	_ =	shalt  }
0x60: {  	_ =	shalt  }
0x61: {  	_ =	shalt  }
0x62: {  	_ =	shalt  }
0x63: {  	_ =	shalt  }
0x64: {  	_ =	shalt  }
0x65: {  	_ =	shalt  }
0x66: {  	_ =	shalt  }
0x67: {  	_ =	shalt  }
0x68: {  	_ =	shalt  }
0x69: {  	_ =	shalt  }
0x6a: {  	_ =	shalt  }
0x6b: {  	_ =	shalt  }
0x6c: {  	_ =	shalt  }
0x6d: {  	_ =	shalt  }
0x6e: {  	_ =	shalt  }
0x6f: {  	_ =	shalt  }
0x70: {  	_ =	shalt  }
0x71: {  	_ =	shalt  }
0x72: {  	_ =	shalt  }
0x73: {  	_ =	shalt  }
0x74: {  	_ =	shalt  }
0x75: {  	_ =	shalt  }
0x76: {  	_ =	shalt  }
0x77: {  	_ =	shalt  }
0x78: {  	_ =	shalt  }
0x79: {  	_ =	shalt  }
0x7a: {  	_ =	shalt  }
0x7b: {  	_ =	shalt  }
0x7c: {  	_ =	shalt  }
0x7d: {  	_ =	shalt  }
0x7e: {  	_ =	shalt  }
0x7f: {  	_ =	shalt  }
0x80: {  	_ =	shalt  }
0x81: {  	_ =	shalt  }
0x82: {  	_ =	shalt  }
0x83: {  	_ =	shalt  }
0x84: {  	_ =	shalt  }
0x85: {  	_ =	shalt  }
0x86: {  	_ =	shalt  }
0x87: {  	_ =	shalt  }
.Lfunc_end0:
.L_simem_size_0:
called_computation_lowered:
.L_overlay_start_0:
0x88: {  	s2 =	sld [smem:$0x3FD9]  }
0x89: {  	s3 =	sld [smem:$0x3FFE];
	_ =	sdelay $0x1  }
0x8a: {  	s1 =	srdreg.scid  }
0x8b: {  	s0 =	sand.u32 $0x1, s1  }
0x8c: {  	s17 =	sshll.u32 s0, $0xA;
	s2 =	sadd.s32 s3, s2  }
0x8d: {  	s2 =	sadd.s32 s2, s17  }
0x8e: {  	[smem:$0x3FBD] =	sst s2  }
0x8f: {  	_ = 	snop  }
0x90: {  	s2 =	sld [smem:$0x3FD0];
	(tm) =	ssettm $0x1  }
0x91: {  	s18 =	sld [smem:$0x3FFB];
	_ =	sdelay $0x3  }
0x92: {  	_ =	strace s18  }
0x93: {  	s3 =	sld [smem:$0x3FFC];
	_ =	sdelay $0x3  }
0x94: {  	_ =	strace s3  }
0x95: {  	s3 =	sld [smem:$0x3FFD];
	_ =	sdelay $0x3  }
0x96: {  	_ =	strace s3  }
0x97: {  	_ =	strace $0x8FFFFFFF  }
0x98: {  	s19 =	sld [smem:$0x3FDB];
	_ =	sdelay $0x1  }
0x99: {  	s4 =	simm.s32 $_scs_section_size  }
0x9a: {  	s5 =	simm.s32 $_size__tile_overlayer_lowered;
	s6 =	simm.s32 $_tile_overlayer_lowered  }
0x9b: {  	s22 =	simm.s32 $0x1BFF;
	s21 =	sshll.u32 s6, $0x1;
	s3 =	sadd.s32 s4, s19  }
0x9c: {  	s7 =	simm.s32 $0x0;
	s20 =	sshll.u32 s5, $0x1;
	s5 =	sadd.s32 s21, s3  }
0x9d: {  	[timem:s7], [sflag:s22] =	dma.local [hbm:s5], s20  }
0x9e: {  	_ =	swait.ge [sflag:s22], s20  }
0x9f: {  	s4 =	ssub.s32 $0x0, s20;
	[sflag:s22] =	ssyncset.done $0x0  }
0xa0: {  	[sflag:s22] =	ssyncadd.s32 s4;
	_ =	sdelay $0x1  }
0xa1: {  	s23 =	simm.s32 $0x1B8B  }
0xa2: {  	_ =	swait.ge [sflag:s23], $0x1  }
0xa3: {  	[sflag:s23] =	ssyncset.done $0x0  }
0xa4: {  	s25 =	simm.s32 $0x1B8E;
	s24 =	sld [smem:$0x3FFE];
	[sflag:s23] =	ssyncadd.s32 $0xFFFFFFFF  }
0xa5: {  	s26 =	simm.s32 $execute0_lowered;
	[smem:$0x3FD2] =	sst s25  }
0xa6: {  	s5 =	sshll.u32 s26, $0x1;
	_ =	strace $0x80000046;
	[dreg:$0x1] =	wrdreg $0xFFFFFFFF  }
0xa7: {  	s28 =	simm.s32 $_size_execute0_lowered;
	s3 =	sadd.s32 s3, s5;
	[dreg:$0x0] =	wrdreg $0x0  }
0xa8: {  	s5 =	sshll.u32 s28, $0x1;
	[dreg:$0x2] =	wrdreg s3  }
0xa9: {  	[dreg:$0x3] =	wrdreg s5  }
0xaa: {  	[dreg:$0x4] =	wrdreg $0xC0  }
0xab: {  	_ =	task [dreg:s7], $0x5FFFF  }
0xac: {  	[dreg:$0x1] =	wrdreg $0xFFFFFFFF  }
0xad: {  	[dreg:$0x0] =	wrdreg $0x60  }
0xae: {  	[dreg:$0x2] =	wrdreg s24  }
0xaf: {  	[dreg:$0x3] =	wrdreg s2  }
0xb0: {  	[dreg:$0x4] =	wrdreg $0x68000  }
0xb1: {  	[dreg:$0x5] =	wrdreg $0x9  }
0xb2: {  	_ =	task.clear_ibuf [dreg:s7], $0x6FFFF;
	_ =	strace $0x90000046  }
0xb3: {  	s29 =	simm.s32 $0x9;
	_ =	strace $0x80000048  }
0xb4: {  	_ =	swait.ge [sflag:s29], $0x1  }
0xb5: {  	[sflag:s29] =	ssyncadd.s32 $0xFFFFFFFF  }
0xb6: {  	_ =	strace $0x90000048  }
0xb7: {  	_ =	sfence  }
0xb8: {  	s30 =	sld [smem:$0x0];
	_ =	sdelay $0x2  }
0xb9: {  	s31 =	sshll.u32 s1, $0xD;
	s1 =	sshrl.u32 s1, $0x2  }
0xba: {  	s3 =	sand.u32 $0x4000, s31;
	s1 =	sadd.s32 s1, s30  }
0xbb: {  	s0 =	sor.u32 s3, s0;
	s1 =	sshll.u32 s1, $0x11  }
0xbc: {  	s0 =	sor.u32 s1, s0  }
0xbd: {  	s0 =	sadd.s32 $0x8F2B, s0  }
0xbe: {  	[sflag:s0] =	ssyncadd.remote.s32 $0x1  }
0xbf: {  	_ =	sfence.sel $0xFFFF  }
0xc0: {  	[dreg:$0x0] =	wrdreg $0xFFFFFFFF;
	(pc) =	sbr.abs _section_cstart, $3  }
0xc1: {  	[dreg:$0x1] =	wrdreg $0xFFFFFFFF  }
0xc2: {  	_ =	task.clear_ibuf [dreg:s7], $0x2FFFF;
	_ =	strace $0x9FFFFFFF  }
0xc3: {  	(tm) =	ssettm $0x7FFFFFFF  }
tec
execute0_lowered:
.L_overlay_start_1:
0x0: {  	(tag) =	ssettag $0x1  }
0x1: {  	s5 =	rddreg [dreg:$0x0]  }
0x2: {  	s0 =	srdreg.scid;
	s7 =	rddreg [dreg:$0x1]  }
0x3: {  	s2 =	rddreg [dreg:$0x2];
	s6 =	sand.u32 $0x1, s0;
	s0 =	stileid.u32  }
0x4: {  	s3 =	simm.s32 $0x0;
	s15 =	simm.s32 $0x1;
	s9 =	smul.u32 $0x4E000, s0  }
0x5: {  	s16 =	simm.s32 $0x80;
	s17 =	simm.s32 $0x0;
	s11 =	smul.u32 $0x2700, s0  }
0x6: {  	[smem:$0x7FF] =	sst s3;
	s12 =	sadd.s32 $0x19400, s5;
	s13 =	smul.u32 $0x138800, s6  }
0x7: {  	s1 =	sshll.u32 s6, $0x4;
	s10 =	ssub.s32 $0x2, s6;
	s29 =	smul.u32 $0x13800, s0  }
0x8: {  	s6 =	sadd.s32 $0x24900, s7;
	p0 =	seq.s32 s0, $0xF;
	s4 =	sor.u32 s0, s1  }
0x9: {  	s1 =	rddreg [dreg:$0x3];
	_ =	strace $0x80000047;
	s26 =	sshrl.u32 s10, $0x1  }
0xa: {  	s4 =	smul.u32 $0x500, s4;
	s10 =	ssub.s32 s10, s26;
	s28 =	sshrl.u32 s9, $0x2  }
0xb: {  	s9 =	sadd.s32 s29, s13;
	s13 =	sshrl.u32 s13, $0x3;
	s14 =	sadd.s32 s28, s2  }
0xc: {  	s30 =	sshrl.u32 s9, $0x3;
	s31 =	sadd.s32 s12, s13;
	s10 =	smax.u32 s10, $0x1  }
0xd: {  	s8 =	sadd.s32 s4, s5;
	s4 =	sadd.s32 $0x18C00, s5;
	s5 =	sadd.s32 s7, s11  }
0xe: {  	s11 =	sadd.s32 $0x124800, s2;
	s9 =	sadd.s32 $0x24900, s31;
	s13 =	sshrl.u32 @!p0 s14, $0x3  }
0xf: {  	s7 =	sadd.s32 $0xEC00, s8;
	s8 =	sadd.s32 s12, s30;
	s12 =	sshll.u32 @!p0 s0, $0x6  }
0x10: {  	s14 =	simm.s32 $0x2800;
	s11 =	sshrl.u32 @p0 s11, $0x3;
	s12 =	sor.u32 @!p0 $0x1C01, s12  }
.LBB2_1:
0x11: {  	s18 =	simm.s32 @p0 $0x1FC1  }
0x12: {  	[spmem:s11], [sflag:s18] =	dma.local @p0 [hbm:s6], $0x2800  }
0x13: {  	s18 =	simm.s32 @p0 $0x1  }
0x14: {  	_ =	swait.ge @p0 [sflag:s18], $0x2800  }
0x15: {  	[sflag:s18] =	ssyncset.done @p0 $0x0  }
0x16: {  	[sflag:s18] =	ssyncadd.s32 @p0 $0xFFFFD800;
	s18 =	simm.s32 @!p0 $0x1  }
0x17: {  	[spmem:s13], [sflag:s12] =	dma.local @!p0 [hbm:s5], $0x2700  }
0x18: {  	_ =	swait.ge @!p0 [sflag:s18], $0x2700  }
0x19: {  	[sflag:s18] =	ssyncset.done @!p0 $0x0  }
0x1a: {  	[sflag:s18] =	ssyncadd.s32 @!p0 $0xFFFFD900  }
0x1b: {  	[tilespmem:s14], [sflag:$0x1] =	stream.linear.gather [hbm4b:s4+s3], $0x4000, $0x38;
	[tilespmem:$0x1A0C0] =	vst v63  }
0x1c: {  	_ =	swait.ge [sflag:s15], $0x4000  }
0x1d: {  	[sflag:s15] =	ssyncset.done $0x0  }
0x1e: {  	[sflag:s15] =	ssyncadd.s32 $0xFFFFC000  }
0x1f: {  	[tilespmem:s3], [sflag:$0x1] =	stream.linear.gather [hbm4b:s7+s3], $0x2780, $0x38;
	[tilespmem:$0x1A0C0] =	vst v63  }
0x20: {  	_ =	swait.ge [sflag:s15], $0x2780  }
0x21: {  	[sflag:s15] =	ssyncset.done $0x0  }
0x22: {  	[sflag:s15] =	ssyncadd.s32 $0xFFFFD880  }
0x23: {  	s31 =	simm.s32 $0x0;
	[bflag:$0x0] =	sbarrier.arrive $0xFFFF  }
0x24: {  	[spmem:s2] =	stream.indirect.scatter.add.f32 [tilespmem:s14], [sflag:$0x1], $0x80, s31, s16, $0xb8;
	[tilespmem:$0x1A0C0] =	vst v63  }
0x25: {  	_ =	swait.ge [sflag:s15], $0x4000  }
0x26: {  	s18 =	simm.s32 $0x200;
	[sflag:s15] =	ssyncset.done $0x0  }
.LBB2_2:
0x27: {  	s19 =	sshra.s32 s18, $0x2;
	[sflag:s15] =	ssyncadd.s32 $0xFFFFC000;
	p1 =	sne.s32 s18, $0x9C00  }
0x28: {  	[spmem:s2] =	stream.indirect.scatter.add.f32 [tilespmem:s14], [sflag:$0x1], $0x80, s19, s16, $0xb8;
	[tilespmem:$0x1A0C0] =	vst v63  }
.Ltmp0:
0x29: {  	_ = 	snop;
	(pc) =	sbr.rel @p1 .LBB2_2-.Ltmp0, $4  }
0x2a: {  	_ = 	snop  }
0x2b: {  	s18 =	sadd.s32 $0x200, s18  }
0x2c: {  	_ =	swait.ge [sflag:s15], $0x4000  }
0x2d: {  	[sflag:s15] =	ssyncset.done $0x0  }
0x2e: {  	[sflag:s15] =	ssyncadd.s32 $0xFFFFC000  }
0x2f: {  	s18 =	simm.s32 @p0 $0x1FC1;
	[bflag:$0x0] =	sbarrier.arrive $0xFFFF  }
0x30: {  	[hbm:s9], [sflag:s18] =	dma.local @p0 [spmem:s11], $0x2800  }
0x31: {  	s18 =	simm.s32 @p0 $0x1  }
0x32: {  	s17 =	sadd.s32 $0x1, s17;
	_ =	swait.ge @p0 [sflag:s18], $0x2800  }
0x33: {  	p1 =	sne.s32 s17, s10;
	[sflag:s18] =	ssyncset.done @p0 $0x0  }
.Ltmp1:
0x34: {  	[sflag:s18] =	ssyncadd.s32 @p0 $0xFFFFD800;
	s18 =	simm.s32 @!p0 $0x1;
	(pc) =	sbr.rel @p1 .LBB2_1-.Ltmp1, $4  }
0x35: {  	[hbm:s8], [sflag:s12] =	dma.local @!p0 [spmem:s13], $0x2700  }
0x36: {  	_ =	swait.ge @!p0 [sflag:s18], $0x2700  }
0x37: {  	[sflag:s18] =	ssyncset.done @!p0 $0x0  }
0x38: {  	[sflag:s18] =	ssyncadd.s32 @!p0 $0xFFFFD900  }
0x39: {  	_ =	sfence.sel $0x180000  }
0x3a: {  	[bflag:$0x0] =	sbarrier.arrive $0xFFFF  }
0x3b: {  	p0 =	sne.s32 s0, $0x0;
	_ =	strace $0x90000047  }
0x3c: {  	s0 =	sadd.s32 @!p0 $0x100000, s1;
	[bflag:$0x2] =	sbarrier.arrive $0xFFFF  }
0x3d: {  	[sflag:s0] =	ssyncadd.tile.s32 @!p0 $0x1;
	_ =	shalt  }
.Lfunc_end2:
_tile_overlayer_lowered:
.L_overlay_start_2:
0x3e: {  	(tag) =	ssettag $0x2  }
0x3f: {  	s0 =	rddreg [dreg:$0x0];
	s2 =	stileid.u32  }
0x40: {  	s1 =	rddreg [dreg:$0x1];
	p0 =	sne.s32 s2, $0x0  }
0x41: {  	s3 =	rddreg [dreg:$0x2];
	[bflag:$0x3] =	sbarrier.arrive $0xFFFF;
	s2 =	simm.s32 @!p0 $0x1C01  }
0x42: {  	[timem:s3], [sflag:s2] =	dma.local @!p0 [hbm:s0], s1  }
0x43: {  	s0 =	simm.s32 @!p0 $0x1  }
0x44: {  	_ =	swait.ge @!p0 [sflag:s0], s1  }
0x45: {  	s1 =	ssub.s32 @!p0 $0x0, s1;
	[sflag:s0] =	ssyncset.done @!p0 $0x0  }
0x46: {  	[sflag:s0] =	ssyncadd.s32 @!p0 s1  }
0x47: {  	[bflag:$0x3] =	sbarrier.arrive $0xFFFF  }
0x48: {  	_ =	shalt  }

// kernel: _run.15.cloned.1.call-start
scs
__scs_entry_jumppad:
0x0: {  	(pc) =	sbr.rel $0x88, $3  }
0x1: {  	(tag) =	ssettag $0x0;
	lr =	simm.s32 $0x1  }
0x2: {  	[smem:$0x3F96] =	sst lr;
	_ =	strace $0xD0000000  }
0x3: {  	_ = 	snop  }
0x4: {  	_ = 	snop  }
0x5: {  	_ = 	snop  }
0x6: {  	_ = 	snop  }
0x7: {  	_ = 	snop  }
__scs_overlays_trampoline_lowered:
0x8: {  	[smem:$0x3FA5] =	sst s0  }
0x9: {  	[smem:$0x3FA6] =	sst s1  }
0xa: {  	[smem:$0x3FA7] =	sst s2  }
0xb: {  	[smem:$0x3FA8] =	sst s3  }
0xc: {  	[smem:$0x3FA9] =	sst s4  }
0xd: {  	[smem:$0x3FAA] =	sst s5  }
0xe: {  	[smem:$0x3FAB] =	sst s6  }
0xf: {  	[smem:$0x3FAC] =	sst s7  }
0x10: {  	[smem:$0x3FAD] =	sst s8  }
0x11: {  	[smem:$0x3FAE] =	sst s9;
	s0 =	simm.s32 @!p0 $0x0  }
0x12: {  	s1 =	sld [smem:$0x3F94];
	s0 =	simm.s32 @p0 $0x1  }
0x13: {  	[smem:$0x3FAF] =	sst s0;
	s0 =	simm.s32 @!p1 $0x0  }
0x14: {  	s2 =	sld [smem:$0x3F93];
	s0 =	simm.s32 @p1 $0x1  }
0x15: {  	[smem:$0x3FB0] =	sst s0;
	s0 =	simm.s32 @!p2 $0x0  }
0x16: {  	s3 =	sld [smem:$0x3FDB];
	s0 =	simm.s32 @p2 $0x1  }
0x17: {  	s4 =	simm.s32 $0x1BF5;
	[smem:$0x3FB2] =	sst s0  }
0x18: {  	s0 =	sld [smem:$0x3F95];
	_ =	swait.ge [sflag:s4], $0x0  }
0x19: {  	s7 =	sld [smem:$0x3F96]  }
0x1a: {  	s8 =	sadd.s32 $0xFFFFE003, lr  }
0x1b: {  	s9 =	sadd.s32 $0xFFFFFEF7, lr;
	s5 =	simm.s32 $0xFFFFFFFF;
	p2 =	slt.u32 s8, $0xFFFFF086  }
0x1c: {  	p1 =	slt.u32 s9, $0xF7A;
	s5 =	simm.s32 @!p2 $0x0  }
0x1d: {  	s5 =	simm.s32 @p1 $0x1;
	p0 =	seq.s32 s7, s2  }
0x1e: {  	s7 =	smul.u32 @!p0 $0xF7A, s2;
	p2 =	seq.s32 @!p0 s5, $0x0  }
0x1f: {  	s9 =	smul.u32 $0xF7A, s1;
	s8 =	simm.s32 @!p0 $0x1BF5;
	p2 =	por !p2, p0  }
0x20: {  	[sflag:s8] =	ssyncset.s32 @!p0 $0xFFFFF086;
	s6 =	sadd.s32 @!p0 s3, s7;
	s7 =	simm.s32 @!p0 $0x108  }
0x21: {  	s3 =	sadd.s32 s3, s9;
	s6 =	sadd.s32 @!p0 $0x88, s6;
	s7 =	simm.s32 @p2 $0x1082  }
0x22: {  	[simem:s7], [sflag:s8] =	dma.local @!p0 [hbm:s6], $0xF7A  }
0x23: {  	s9 =	sor.u32 $0xD0000000, s2;
	s6 =	simm.s32 $0x108;
	_ =	swait.ge @!p0 [sflag:s8], $0x0  }
0x24: {  	s3 =	sadd.s32 $0x88, s3;
	s6 =	simm.s32 @!p1 $0x1082;
	[sflag:s4] =	ssyncset.s32 $0xFFFFF086  }
0x25: {  	[simem:s6], [sflag:s4] =	dma.local [hbm:s3], $0xF7A  }
0x26: {  	[smem:$0x3F96] =	sst s1;
	(tag) =	ssettag s2;
	_ =	strace s9  }
0x27: {  	s1 =	sld [smem:$0x3FA6]  }
0x28: {  	s2 =	sld [smem:$0x3FA7]  }
0x29: {  	s4 =	sld [smem:$0x3FA9]  }
0x2a: {  	p0 =	seq.s32 s5, $0x0;
	s5 =	sld [smem:$0x3FAA]  }
0x2b: {  	s6 =	sld [smem:$0x3FAB]  }
0x2c: {  	s7 =	sld [smem:$0x3FAC]  }
0x2d: {  	s3 =	simm.s32 $0x108;
	s8 =	sld [smem:$0x3FAD]  }
0x2e: {  	s3 =	simm.s32 @!p0 $0x1082;
	s9 =	sld [smem:$0x3FAE]  }
0x2f: {  	lr =	sadd.s32 s0, s3;
	s0 =	sld [smem:$0x3FA5]  }
0x30: {  	s3 =	sld [smem:$0x3FA8]  }
0x31: {  	[smem:$0x3FB1] =	sst s10  }
0x32: {  	s10 =	sld [smem:$0x3FAF];
	_ =	sdelay $0x3  }
0x33: {  	p0 =	seq.s32 s10, $0x1;
	s10 =	sld [smem:$0x3FB1];
	_ =	sdelay $0x3  }
0x34: {  	[smem:$0x3FB1] =	sst s10  }
0x35: {  	s10 =	sld [smem:$0x3FB0];
	_ =	sdelay $0x3  }
0x36: {  	p1 =	seq.s32 s10, $0x1;
	s10 =	sld [smem:$0x3FB1];
	_ =	sdelay $0x3  }
0x37: {  	[smem:$0x3FB1] =	sst s10  }
0x38: {  	s10 =	sld [smem:$0x3FB2]  }
0x39: {  	_ = 	snop;
	(pc) =	sbr.ind lr, $3  }
0x3a: {  	_ = 	snop  }
0x3b: {  	_ = 	snop  }
0x3c: {  	p2 =	seq.s32 s10, $0x1;
	s10 =	sld [smem:$0x3FB1]  }
0x3d: {  	_ =	shalt  }
0x3e: {  	_ =	shalt  }
0x3f: {  	_ =	shalt  }
0x40: {  	_ =	shalt  }
0x41: {  	_ =	shalt  }
0x42: {  	_ =	shalt  }
0x43: {  	_ =	shalt  }
0x44: {  	_ =	shalt  }
0x45: {  	_ =	shalt  }
0x46: {  	_ =	shalt  }
0x47: {  	_ =	shalt  }
0x48: {  	_ =	shalt  }
0x49: {  	_ =	shalt  }
0x4a: {  	_ =	shalt  }
0x4b: {  	_ =	shalt  }
0x4c: {  	_ =	shalt  }
0x4d: {  	_ =	shalt  }
0x4e: {  	_ =	shalt  }
0x4f: {  	_ =	shalt  }
0x50: {  	_ =	shalt  }
0x51: {  	_ =	shalt  }
0x52: {  	_ =	shalt  }
0x53: {  	_ =	shalt  }
0x54: {  	_ =	shalt  }
0x55: {  	_ =	shalt  }
0x56: {  	_ =	shalt  }
0x57: {  	_ =	shalt  }
0x58: {  	_ =	shalt  }
0x59: {  	_ =	shalt  }
0x5a: {  	_ =	shalt  }
0x5b: {  	_ =	shalt  }
0x5c: {  	_ =	shalt  }
0x5d: {  	_ =	shalt  }
0x5e: {  	_ =	shalt  }
0x5f: {  	_ =	shalt  }
0x60: {  	_ =	shalt  }
0x61: {  	_ =	shalt  }
0x62: {  	_ =	shalt  }
0x63: {  	_ =	shalt  }
0x64: {  	_ =	shalt  }
0x65: {  	_ =	shalt  }
0x66: {  	_ =	shalt  }
0x67: {  	_ =	shalt  }
0x68: {  	_ =	shalt  }
0x69: {  	_ =	shalt  }
0x6a: {  	_ =	shalt  }
0x6b: {  	_ =	shalt  }
0x6c: {  	_ =	shalt  }
0x6d: {  	_ =	shalt  }
0x6e: {  	_ =	shalt  }
0x6f: {  	_ =	shalt  }
0x70: {  	_ =	shalt  }
0x71: {  	_ =	shalt  }
0x72: {  	_ =	shalt  }
0x73: {  	_ =	shalt  }
0x74: {  	_ =	shalt  }
0x75: {  	_ =	shalt  }
0x76: {  	_ =	shalt  }
0x77: {  	_ =	shalt  }
0x78: {  	_ =	shalt  }
0x79: {  	_ =	shalt  }
0x7a: {  	_ =	shalt  }
0x7b: {  	_ =	shalt  }
0x7c: {  	_ =	shalt  }
0x7d: {  	_ =	shalt  }
0x7e: {  	_ =	shalt  }
0x7f: {  	_ =	shalt  }
0x80: {  	_ =	shalt  }
0x81: {  	_ =	shalt  }
0x82: {  	_ =	shalt  }
0x83: {  	_ =	shalt  }
0x84: {  	_ =	shalt  }
0x85: {  	_ =	shalt  }
0x86: {  	_ =	shalt  }
0x87: {  	_ =	shalt  }
.Lfunc_end0:
.L_simem_size_0:
called_computation.1_lowered:
.L_overlay_start_0:
0x88: {  	s2 =	sld [smem:$0x3FD9]  }
0x89: {  	s3 =	sld [smem:$0x3FFE];
	_ =	sdelay $0x1  }
0x8a: {  	s1 =	srdreg.scid  }
0x8b: {  	s0 =	sand.u32 $0x1, s1  }
0x8c: {  	s17 =	sshll.u32 s0, $0xA;
	s2 =	sadd.s32 s3, s2  }
0x8d: {  	s2 =	sadd.s32 s2, s17  }
0x8e: {  	[smem:$0x3FBD] =	sst s2  }
0x8f: {  	_ = 	snop  }
0x90: {  	s2 =	sld [smem:$0x3FD0];
	(tm) =	ssettm $0x1  }
0x91: {  	s18 =	sld [smem:$0x3FFB];
	_ =	sdelay $0x3  }
0x92: {  	_ =	strace s18  }
0x93: {  	s3 =	sld [smem:$0x3FFC];
	_ =	sdelay $0x3  }
0x94: {  	_ =	strace s3  }
0x95: {  	s3 =	sld [smem:$0x3FFD];
	_ =	sdelay $0x3  }
0x96: {  	_ =	strace s3  }
0x97: {  	_ =	strace $0x8FFFFFFF  }
0x98: {  	s19 =	sld [smem:$0x3FDB];
	_ =	sdelay $0x1  }
0x99: {  	s4 =	simm.s32 $_scs_section_size  }
0x9a: {  	s5 =	simm.s32 $_size__tile_overlayer_lowered;
	s6 =	simm.s32 $_tile_overlayer_lowered  }
0x9b: {  	s22 =	simm.s32 $0x1BFF;
	s21 =	sshll.u32 s6, $0x1;
	s3 =	sadd.s32 s4, s19  }
0x9c: {  	s7 =	simm.s32 $0x0;
	s20 =	sshll.u32 s5, $0x1;
	s5 =	sadd.s32 s21, s3  }
0x9d: {  	[timem:s7], [sflag:s22] =	dma.local [hbm:s5], s20  }
0x9e: {  	_ =	swait.ge [sflag:s22], s20  }
0x9f: {  	s4 =	ssub.s32 $0x0, s20;
	[sflag:s22] =	ssyncset.done $0x0  }
0xa0: {  	[sflag:s22] =	ssyncadd.s32 s4;
	_ =	sdelay $0x1  }
0xa1: {  	s23 =	simm.s32 $0x1B8B  }
0xa2: {  	_ =	swait.ge [sflag:s23], $0x1  }
0xa3: {  	[sflag:s23] =	ssyncset.done $0x0  }
0xa4: {  	s25 =	simm.s32 $0x1B8E;
	s24 =	sld [smem:$0x3FFE];
	[sflag:s23] =	ssyncadd.s32 $0xFFFFFFFF  }
0xa5: {  	s26 =	simm.s32 $execute0_lowered;
	[smem:$0x3FD2] =	sst s25  }
0xa6: {  	s5 =	sshll.u32 s26, $0x1;
	_ =	strace $0x80000049;
	[dreg:$0x1] =	wrdreg $0xFFFFFFFF  }
0xa7: {  	s28 =	simm.s32 $_size_execute0_lowered;
	s3 =	sadd.s32 s3, s5;
	[dreg:$0x0] =	wrdreg $0x0  }
0xa8: {  	s5 =	sshll.u32 s28, $0x1;
	[dreg:$0x2] =	wrdreg s3  }
0xa9: {  	[dreg:$0x3] =	wrdreg s5  }
0xaa: {  	[dreg:$0x4] =	wrdreg $0xC0  }
0xab: {  	_ =	task [dreg:s7], $0x5FFFF  }
0xac: {  	[dreg:$0x1] =	wrdreg $0xFFFFFFFF  }
0xad: {  	[dreg:$0x0] =	wrdreg $0x60  }
0xae: {  	[dreg:$0x2] =	wrdreg s24  }
0xaf: {  	[dreg:$0x3] =	wrdreg s2  }
0xb0: {  	[dreg:$0x4] =	wrdreg $0x41000  }
0xb1: {  	[dreg:$0x5] =	wrdreg $0x9  }
0xb2: {  	_ =	task.clear_ibuf [dreg:s7], $0x6FFFF;
	_ =	strace $0x90000049  }
0xb3: {  	s29 =	simm.s32 $0x9;
	_ =	strace $0x8000004B  }
0xb4: {  	_ =	swait.ge [sflag:s29], $0x1  }
0xb5: {  	[sflag:s29] =	ssyncadd.s32 $0xFFFFFFFF  }
0xb6: {  	_ =	strace $0x9000004B  }
0xb7: {  	_ =	sfence  }
0xb8: {  	s30 =	sld [smem:$0x0];
	_ =	sdelay $0x2  }
0xb9: {  	s31 =	sshll.u32 s1, $0xD;
	s1 =	sshrl.u32 s1, $0x2  }
0xba: {  	s3 =	sand.u32 $0x4000, s31;
	s1 =	sadd.s32 s1, s30  }
0xbb: {  	s0 =	sor.u32 s3, s0;
	s1 =	sshll.u32 s1, $0x11  }
0xbc: {  	s0 =	sor.u32 s1, s0  }
0xbd: {  	s0 =	sadd.s32 $0x8F2B, s0  }
0xbe: {  	[sflag:s0] =	ssyncadd.remote.s32 $0x1  }
0xbf: {  	_ =	sfence.sel $0xFFFF  }
0xc0: {  	[dreg:$0x0] =	wrdreg $0xFFFFFFFF;
	(pc) =	sbr.abs _section_cstart, $3  }
0xc1: {  	[dreg:$0x1] =	wrdreg $0xFFFFFFFF  }
0xc2: {  	_ =	task.clear_ibuf [dreg:s7], $0x2FFFF;
	_ =	strace $0x9FFFFFFF  }
0xc3: {  	(tm) =	ssettm $0x7FFFFFFF  }
tec
execute0_lowered:
.L_overlay_start_1:
0x0: {  	(tag) =	ssettag $0x1  }
0x1: {  	s8 =	rddreg [dreg:$0x0]  }
0x2: {  	s10 =	rddreg [dreg:$0x1]  }
0x3: {  	s0 =	srdreg.scid;
	s1 =	rddreg [dreg:$0x2];
	s2 =	simm.s32 $0x0  }
0x4: {  	s22 =	simm.s32 $0x2;
	s23 =	simm.s32 $0x80;
	s5 =	sand.u32 $0x1, s0  }
0x5: {  	s24 =	simm.s32 $0x100;
	s25 =	simm.s32 $0x1;
	s3 =	smul.u32 $0x4F00, s5  }
0x6: {  	s26 =	simm.s32 $0x0;
	[smem:$0x7FF] =	sst s2;
	s4 =	sadd.s32 $0x71400, s8  }
0x7: {  	s15 =	smul.u32 $0x138800, s5;
	s14 =	sadd.s32 s3, s8;
	s3 =	stileid.u32  }
0x8: {  	s11 =	sadd.s32 $0x98600, s8;
	s6 =	ssub.s32 $0x2, s5;
	s7 =	smul.u32 $0x4E000, s3  }
0x9: {  	_ =	strace $0x8000004A;
	s9 =	sshrl.u32 s6, $0x1;
	s12 =	smul.u32 $0x2700, s3  }
0xa: {  	p3 =	seq.s32 s5, $0x1;
	s13 =	ssub.s32 s6, s9;
	s16 =	smul.u32 $0x13800, s3  }
0xb: {  	s8 =	sadd.s32 $0x95D00, s8;
	s30 =	smul.u32 $0x4F0, s3;
	p1 =	seq.s32 @p3 s3, $0xF  }
0xc: {  	s13 =	smax.u32 s13, $0x1;
	p4 =	seq.s32 @!p3 s3, $0xF;
	p0 =	por p1, !p3  }
0xd: {  	p1 =	por !p1, !p3;
	p2 =	por p4, p3;
	p3 =	por !p4, p3  }
0xe: {  	p4 =	seq.s32 s3, $0xF;
	s28 =	sshrl.u32 s7, $0x2;
	s6 =	sadd.s32 s4, s12  }
0xf: {  	s7 =	sadd.s32 $0x124800, s1;
	s9 =	sadd.s32 s10, s12;
	s29 =	sadd.s32 s16, s15  }
0x10: {  	s15 =	sshrl.u32 s15, $0x3;
	s10 =	sadd.s32 $0x24900, s10;
	s31 =	sadd.s32 s30, s14  }
0x11: {  	s17 =	sshll.u32 @!p0 s3, $0x6;
	s20 =	sshll.u32 @!p2 s3, $0x6;
	s5 =	sadd.s32 s28, s1  }
0x12: {  	s12 =	sshrl.u32 s29, $0x3;
	s15 =	sadd.s32 s11, s15;
	s14 =	sadd.s32 $0x4E00, s31  }
0x13: {  	s16 =	sshrl.u32 @!p1 s7, $0x3;
	s17 =	sor.u32 @!p0 $0x1C02, s17;
	s19 =	sshrl.u32 @!p3 s7, $0x3  }
0x14: {  	s20 =	sor.u32 @!p2 $0x1C02, s20;
	s11 =	sadd.s32 s11, s12;
	s12 =	sadd.s32 $0x24900, s15  }
0x15: {  	s15 =	sadd.s32 $0x67600, s31;
	s18 =	sshrl.u32 @!p0 s5, $0x3;
	s21 =	sshrl.u32 @!p2 s5, $0x3  }
.LBB2_1:
0x16: {  	s28 =	simm.s32 @!p1 $0x1FC2  }
0x17: {  	[spmem:s16], [sflag:s28] =	dma.local @!p1 [hbm:s10], $0x2800  }
0x18: {  	s28 =	simm.s32 @!p1 $0x2  }
0x19: {  	_ =	swait.ge @!p1 [sflag:s28], $0x2800  }
0x1a: {  	[sflag:s28] =	ssyncset.done @!p1 $0x0  }
0x1b: {  	[sflag:s28] =	ssyncadd.s32 @!p1 $0xFFFFD800;
	s28 =	simm.s32 @!p0 $0x2  }
0x1c: {  	[spmem:s18], [sflag:s17] =	dma.local @!p0 [hbm:s9], $0x2700  }
0x1d: {  	_ =	swait.ge @!p0 [sflag:s28], $0x2700  }
0x1e: {  	[sflag:s28] =	ssyncset.done @!p0 $0x0  }
0x1f: {  	[sflag:s28] =	ssyncadd.s32 @!p0 $0xFFFFD900;
	s28 =	simm.s32 @!p3 $0x1FC2  }
0x20: {  	[spmem:s19], [sflag:s28] =	dma.local @!p3 [hbm:s8], $0x2800  }
0x21: {  	s28 =	simm.s32 @!p3 $0x2  }
0x22: {  	_ =	swait.ge @!p3 [sflag:s28], $0x2800  }
0x23: {  	[sflag:s28] =	ssyncset.done @!p3 $0x0  }
0x24: {  	[sflag:s28] =	ssyncadd.s32 @!p3 $0xFFFFD800;
	s28 =	simm.s32 @!p2 $0x2  }
0x25: {  	[spmem:s21], [sflag:s20] =	dma.local @!p2 [hbm:s6], $0x2700  }
0x26: {  	_ =	swait.ge @!p2 [sflag:s28], $0x2700  }
0x27: {  	[sflag:s28] =	ssyncset.done @!p2 $0x0  }
0x28: {  	[sflag:s28] =	ssyncadd.s32 @!p2 $0xFFFFD900  }
0x29: {  	s28 =	sadd.s32 $0x0, s15;
	[bflag:$0x0] =	sbarrier.arrive $0xFFFF  }
0x2a: {  	[tilespmem:s2], [sflag:$0x2] =	stream.linear.gather [hbm4b:s28+s2], $0x80, $0x38;
	[tilespmem:$0x179C0] =	vst v63  }
0x2b: {  	_ =	swait.ge [sflag:s22], $0x80  }
0x2c: {  	[sflag:s22] =	ssyncset.done $0x0  }
0x2d: {  	s28 =	sadd.s32 $0x0, s14;
	[sflag:s22] =	ssyncadd.s32 $0xFFFFFF80  }
0x2e: {  	[tilespmem:s23], [sflag:$0x2] =	stream.linear.gather [hbm4b:s28+s2], $0x80, $0x38;
	[tilespmem:$0x179C0] =	vst v63  }
0x2f: {  	_ =	swait.ge [sflag:s22], $0x80  }
0x30: {  	[sflag:s22] =	ssyncset.done $0x0  }
0x31: {  	[sflag:s22] =	ssyncadd.s32 $0xFFFFFF80  }
0x32: {  	[tilespmem:s24], [sflag:$0x1] =	stream.indirect.gather [hbm4b:s4+s23], $0x80, s2, s23, $0xb8;
	[tilespmem:$0x179C0] =	vst v63  }
0x33: {  	_ =	swait.ge [sflag:s25], $0x4000  }
0x34: {  	[sflag:s25] =	ssyncset.done $0x0  }
0x35: {  	[sflag:s25] =	ssyncadd.s32 $0xFFFFC000  }
0x36: {  	[spmem:s1] =	stream.indirect.scatter.add.f32 [tilespmem:s24], [sflag:$0x2], $0x80, s23, s23, $0xb8;
	[tilespmem:$0x179C0] =	vst v63  }
0x37: {  	_ =	swait.ge [sflag:s22], $0x4000  }
0x38: {  	s29 =	simm.s32 $0x20;
	s28 =	simm.s32 $0x10;
	[sflag:s22] =	ssyncset.done $0x0  }
.LBB2_2:
0x39: {  	s30 =	sadd.s32 s28, s15  }
0x3a: {  	[sflag:s22] =	ssyncadd.s32 $0xFFFFC000;
	s31 =	smov.u32 s29;
	s0 =	sadd.s32 $0x10, s29  }
0x3b: {  	[tilespmem:s2], [sflag:$0x2] =	stream.linear.gather [hbm4b:s30+s2], $0x80, $0x38;
	[tilespmem:$0x179C0] =	vst v63  }
0x3c: {  	p5 =	sne.s32 s29, $0x4E0;
	_ =	swait.ge [sflag:s22], $0x80  }
0x3d: {  	[sflag:s22] =	ssyncset.done $0x0  }
0x3e: {  	s29 =	sadd.s32 s28, s14;
	s28 =	smov.u32 s31;
	[sflag:s22] =	ssyncadd.s32 $0xFFFFFF80  }
0x3f: {  	[tilespmem:s23], [sflag:$0x2] =	stream.linear.gather [hbm4b:s29+s2], $0x80, $0x38;
	[tilespmem:$0x179C0] =	vst v63  }
0x40: {  	_ =	swait.ge [sflag:s22], $0x80  }
0x41: {  	[sflag:s22] =	ssyncset.done $0x0  }
0x42: {  	[sflag:s22] =	ssyncadd.s32 $0xFFFFFF80  }
0x43: {  	[tilespmem:s24], [sflag:$0x1] =	stream.indirect.gather [hbm4b:s4+s23], $0x80, s2, s23, $0xb8;
	[tilespmem:$0x179C0] =	vst v63  }
0x44: {  	_ =	swait.ge [sflag:s25], $0x4000  }
.Ltmp0:
0x45: {  	[sflag:s25] =	ssyncset.done $0x0;
	(pc) =	sbr.rel @p5 .LBB2_2-.Ltmp0, $4  }
0x46: {  	[sflag:s25] =	ssyncadd.s32 $0xFFFFC000  }
0x47: {  	[spmem:s1] =	stream.indirect.scatter.add.f32 [tilespmem:s24], [sflag:$0x2], $0x80, s23, s23, $0xb8;
	[tilespmem:$0x179C0] =	vst v63  }
0x48: {  	_ =	swait.ge [sflag:s22], $0x4000  }
0x49: {  	s29 =	smov.u32 s0;
	[sflag:s22] =	ssyncset.done $0x0  }
0x4a: {  	s0 =	sadd.s32 s28, s15;
	[sflag:s22] =	ssyncadd.s32 $0xFFFFC000  }
0x4b: {  	[tilespmem:s2], [sflag:$0x2] =	stream.linear.gather [hbm4b:s0+s2], $0x80, $0x38;
	[tilespmem:$0x179C0] =	vst v63  }
0x4c: {  	_ =	swait.ge [sflag:s22], $0x80  }
0x4d: {  	[sflag:s22] =	ssyncset.done $0x0  }
0x4e: {  	s31 =	sadd.s32 s28, s14;
	[sflag:s22] =	ssyncadd.s32 $0xFFFFFF80  }
0x4f: {  	[tilespmem:s23], [sflag:$0x2] =	stream.linear.gather [hbm4b:s31+s2], $0x80, $0x38;
	[tilespmem:$0x179C0] =	vst v63  }
0x50: {  	_ =	swait.ge [sflag:s22], $0x80  }
0x51: {  	[sflag:s22] =	ssyncset.done $0x0  }
0x52: {  	[sflag:s22] =	ssyncadd.s32 $0xFFFFFF80  }
0x53: {  	[tilespmem:s24], [sflag:$0x1] =	stream.indirect.gather [hbm4b:s4+s23], $0x80, s2, s23, $0xb8;
	[tilespmem:$0x179C0] =	vst v63  }
0x54: {  	_ =	swait.ge [sflag:s25], $0x4000  }
0x55: {  	[sflag:s25] =	ssyncset.done $0x0  }
0x56: {  	[sflag:s25] =	ssyncadd.s32 $0xFFFFC000  }
0x57: {  	[spmem:s1] =	stream.indirect.scatter.add.f32 [tilespmem:s24], [sflag:$0x2], $0x80, s23, s23, $0xb8;
	[tilespmem:$0x179C0] =	vst v63  }
0x58: {  	_ =	swait.ge [sflag:s22], $0x4000  }
0x59: {  	[sflag:s22] =	ssyncset.done $0x0  }
0x5a: {  	[sflag:s22] =	ssyncadd.s32 $0xFFFFC000  }
0x5b: {  	s28 =	simm.s32 @p4 $0x1FC2;
	s0 =	sshrl.u32 @p4 s7, $0x3;
	[bflag:$0x0] =	sbarrier.arrive $0xFFFF  }
0x5c: {  	[hbm:s12], [sflag:s28] =	dma.local @p4 [spmem:s0], $0x2800  }
0x5d: {  	s0 =	simm.s32 @p4 $0x2  }
0x5e: {  	s26 =	sadd.s32 $0x1, s26;
	_ =	swait.ge @p4 [sflag:s0], $0x2800  }
0x5f: {  	p5 =	sne.s32 s26, s13;
	s28 =	sshll.u32 @!p4 s3, $0x6;
	[sflag:s0] =	ssyncset.done @p4 $0x0  }
0x60: {  	[sflag:s0] =	ssyncadd.s32 @p4 $0xFFFFD800;
	s0 =	sor.u32 @!p4 $0x1C02, s28;
	s28 =	sshrl.u32 @!p4 s5, $0x3  }
0x61: {  	[hbm:s11], [sflag:s0] =	dma.local @!p4 [spmem:s28], $0x2700  }
.Ltmp1:
0x62: {  	_ = 	snop;
	(pc) =	sbr.rel @p5 .LBB2_1-.Ltmp1, $4  }
0x63: {  	s0 =	simm.s32 @!p4 $0x2  }
0x64: {  	_ =	swait.ge @!p4 [sflag:s0], $0x2700  }
0x65: {  	[sflag:s0] =	ssyncset.done @!p4 $0x0  }
0x66: {  	[sflag:s0] =	ssyncadd.s32 @!p4 $0xFFFFD900  }
0x67: {  	_ =	sfence.sel $0x180000  }
0x68: {  	[bflag:$0x0] =	sbarrier.arrive $0xFFFF  }
0x69: {  	_ =	strace $0x9000004A  }
0x6a: {  	[bflag:$0x2] =	sbarrier.arrive $0xFFFF  }
0x6b: {  	p0 =	sne.s32 s3, $0x0;
	s0 =	rddreg [dreg:$0x3]  }
0x6c: {  	s0 =	sadd.s32 @!p0 $0x100000, s0  }
0x6d: {  	[sflag:s0] =	ssyncadd.tile.s32 @!p0 $0x1;
	_ =	shalt  }
.Lfunc_end2:
_tile_overlayer_lowered:
.L_overlay_start_2:
0x6e: {  	(tag) =	ssettag $0x2  }
0x6f: {  	s0 =	rddreg [dreg:$0x0];
	s2 =	stileid.u32  }
0x70: {  	s1 =	rddreg [dreg:$0x1];
	p0 =	sne.s32 s2, $0x0  }
0x71: {  	s3 =	rddreg [dreg:$0x2];
	[bflag:$0x3] =	sbarrier.arrive $0xFFFF;
	s2 =	simm.s32 @!p0 $0x1C02  }
0x72: {  	[timem:s3], [sflag:s2] =	dma.local @!p0 [hbm:s0], s1  }
0x73: {  	s0 =	simm.s32 @!p0 $0x2  }
0x74: {  	_ =	swait.ge @!p0 [sflag:s0], s1  }
0x75: {  	s1 =	ssub.s32 @!p0 $0x0, s1;
	[sflag:s0] =	ssyncset.done @!p0 $0x0  }
0x76: {  	[sflag:s0] =	ssyncadd.s32 @!p0 s1  }
0x77: {  	[bflag:$0x3] =	sbarrier.arrive $0xFFFF  }
0x78: {  	_ =	shalt  }

// kernel: _run.18.cloned.1.call-start
scs
__scs_entry_jumppad:
0x0: {  	(pc) =	sbr.rel $0x88, $3  }
0x1: {  	(tag) =	ssettag $0x0;
	lr =	simm.s32 $0x1  }
0x2: {  	[smem:$0x3F96] =	sst lr;
	_ =	strace $0xD0000000  }
0x3: {  	_ = 	snop  }
0x4: {  	_ = 	snop  }
0x5: {  	_ = 	snop  }
0x6: {  	_ = 	snop  }
0x7: {  	_ = 	snop  }
__scs_overlays_trampoline_lowered:
0x8: {  	[smem:$0x3FA5] =	sst s0  }
0x9: {  	[smem:$0x3FA6] =	sst s1  }
0xa: {  	[smem:$0x3FA7] =	sst s2  }
0xb: {  	[smem:$0x3FA8] =	sst s3  }
0xc: {  	[smem:$0x3FA9] =	sst s4  }
0xd: {  	[smem:$0x3FAA] =	sst s5  }
0xe: {  	[smem:$0x3FAB] =	sst s6  }
0xf: {  	[smem:$0x3FAC] =	sst s7  }
0x10: {  	[smem:$0x3FAD] =	sst s8  }
0x11: {  	[smem:$0x3FAE] =	sst s9;
	s0 =	simm.s32 @!p0 $0x0  }
0x12: {  	s1 =	sld [smem:$0x3F94];
	s0 =	simm.s32 @p0 $0x1  }
0x13: {  	[smem:$0x3FAF] =	sst s0;
	s0 =	simm.s32 @!p1 $0x0  }
0x14: {  	s2 =	sld [smem:$0x3F93];
	s0 =	simm.s32 @p1 $0x1  }
0x15: {  	[smem:$0x3FB0] =	sst s0;
	s0 =	simm.s32 @!p2 $0x0  }
0x16: {  	s3 =	sld [smem:$0x3FDB];
	s0 =	simm.s32 @p2 $0x1  }
0x17: {  	s4 =	simm.s32 $0x1BF5;
	[smem:$0x3FB2] =	sst s0  }
0x18: {  	s0 =	sld [smem:$0x3F95];
	_ =	swait.ge [sflag:s4], $0x0  }
0x19: {  	s7 =	sld [smem:$0x3F96]  }
0x1a: {  	s8 =	sadd.s32 $0xFFFFE003, lr  }
0x1b: {  	s9 =	sadd.s32 $0xFFFFFEF7, lr;
	s5 =	simm.s32 $0xFFFFFFFF;
	p2 =	slt.u32 s8, $0xFFFFF086  }
0x1c: {  	p1 =	slt.u32 s9, $0xF7A;
	s5 =	simm.s32 @!p2 $0x0  }
0x1d: {  	s5 =	simm.s32 @p1 $0x1;
	p0 =	seq.s32 s7, s2  }
0x1e: {  	s7 =	smul.u32 @!p0 $0xF7A, s2;
	p2 =	seq.s32 @!p0 s5, $0x0  }
0x1f: {  	s9 =	smul.u32 $0xF7A, s1;
	s8 =	simm.s32 @!p0 $0x1BF5;
	p2 =	por !p2, p0  }
0x20: {  	[sflag:s8] =	ssyncset.s32 @!p0 $0xFFFFF086;
	s6 =	sadd.s32 @!p0 s3, s7;
	s7 =	simm.s32 @!p0 $0x108  }
0x21: {  	s3 =	sadd.s32 s3, s9;
	s6 =	sadd.s32 @!p0 $0x88, s6;
	s7 =	simm.s32 @p2 $0x1082  }
0x22: {  	[simem:s7], [sflag:s8] =	dma.local @!p0 [hbm:s6], $0xF7A  }
0x23: {  	s9 =	sor.u32 $0xD0000000, s2;
	s6 =	simm.s32 $0x108;
	_ =	swait.ge @!p0 [sflag:s8], $0x0  }
0x24: {  	s3 =	sadd.s32 $0x88, s3;
	s6 =	simm.s32 @!p1 $0x1082;
	[sflag:s4] =	ssyncset.s32 $0xFFFFF086  }
0x25: {  	[simem:s6], [sflag:s4] =	dma.local [hbm:s3], $0xF7A  }
0x26: {  	[smem:$0x3F96] =	sst s1;
	(tag) =	ssettag s2;
	_ =	strace s9  }
0x27: {  	s1 =	sld [smem:$0x3FA6]  }
0x28: {  	s2 =	sld [smem:$0x3FA7]  }
0x29: {  	s4 =	sld [smem:$0x3FA9]  }
0x2a: {  	p0 =	seq.s32 s5, $0x0;
	s5 =	sld [smem:$0x3FAA]  }
0x2b: {  	s6 =	sld [smem:$0x3FAB]  }
0x2c: {  	s7 =	sld [smem:$0x3FAC]  }
0x2d: {  	s3 =	simm.s32 $0x108;
	s8 =	sld [smem:$0x3FAD]  }
0x2e: {  	s3 =	simm.s32 @!p0 $0x1082;
	s9 =	sld [smem:$0x3FAE]  }
0x2f: {  	lr =	sadd.s32 s0, s3;
	s0 =	sld [smem:$0x3FA5]  }
0x30: {  	s3 =	sld [smem:$0x3FA8]  }
0x31: {  	[smem:$0x3FB1] =	sst s10  }
0x32: {  	s10 =	sld [smem:$0x3FAF];
	_ =	sdelay $0x3  }
0x33: {  	p0 =	seq.s32 s10, $0x1;
	s10 =	sld [smem:$0x3FB1];
	_ =	sdelay $0x3  }
0x34: {  	[smem:$0x3FB1] =	sst s10  }
0x35: {  	s10 =	sld [smem:$0x3FB0];
	_ =	sdelay $0x3  }
0x36: {  	p1 =	seq.s32 s10, $0x1;
	s10 =	sld [smem:$0x3FB1];
	_ =	sdelay $0x3  }
0x37: {  	[smem:$0x3FB1] =	sst s10  }
0x38: {  	s10 =	sld [smem:$0x3FB2]  }
0x39: {  	_ = 	snop;
	(pc) =	sbr.ind lr, $3  }
0x3a: {  	_ = 	snop  }
0x3b: {  	_ = 	snop  }
0x3c: {  	p2 =	seq.s32 s10, $0x1;
	s10 =	sld [smem:$0x3FB1]  }
0x3d: {  	_ =	shalt  }
0x3e: {  	_ =	shalt  }
0x3f: {  	_ =	shalt  }
0x40: {  	_ =	shalt  }
0x41: {  	_ =	shalt  }
0x42: {  	_ =	shalt  }
0x43: {  	_ =	shalt  }
0x44: {  	_ =	shalt  }
0x45: {  	_ =	shalt  }
0x46: {  	_ =	shalt  }
0x47: {  	_ =	shalt  }
0x48: {  	_ =	shalt  }
0x49: {  	_ =	shalt  }
0x4a: {  	_ =	shalt  }
0x4b: {  	_ =	shalt  }
0x4c: {  	_ =	shalt  }
0x4d: {  	_ =	shalt  }
0x4e: {  	_ =	shalt  }
0x4f: {  	_ =	shalt  }
0x50: {  	_ =	shalt  }
0x51: {  	_ =	shalt  }
0x52: {  	_ =	shalt  }
0x53: {  	_ =	shalt  }
0x54: {  	_ =	shalt  }
0x55: {  	_ =	shalt  }
0x56: {  	_ =	shalt  }
0x57: {  	_ =	shalt  }
0x58: {  	_ =	shalt  }
0x59: {  	_ =	shalt  }
0x5a: {  	_ =	shalt  }
0x5b: {  	_ =	shalt  }
0x5c: {  	_ =	shalt  }
0x5d: {  	_ =	shalt  }
0x5e: {  	_ =	shalt  }
0x5f: {  	_ =	shalt  }
0x60: {  	_ =	shalt  }
0x61: {  	_ =	shalt  }
0x62: {  	_ =	shalt  }
0x63: {  	_ =	shalt  }
0x64: {  	_ =	shalt  }
0x65: {  	_ =	shalt  }
0x66: {  	_ =	shalt  }
0x67: {  	_ =	shalt  }
0x68: {  	_ =	shalt  }
0x69: {  	_ =	shalt  }
0x6a: {  	_ =	shalt  }
0x6b: {  	_ =	shalt  }
0x6c: {  	_ =	shalt  }
0x6d: {  	_ =	shalt  }
0x6e: {  	_ =	shalt  }
0x6f: {  	_ =	shalt  }
0x70: {  	_ =	shalt  }
0x71: {  	_ =	shalt  }
0x72: {  	_ =	shalt  }
0x73: {  	_ =	shalt  }
0x74: {  	_ =	shalt  }
0x75: {  	_ =	shalt  }
0x76: {  	_ =	shalt  }
0x77: {  	_ =	shalt  }
0x78: {  	_ =	shalt  }
0x79: {  	_ =	shalt  }
0x7a: {  	_ =	shalt  }
0x7b: {  	_ =	shalt  }
0x7c: {  	_ =	shalt  }
0x7d: {  	_ =	shalt  }
0x7e: {  	_ =	shalt  }
0x7f: {  	_ =	shalt  }
0x80: {  	_ =	shalt  }
0x81: {  	_ =	shalt  }
0x82: {  	_ =	shalt  }
0x83: {  	_ =	shalt  }
0x84: {  	_ =	shalt  }
0x85: {  	_ =	shalt  }
0x86: {  	_ =	shalt  }
0x87: {  	_ =	shalt  }
.Lfunc_end0:
.L_simem_size_0:
called_computation.2_lowered:
.L_overlay_start_0:
0x88: {  	s2 =	sld [smem:$0x3FD9]  }
0x89: {  	s3 =	sld [smem:$0x3FFE];
	_ =	sdelay $0x1  }
0x8a: {  	s1 =	srdreg.scid  }
0x8b: {  	s0 =	sand.u32 $0x1, s1  }
0x8c: {  	s17 =	sshll.u32 s0, $0xA;
	s2 =	sadd.s32 s3, s2  }
0x8d: {  	s2 =	sadd.s32 s2, s17  }
0x8e: {  	[smem:$0x3FBD] =	sst s2  }
0x8f: {  	_ = 	snop  }
0x90: {  	s2 =	sld [smem:$0x3FD0];
	(tm) =	ssettm $0x1  }
0x91: {  	s18 =	sld [smem:$0x3FFB];
	_ =	sdelay $0x3  }
0x92: {  	_ =	strace s18  }
0x93: {  	s3 =	sld [smem:$0x3FFC];
	_ =	sdelay $0x3  }
0x94: {  	_ =	strace s3  }
0x95: {  	s3 =	sld [smem:$0x3FFD];
	_ =	sdelay $0x3  }
0x96: {  	_ =	strace s3  }
0x97: {  	_ =	strace $0x8FFFFFFF  }
0x98: {  	s19 =	sld [smem:$0x3FDB];
	_ =	sdelay $0x1  }
0x99: {  	s4 =	simm.s32 $_scs_section_size  }
0x9a: {  	s5 =	simm.s32 $_size__tile_overlayer_lowered;
	s6 =	simm.s32 $_tile_overlayer_lowered  }
0x9b: {  	s22 =	simm.s32 $0x1BFF;
	s21 =	sshll.u32 s6, $0x1;
	s3 =	sadd.s32 s4, s19  }
0x9c: {  	s7 =	simm.s32 $0x0;
	s20 =	sshll.u32 s5, $0x1;
	s5 =	sadd.s32 s21, s3  }
0x9d: {  	[timem:s7], [sflag:s22] =	dma.local [hbm:s5], s20  }
0x9e: {  	_ =	swait.ge [sflag:s22], s20  }
0x9f: {  	s4 =	ssub.s32 $0x0, s20;
	[sflag:s22] =	ssyncset.done $0x0  }
0xa0: {  	[sflag:s22] =	ssyncadd.s32 s4;
	_ =	sdelay $0x1  }
0xa1: {  	s23 =	simm.s32 $0x1B8B  }
0xa2: {  	_ =	swait.ge [sflag:s23], $0x1  }
0xa3: {  	[sflag:s23] =	ssyncset.done $0x0  }
0xa4: {  	s25 =	simm.s32 $0x1B8E;
	s24 =	sld [smem:$0x3FFE];
	[sflag:s23] =	ssyncadd.s32 $0xFFFFFFFF  }
0xa5: {  	s26 =	simm.s32 $execute0_lowered;
	[smem:$0x3FD2] =	sst s25  }
0xa6: {  	s5 =	sshll.u32 s26, $0x1;
	_ =	strace $0x8000004C;
	[dreg:$0x1] =	wrdreg $0xFFFFFFFF  }
0xa7: {  	s28 =	simm.s32 $_size_execute0_lowered;
	s3 =	sadd.s32 s3, s5;
	[dreg:$0x0] =	wrdreg $0x0  }
0xa8: {  	s5 =	sshll.u32 s28, $0x1;
	[dreg:$0x2] =	wrdreg s3  }
0xa9: {  	[dreg:$0x3] =	wrdreg s5  }
0xaa: {  	[dreg:$0x4] =	wrdreg $0xC0  }
0xab: {  	_ =	task [dreg:s7], $0x5FFFF  }
0xac: {  	[dreg:$0x1] =	wrdreg $0xFFFFFFFF  }
0xad: {  	[dreg:$0x0] =	wrdreg $0x60  }
0xae: {  	[dreg:$0x2] =	wrdreg s24  }
0xaf: {  	[dreg:$0x3] =	wrdreg s2  }
0xb0: {  	[dreg:$0x4] =	wrdreg $0x41000  }
0xb1: {  	[dreg:$0x5] =	wrdreg $0x9  }
0xb2: {  	_ =	task.clear_ibuf [dreg:s7], $0x6FFFF;
	_ =	strace $0x9000004C  }
0xb3: {  	s29 =	simm.s32 $0x9;
	_ =	strace $0x8000004E  }
0xb4: {  	_ =	swait.ge [sflag:s29], $0x1  }
0xb5: {  	[sflag:s29] =	ssyncadd.s32 $0xFFFFFFFF  }
0xb6: {  	_ =	strace $0x9000004E  }
0xb7: {  	_ =	sfence  }
0xb8: {  	s30 =	sld [smem:$0x0];
	_ =	sdelay $0x2  }
0xb9: {  	s31 =	sshll.u32 s1, $0xD;
	s1 =	sshrl.u32 s1, $0x2  }
0xba: {  	s3 =	sand.u32 $0x4000, s31;
	s1 =	sadd.s32 s1, s30  }
0xbb: {  	s0 =	sor.u32 s3, s0;
	s1 =	sshll.u32 s1, $0x11  }
0xbc: {  	s0 =	sor.u32 s1, s0  }
0xbd: {  	s0 =	sadd.s32 $0x8F2B, s0  }
0xbe: {  	[sflag:s0] =	ssyncadd.remote.s32 $0x1  }
0xbf: {  	_ =	sfence.sel $0xFFFF  }
0xc0: {  	[dreg:$0x0] =	wrdreg $0xFFFFFFFF;
	(pc) =	sbr.abs _section_cstart, $3  }
0xc1: {  	[dreg:$0x1] =	wrdreg $0xFFFFFFFF  }
0xc2: {  	_ =	task.clear_ibuf [dreg:s7], $0x2FFFF;
	_ =	strace $0x9FFFFFFF  }
0xc3: {  	(tm) =	ssettm $0x7FFFFFFF  }
tec
execute0_lowered:
.L_overlay_start_1:
0x0: {  	(tag) =	ssettag $0x1  }
0x1: {  	s8 =	rddreg [dreg:$0x0]  }
0x2: {  	s10 =	rddreg [dreg:$0x1]  }
0x3: {  	s0 =	srdreg.scid;
	s1 =	rddreg [dreg:$0x2];
	s2 =	simm.s32 $0x0  }
0x4: {  	s22 =	simm.s32 $0x2;
	s23 =	simm.s32 $0x80;
	s5 =	sand.u32 $0x1, s0  }
0x5: {  	s24 =	simm.s32 $0x100;
	s25 =	simm.s32 $0x1;
	s3 =	smul.u32 $0x4F00, s5  }
0x6: {  	s26 =	simm.s32 $0x0;
	[smem:$0x7FF] =	sst s2;
	s4 =	sadd.s32 $0x71400, s8  }
0x7: {  	s15 =	smul.u32 $0x138800, s5;
	s14 =	sadd.s32 s3, s8;
	s3 =	stileid.u32  }
0x8: {  	s11 =	sadd.s32 $0x98600, s8;
	s6 =	ssub.s32 $0x2, s5;
	s7 =	smul.u32 $0x4E000, s3  }
0x9: {  	_ =	strace $0x8000004D;
	s9 =	sshrl.u32 s6, $0x1;
	s12 =	smul.u32 $0x2700, s3  }
0xa: {  	p3 =	seq.s32 s5, $0x1;
	s13 =	ssub.s32 s6, s9;
	s16 =	smul.u32 $0x13800, s3  }
0xb: {  	s8 =	sadd.s32 $0x95D00, s8;
	s30 =	smul.u32 $0x4F0, s3;
	p1 =	seq.s32 @p3 s3, $0xF  }
0xc: {  	s13 =	smax.u32 s13, $0x1;
	p4 =	seq.s32 @!p3 s3, $0xF;
	p0 =	por p1, !p3  }
0xd: {  	p1 =	por !p1, !p3;
	p2 =	por p4, p3;
	p3 =	por !p4, p3  }
0xe: {  	p4 =	seq.s32 s3, $0xF;
	s28 =	sshrl.u32 s7, $0x2;
	s6 =	sadd.s32 s4, s12  }
0xf: {  	s7 =	sadd.s32 $0x124800, s1;
	s9 =	sadd.s32 s10, s12;
	s29 =	sadd.s32 s16, s15  }
0x10: {  	s15 =	sshrl.u32 s15, $0x3;
	s10 =	sadd.s32 $0x24900, s10;
	s31 =	sadd.s32 s30, s14  }
0x11: {  	s17 =	sshll.u32 @!p0 s3, $0x6;
	s20 =	sshll.u32 @!p2 s3, $0x6;
	s5 =	sadd.s32 s28, s1  }
0x12: {  	s12 =	sshrl.u32 s29, $0x3;
	s15 =	sadd.s32 s11, s15;
	s14 =	sadd.s32 $0x4E00, s31  }
0x13: {  	s16 =	sshrl.u32 @!p1 s7, $0x3;
	s17 =	sor.u32 @!p0 $0x1C02, s17;
	s19 =	sshrl.u32 @!p3 s7, $0x3  }
0x14: {  	s20 =	sor.u32 @!p2 $0x1C02, s20;
	s11 =	sadd.s32 s11, s12;
	s12 =	sadd.s32 $0x24900, s15  }
0x15: {  	s15 =	sadd.s32 $0x67600, s31;
	s18 =	sshrl.u32 @!p0 s5, $0x3;
	s21 =	sshrl.u32 @!p2 s5, $0x3  }
.LBB2_1:
0x16: {  	s28 =	simm.s32 @!p1 $0x1FC2  }
0x17: {  	[spmem:s16], [sflag:s28] =	dma.local @!p1 [hbm:s10], $0x2800  }
0x18: {  	s28 =	simm.s32 @!p1 $0x2  }
0x19: {  	_ =	swait.ge @!p1 [sflag:s28], $0x2800  }
0x1a: {  	[sflag:s28] =	ssyncset.done @!p1 $0x0  }
0x1b: {  	[sflag:s28] =	ssyncadd.s32 @!p1 $0xFFFFD800;
	s28 =	simm.s32 @!p0 $0x2  }
0x1c: {  	[spmem:s18], [sflag:s17] =	dma.local @!p0 [hbm:s9], $0x2700  }
0x1d: {  	_ =	swait.ge @!p0 [sflag:s28], $0x2700  }
0x1e: {  	[sflag:s28] =	ssyncset.done @!p0 $0x0  }
0x1f: {  	[sflag:s28] =	ssyncadd.s32 @!p0 $0xFFFFD900;
	s28 =	simm.s32 @!p3 $0x1FC2  }
0x20: {  	[spmem:s19], [sflag:s28] =	dma.local @!p3 [hbm:s8], $0x2800  }
0x21: {  	s28 =	simm.s32 @!p3 $0x2  }
0x22: {  	_ =	swait.ge @!p3 [sflag:s28], $0x2800  }
0x23: {  	[sflag:s28] =	ssyncset.done @!p3 $0x0  }
0x24: {  	[sflag:s28] =	ssyncadd.s32 @!p3 $0xFFFFD800;
	s28 =	simm.s32 @!p2 $0x2  }
0x25: {  	[spmem:s21], [sflag:s20] =	dma.local @!p2 [hbm:s6], $0x2700  }
0x26: {  	_ =	swait.ge @!p2 [sflag:s28], $0x2700  }
0x27: {  	[sflag:s28] =	ssyncset.done @!p2 $0x0  }
0x28: {  	[sflag:s28] =	ssyncadd.s32 @!p2 $0xFFFFD900  }
0x29: {  	s28 =	sadd.s32 $0x0, s15;
	[bflag:$0x0] =	sbarrier.arrive $0xFFFF  }
0x2a: {  	[tilespmem:s2], [sflag:$0x2] =	stream.linear.gather [hbm4b:s28+s2], $0x80, $0x38;
	[tilespmem:$0x179C0] =	vst v63  }
0x2b: {  	_ =	swait.ge [sflag:s22], $0x80  }
0x2c: {  	[sflag:s22] =	ssyncset.done $0x0  }
0x2d: {  	s28 =	sadd.s32 $0x0, s14;
	[sflag:s22] =	ssyncadd.s32 $0xFFFFFF80  }
0x2e: {  	[tilespmem:s23], [sflag:$0x2] =	stream.linear.gather [hbm4b:s28+s2], $0x80, $0x38;
	[tilespmem:$0x179C0] =	vst v63  }
0x2f: {  	_ =	swait.ge [sflag:s22], $0x80  }
0x30: {  	[sflag:s22] =	ssyncset.done $0x0  }
0x31: {  	[sflag:s22] =	ssyncadd.s32 $0xFFFFFF80  }
0x32: {  	[tilespmem:s24], [sflag:$0x1] =	stream.indirect.gather [hbm4b:s4+s23], $0x80, s2, s23, $0xb8;
	[tilespmem:$0x179C0] =	vst v63  }
0x33: {  	_ =	swait.ge [sflag:s25], $0x4000  }
0x34: {  	[sflag:s25] =	ssyncset.done $0x0  }
0x35: {  	[sflag:s25] =	ssyncadd.s32 $0xFFFFC000  }
0x36: {  	[spmem:s1] =	stream.indirect.scatter.add.f32 [tilespmem:s24], [sflag:$0x2], $0x80, s23, s23, $0xb8;
	[tilespmem:$0x179C0] =	vst v63  }
0x37: {  	_ =	swait.ge [sflag:s22], $0x4000  }
0x38: {  	s29 =	simm.s32 $0x20;
	s28 =	simm.s32 $0x10;
	[sflag:s22] =	ssyncset.done $0x0  }
.LBB2_2:
0x39: {  	s30 =	sadd.s32 s28, s15  }
0x3a: {  	[sflag:s22] =	ssyncadd.s32 $0xFFFFC000;
	s31 =	smov.u32 s29;
	s0 =	sadd.s32 $0x10, s29  }
0x3b: {  	[tilespmem:s2], [sflag:$0x2] =	stream.linear.gather [hbm4b:s30+s2], $0x80, $0x38;
	[tilespmem:$0x179C0] =	vst v63  }
0x3c: {  	p5 =	sne.s32 s29, $0x4E0;
	_ =	swait.ge [sflag:s22], $0x80  }
0x3d: {  	[sflag:s22] =	ssyncset.done $0x0  }
0x3e: {  	s29 =	sadd.s32 s28, s14;
	s28 =	smov.u32 s31;
	[sflag:s22] =	ssyncadd.s32 $0xFFFFFF80  }
0x3f: {  	[tilespmem:s23], [sflag:$0x2] =	stream.linear.gather [hbm4b:s29+s2], $0x80, $0x38;
	[tilespmem:$0x179C0] =	vst v63  }
0x40: {  	_ =	swait.ge [sflag:s22], $0x80  }
0x41: {  	[sflag:s22] =	ssyncset.done $0x0  }
0x42: {  	[sflag:s22] =	ssyncadd.s32 $0xFFFFFF80  }
0x43: {  	[tilespmem:s24], [sflag:$0x1] =	stream.indirect.gather [hbm4b:s4+s23], $0x80, s2, s23, $0xb8;
	[tilespmem:$0x179C0] =	vst v63  }
0x44: {  	_ =	swait.ge [sflag:s25], $0x4000  }
.Ltmp0:
0x45: {  	[sflag:s25] =	ssyncset.done $0x0;
	(pc) =	sbr.rel @p5 .LBB2_2-.Ltmp0, $4  }
0x46: {  	[sflag:s25] =	ssyncadd.s32 $0xFFFFC000  }
0x47: {  	[spmem:s1] =	stream.indirect.scatter.add.f32 [tilespmem:s24], [sflag:$0x2], $0x80, s23, s23, $0xb8;
	[tilespmem:$0x179C0] =	vst v63  }
0x48: {  	_ =	swait.ge [sflag:s22], $0x4000  }
0x49: {  	s29 =	smov.u32 s0;
	[sflag:s22] =	ssyncset.done $0x0  }
0x4a: {  	s0 =	sadd.s32 s28, s15;
	[sflag:s22] =	ssyncadd.s32 $0xFFFFC000  }
0x4b: {  	[tilespmem:s2], [sflag:$0x2] =	stream.linear.gather [hbm4b:s0+s2], $0x80, $0x38;
	[tilespmem:$0x179C0] =	vst v63  }
0x4c: {  	_ =	swait.ge [sflag:s22], $0x80  }
0x4d: {  	[sflag:s22] =	ssyncset.done $0x0  }
0x4e: {  	s31 =	sadd.s32 s28, s14;
	[sflag:s22] =	ssyncadd.s32 $0xFFFFFF80  }
0x4f: {  	[tilespmem:s23], [sflag:$0x2] =	stream.linear.gather [hbm4b:s31+s2], $0x80, $0x38;
	[tilespmem:$0x179C0] =	vst v63  }
0x50: {  	_ =	swait.ge [sflag:s22], $0x80  }
0x51: {  	[sflag:s22] =	ssyncset.done $0x0  }
0x52: {  	[sflag:s22] =	ssyncadd.s32 $0xFFFFFF80  }
0x53: {  	[tilespmem:s24], [sflag:$0x1] =	stream.indirect.gather [hbm4b:s4+s23], $0x80, s2, s23, $0xb8;
	[tilespmem:$0x179C0] =	vst v63  }
0x54: {  	_ =	swait.ge [sflag:s25], $0x4000  }
0x55: {  	[sflag:s25] =	ssyncset.done $0x0  }
0x56: {  	[sflag:s25] =	ssyncadd.s32 $0xFFFFC000  }
0x57: {  	[spmem:s1] =	stream.indirect.scatter.add.f32 [tilespmem:s24], [sflag:$0x2], $0x80, s23, s23, $0xb8;
	[tilespmem:$0x179C0] =	vst v63  }
0x58: {  	_ =	swait.ge [sflag:s22], $0x4000  }
0x59: {  	[sflag:s22] =	ssyncset.done $0x0  }
0x5a: {  	[sflag:s22] =	ssyncadd.s32 $0xFFFFC000  }
0x5b: {  	s28 =	simm.s32 @p4 $0x1FC2;
	s0 =	sshrl.u32 @p4 s7, $0x3;
	[bflag:$0x0] =	sbarrier.arrive $0xFFFF  }
0x5c: {  	[hbm:s12], [sflag:s28] =	dma.local @p4 [spmem:s0], $0x2800  }
0x5d: {  	s0 =	simm.s32 @p4 $0x2  }
0x5e: {  	s26 =	sadd.s32 $0x1, s26;
	_ =	swait.ge @p4 [sflag:s0], $0x2800  }
0x5f: {  	p5 =	sne.s32 s26, s13;
	s28 =	sshll.u32 @!p4 s3, $0x6;
	[sflag:s0] =	ssyncset.done @p4 $0x0  }
0x60: {  	[sflag:s0] =	ssyncadd.s32 @p4 $0xFFFFD800;
	s0 =	sor.u32 @!p4 $0x1C02, s28;
	s28 =	sshrl.u32 @!p4 s5, $0x3  }
0x61: {  	[hbm:s11], [sflag:s0] =	dma.local @!p4 [spmem:s28], $0x2700  }
.Ltmp1:
0x62: {  	_ = 	snop;
	(pc) =	sbr.rel @p5 .LBB2_1-.Ltmp1, $4  }
0x63: {  	s0 =	simm.s32 @!p4 $0x2  }
0x64: {  	_ =	swait.ge @!p4 [sflag:s0], $0x2700  }
0x65: {  	[sflag:s0] =	ssyncset.done @!p4 $0x0  }
0x66: {  	[sflag:s0] =	ssyncadd.s32 @!p4 $0xFFFFD900  }
0x67: {  	_ =	sfence.sel $0x180000  }
0x68: {  	[bflag:$0x0] =	sbarrier.arrive $0xFFFF  }
0x69: {  	_ =	strace $0x9000004D  }
0x6a: {  	[bflag:$0x2] =	sbarrier.arrive $0xFFFF  }
0x6b: {  	p0 =	sne.s32 s3, $0x0;
	s0 =	rddreg [dreg:$0x3]  }
0x6c: {  	s0 =	sadd.s32 @!p0 $0x100000, s0  }
0x6d: {  	[sflag:s0] =	ssyncadd.tile.s32 @!p0 $0x1;
	_ =	shalt  }
.Lfunc_end2:
_tile_overlayer_lowered:
.L_overlay_start_2:
0x6e: {  	(tag) =	ssettag $0x2  }
0x6f: {  	s0 =	rddreg [dreg:$0x0];
	s2 =	stileid.u32  }
0x70: {  	s1 =	rddreg [dreg:$0x1];
	p0 =	sne.s32 s2, $0x0  }
0x71: {  	s3 =	rddreg [dreg:$0x2];
	[bflag:$0x3] =	sbarrier.arrive $0xFFFF;
	s2 =	simm.s32 @!p0 $0x1C02  }
0x72: {  	[timem:s3], [sflag:s2] =	dma.local @!p0 [hbm:s0], s1  }
0x73: {  	s0 =	simm.s32 @!p0 $0x2  }
0x74: {  	_ =	swait.ge @!p0 [sflag:s0], s1  }
0x75: {  	s1 =	ssub.s32 @!p0 $0x0, s1;
	[sflag:s0] =	ssyncset.done @!p0 $0x0  }
0x76: {  	[sflag:s0] =	ssyncadd.s32 @!p0 s1  }
0x77: {  	[bflag:$0x3] =	sbarrier.arrive $0xFFFF  }
0x78: {  	_ =	shalt  }

// kernel: _run.21.cloned.1.call-start
scs
__scs_entry_jumppad:
0x0: {  	(pc) =	sbr.rel $0x88, $3  }
0x1: {  	(tag) =	ssettag $0x0;
	lr =	simm.s32 $0x1  }
0x2: {  	[smem:$0x3F96] =	sst lr;
	_ =	strace $0xD0000000  }
0x3: {  	_ = 	snop  }
0x4: {  	_ = 	snop  }
0x5: {  	_ = 	snop  }
0x6: {  	_ = 	snop  }
0x7: {  	_ = 	snop  }
__scs_overlays_trampoline_lowered:
0x8: {  	[smem:$0x3FA5] =	sst s0  }
0x9: {  	[smem:$0x3FA6] =	sst s1  }
0xa: {  	[smem:$0x3FA7] =	sst s2  }
0xb: {  	[smem:$0x3FA8] =	sst s3  }
0xc: {  	[smem:$0x3FA9] =	sst s4  }
0xd: {  	[smem:$0x3FAA] =	sst s5  }
0xe: {  	[smem:$0x3FAB] =	sst s6  }
0xf: {  	[smem:$0x3FAC] =	sst s7  }
0x10: {  	[smem:$0x3FAD] =	sst s8  }
0x11: {  	[smem:$0x3FAE] =	sst s9;
	s0 =	simm.s32 @!p0 $0x0  }
0x12: {  	s1 =	sld [smem:$0x3F94];
	s0 =	simm.s32 @p0 $0x1  }
0x13: {  	[smem:$0x3FAF] =	sst s0;
	s0 =	simm.s32 @!p1 $0x0  }
0x14: {  	s2 =	sld [smem:$0x3F93];
	s0 =	simm.s32 @p1 $0x1  }
0x15: {  	[smem:$0x3FB0] =	sst s0;
	s0 =	simm.s32 @!p2 $0x0  }
0x16: {  	s3 =	sld [smem:$0x3FDB];
	s0 =	simm.s32 @p2 $0x1  }
0x17: {  	s4 =	simm.s32 $0x1BF5;
	[smem:$0x3FB2] =	sst s0  }
0x18: {  	s0 =	sld [smem:$0x3F95];
	_ =	swait.ge [sflag:s4], $0x0  }
0x19: {  	s7 =	sld [smem:$0x3F96]  }
0x1a: {  	s8 =	sadd.s32 $0xFFFFE003, lr  }
0x1b: {  	s9 =	sadd.s32 $0xFFFFFEF7, lr;
	s5 =	simm.s32 $0xFFFFFFFF;
	p2 =	slt.u32 s8, $0xFFFFF086  }
0x1c: {  	p1 =	slt.u32 s9, $0xF7A;
	s5 =	simm.s32 @!p2 $0x0  }
0x1d: {  	s5 =	simm.s32 @p1 $0x1;
	p0 =	seq.s32 s7, s2  }
0x1e: {  	s7 =	smul.u32 @!p0 $0xF7A, s2;
	p2 =	seq.s32 @!p0 s5, $0x0  }
0x1f: {  	s9 =	smul.u32 $0xF7A, s1;
	s8 =	simm.s32 @!p0 $0x1BF5;
	p2 =	por !p2, p0  }
0x20: {  	[sflag:s8] =	ssyncset.s32 @!p0 $0xFFFFF086;
	s6 =	sadd.s32 @!p0 s3, s7;
	s7 =	simm.s32 @!p0 $0x108  }
0x21: {  	s3 =	sadd.s32 s3, s9;
	s6 =	sadd.s32 @!p0 $0x88, s6;
	s7 =	simm.s32 @p2 $0x1082  }
0x22: {  	[simem:s7], [sflag:s8] =	dma.local @!p0 [hbm:s6], $0xF7A  }
0x23: {  	s9 =	sor.u32 $0xD0000000, s2;
	s6 =	simm.s32 $0x108;
	_ =	swait.ge @!p0 [sflag:s8], $0x0  }
0x24: {  	s3 =	sadd.s32 $0x88, s3;
	s6 =	simm.s32 @!p1 $0x1082;
	[sflag:s4] =	ssyncset.s32 $0xFFFFF086  }
0x25: {  	[simem:s6], [sflag:s4] =	dma.local [hbm:s3], $0xF7A  }
0x26: {  	[smem:$0x3F96] =	sst s1;
	(tag) =	ssettag s2;
	_ =	strace s9  }
0x27: {  	s1 =	sld [smem:$0x3FA6]  }
0x28: {  	s2 =	sld [smem:$0x3FA7]  }
0x29: {  	s4 =	sld [smem:$0x3FA9]  }
0x2a: {  	p0 =	seq.s32 s5, $0x0;
	s5 =	sld [smem:$0x3FAA]  }
0x2b: {  	s6 =	sld [smem:$0x3FAB]  }
0x2c: {  	s7 =	sld [smem:$0x3FAC]  }
0x2d: {  	s3 =	simm.s32 $0x108;
	s8 =	sld [smem:$0x3FAD]  }
0x2e: {  	s3 =	simm.s32 @!p0 $0x1082;
	s9 =	sld [smem:$0x3FAE]  }
0x2f: {  	lr =	sadd.s32 s0, s3;
	s0 =	sld [smem:$0x3FA5]  }
0x30: {  	s3 =	sld [smem:$0x3FA8]  }
0x31: {  	[smem:$0x3FB1] =	sst s10  }
0x32: {  	s10 =	sld [smem:$0x3FAF];
	_ =	sdelay $0x3  }
0x33: {  	p0 =	seq.s32 s10, $0x1;
	s10 =	sld [smem:$0x3FB1];
	_ =	sdelay $0x3  }
0x34: {  	[smem:$0x3FB1] =	sst s10  }
0x35: {  	s10 =	sld [smem:$0x3FB0];
	_ =	sdelay $0x3  }
0x36: {  	p1 =	seq.s32 s10, $0x1;
	s10 =	sld [smem:$0x3FB1];
	_ =	sdelay $0x3  }
0x37: {  	[smem:$0x3FB1] =	sst s10  }
0x38: {  	s10 =	sld [smem:$0x3FB2]  }
0x39: {  	_ = 	snop;
	(pc) =	sbr.ind lr, $3  }
0x3a: {  	_ = 	snop  }
0x3b: {  	_ = 	snop  }
0x3c: {  	p2 =	seq.s32 s10, $0x1;
	s10 =	sld [smem:$0x3FB1]  }
0x3d: {  	_ =	shalt  }
0x3e: {  	_ =	shalt  }
0x3f: {  	_ =	shalt  }
0x40: {  	_ =	shalt  }
0x41: {  	_ =	shalt  }
0x42: {  	_ =	shalt  }
0x43: {  	_ =	shalt  }
0x44: {  	_ =	shalt  }
0x45: {  	_ =	shalt  }
0x46: {  	_ =	shalt  }
0x47: {  	_ =	shalt  }
0x48: {  	_ =	shalt  }
0x49: {  	_ =	shalt  }
0x4a: {  	_ =	shalt  }
0x4b: {  	_ =	shalt  }
0x4c: {  	_ =	shalt  }
0x4d: {  	_ =	shalt  }
0x4e: {  	_ =	shalt  }
0x4f: {  	_ =	shalt  }
0x50: {  	_ =	shalt  }
0x51: {  	_ =	shalt  }
0x52: {  	_ =	shalt  }
0x53: {  	_ =	shalt  }
0x54: {  	_ =	shalt  }
0x55: {  	_ =	shalt  }
0x56: {  	_ =	shalt  }
0x57: {  	_ =	shalt  }
0x58: {  	_ =	shalt  }
0x59: {  	_ =	shalt  }
0x5a: {  	_ =	shalt  }
0x5b: {  	_ =	shalt  }
0x5c: {  	_ =	shalt  }
0x5d: {  	_ =	shalt  }
0x5e: {  	_ =	shalt  }
0x5f: {  	_ =	shalt  }
0x60: {  	_ =	shalt  }
0x61: {  	_ =	shalt  }
0x62: {  	_ =	shalt  }
0x63: {  	_ =	shalt  }
0x64: {  	_ =	shalt  }
0x65: {  	_ =	shalt  }
0x66: {  	_ =	shalt  }
0x67: {  	_ =	shalt  }
0x68: {  	_ =	shalt  }
0x69: {  	_ =	shalt  }
0x6a: {  	_ =	shalt  }
0x6b: {  	_ =	shalt  }
0x6c: {  	_ =	shalt  }
0x6d: {  	_ =	shalt  }
0x6e: {  	_ =	shalt  }
0x6f: {  	_ =	shalt  }
0x70: {  	_ =	shalt  }
0x71: {  	_ =	shalt  }
0x72: {  	_ =	shalt  }
0x73: {  	_ =	shalt  }
0x74: {  	_ =	shalt  }
0x75: {  	_ =	shalt  }
0x76: {  	_ =	shalt  }
0x77: {  	_ =	shalt  }
0x78: {  	_ =	shalt  }
0x79: {  	_ =	shalt  }
0x7a: {  	_ =	shalt  }
0x7b: {  	_ =	shalt  }
0x7c: {  	_ =	shalt  }
0x7d: {  	_ =	shalt  }
0x7e: {  	_ =	shalt  }
0x7f: {  	_ =	shalt  }
0x80: {  	_ =	shalt  }
0x81: {  	_ =	shalt  }
0x82: {  	_ =	shalt  }
0x83: {  	_ =	shalt  }
0x84: {  	_ =	shalt  }
0x85: {  	_ =	shalt  }
0x86: {  	_ =	shalt  }
0x87: {  	_ =	shalt  }
.Lfunc_end0:
.L_simem_size_0:
called_computation.3_lowered:
.L_overlay_start_0:
0x88: {  	s2 =	sld [smem:$0x3FD9]  }
0x89: {  	s3 =	sld [smem:$0x3FFE];
	_ =	sdelay $0x1  }
0x8a: {  	s1 =	srdreg.scid  }
0x8b: {  	s0 =	sand.u32 $0x1, s1  }
0x8c: {  	s17 =	sshll.u32 s0, $0xA;
	s2 =	sadd.s32 s3, s2  }
0x8d: {  	s2 =	sadd.s32 s2, s17  }
0x8e: {  	[smem:$0x3FBD] =	sst s2  }
0x8f: {  	_ = 	snop  }
0x90: {  	s2 =	sld [smem:$0x3FD0];
	(tm) =	ssettm $0x1  }
0x91: {  	s18 =	sld [smem:$0x3FFB];
	_ =	sdelay $0x3  }
0x92: {  	_ =	strace s18  }
0x93: {  	s3 =	sld [smem:$0x3FFC];
	_ =	sdelay $0x3  }
0x94: {  	_ =	strace s3  }
0x95: {  	s3 =	sld [smem:$0x3FFD];
	_ =	sdelay $0x3  }
0x96: {  	_ =	strace s3  }
0x97: {  	_ =	strace $0x8FFFFFFF  }
0x98: {  	s19 =	sld [smem:$0x3FDB];
	_ =	sdelay $0x1  }
0x99: {  	s4 =	simm.s32 $_scs_section_size  }
0x9a: {  	s5 =	simm.s32 $_size__tile_overlayer_lowered;
	s6 =	simm.s32 $_tile_overlayer_lowered  }
0x9b: {  	s22 =	simm.s32 $0x1BFF;
	s21 =	sshll.u32 s6, $0x1;
	s3 =	sadd.s32 s4, s19  }
0x9c: {  	s7 =	simm.s32 $0x0;
	s20 =	sshll.u32 s5, $0x1;
	s5 =	sadd.s32 s21, s3  }
0x9d: {  	[timem:s7], [sflag:s22] =	dma.local [hbm:s5], s20  }
0x9e: {  	_ =	swait.ge [sflag:s22], s20  }
0x9f: {  	s4 =	ssub.s32 $0x0, s20;
	[sflag:s22] =	ssyncset.done $0x0  }
0xa0: {  	[sflag:s22] =	ssyncadd.s32 s4;
	_ =	sdelay $0x1  }
0xa1: {  	s23 =	simm.s32 $0x1B8B  }
0xa2: {  	_ =	swait.ge [sflag:s23], $0x1  }
0xa3: {  	[sflag:s23] =	ssyncset.done $0x0  }
0xa4: {  	s25 =	simm.s32 $0x1B8E;
	s24 =	sld [smem:$0x3FFE];
	[sflag:s23] =	ssyncadd.s32 $0xFFFFFFFF  }
0xa5: {  	s26 =	simm.s32 $execute0_lowered;
	[smem:$0x3FD2] =	sst s25  }
0xa6: {  	s5 =	sshll.u32 s26, $0x1;
	_ =	strace $0x8000004F;
	[dreg:$0x1] =	wrdreg $0xFFFFFFFF  }
0xa7: {  	s28 =	simm.s32 $_size_execute0_lowered;
	s3 =	sadd.s32 s3, s5;
	[dreg:$0x0] =	wrdreg $0x0  }
0xa8: {  	s5 =	sshll.u32 s28, $0x1;
	[dreg:$0x2] =	wrdreg s3  }
0xa9: {  	[dreg:$0x3] =	wrdreg s5  }
0xaa: {  	[dreg:$0x4] =	wrdreg $0xC0  }
0xab: {  	_ =	task [dreg:s7], $0x5FFFF  }
0xac: {  	[dreg:$0x1] =	wrdreg $0xFFFFFFFF  }
0xad: {  	[dreg:$0x0] =	wrdreg $0x60  }
0xae: {  	[dreg:$0x2] =	wrdreg s24  }
0xaf: {  	[dreg:$0x3] =	wrdreg s2  }
0xb0: {  	[dreg:$0x4] =	wrdreg $0x41000  }
0xb1: {  	[dreg:$0x5] =	wrdreg $0x9  }
0xb2: {  	_ =	task.clear_ibuf [dreg:s7], $0x6FFFF;
	_ =	strace $0x9000004F  }
0xb3: {  	s29 =	simm.s32 $0x9;
	_ =	strace $0x80000051  }
0xb4: {  	_ =	swait.ge [sflag:s29], $0x1  }
0xb5: {  	[sflag:s29] =	ssyncadd.s32 $0xFFFFFFFF  }
0xb6: {  	_ =	strace $0x90000051  }
0xb7: {  	_ =	sfence  }
0xb8: {  	s30 =	sld [smem:$0x0];
	_ =	sdelay $0x2  }
0xb9: {  	s31 =	sshll.u32 s1, $0xD;
	s1 =	sshrl.u32 s1, $0x2  }
0xba: {  	s3 =	sand.u32 $0x4000, s31;
	s1 =	sadd.s32 s1, s30  }
0xbb: {  	s0 =	sor.u32 s3, s0;
	s1 =	sshll.u32 s1, $0x11  }
0xbc: {  	s0 =	sor.u32 s1, s0  }
0xbd: {  	s0 =	sadd.s32 $0x8F2B, s0  }
0xbe: {  	[sflag:s0] =	ssyncadd.remote.s32 $0x1  }
0xbf: {  	_ =	sfence.sel $0xFFFF  }
0xc0: {  	[dreg:$0x0] =	wrdreg $0xFFFFFFFF;
	(pc) =	sbr.abs _section_cstart, $3  }
0xc1: {  	[dreg:$0x1] =	wrdreg $0xFFFFFFFF  }
0xc2: {  	_ =	task.clear_ibuf [dreg:s7], $0x2FFFF;
	_ =	strace $0x9FFFFFFF  }
0xc3: {  	(tm) =	ssettm $0x7FFFFFFF  }
tec
execute0_lowered:
.L_overlay_start_1:
0x0: {  	(tag) =	ssettag $0x1  }
0x1: {  	s8 =	rddreg [dreg:$0x0]  }
0x2: {  	s10 =	rddreg [dreg:$0x1]  }
0x3: {  	s0 =	srdreg.scid;
	s1 =	rddreg [dreg:$0x2];
	s2 =	simm.s32 $0x0  }
0x4: {  	s22 =	simm.s32 $0x2;
	s23 =	simm.s32 $0x80;
	s5 =	sand.u32 $0x1, s0  }
0x5: {  	s24 =	simm.s32 $0x100;
	s25 =	simm.s32 $0x1;
	s3 =	smul.u32 $0x4F00, s5  }
0x6: {  	s26 =	simm.s32 $0x0;
	[smem:$0x7FF] =	sst s2;
	s4 =	sadd.s32 $0x71400, s8  }
0x7: {  	s15 =	smul.u32 $0x138800, s5;
	s14 =	sadd.s32 s3, s8;
	s3 =	stileid.u32  }
0x8: {  	s11 =	sadd.s32 $0x98600, s8;
	s6 =	ssub.s32 $0x2, s5;
	s7 =	smul.u32 $0x4E000, s3  }
0x9: {  	_ =	strace $0x80000050;
	s9 =	sshrl.u32 s6, $0x1;
	s12 =	smul.u32 $0x2700, s3  }
0xa: {  	p3 =	seq.s32 s5, $0x1;
	s13 =	ssub.s32 s6, s9;
	s16 =	smul.u32 $0x13800, s3  }
0xb: {  	s8 =	sadd.s32 $0x95D00, s8;
	s30 =	smul.u32 $0x4F0, s3;
	p1 =	seq.s32 @p3 s3, $0xF  }
0xc: {  	s13 =	smax.u32 s13, $0x1;
	p4 =	seq.s32 @!p3 s3, $0xF;
	p0 =	por p1, !p3  }
0xd: {  	p1 =	por !p1, !p3;
	p2 =	por p4, p3;
	p3 =	por !p4, p3  }
0xe: {  	p4 =	seq.s32 s3, $0xF;
	s28 =	sshrl.u32 s7, $0x2;
	s6 =	sadd.s32 s4, s12  }
0xf: {  	s7 =	sadd.s32 $0x124800, s1;
	s9 =	sadd.s32 s10, s12;
	s29 =	sadd.s32 s16, s15  }
0x10: {  	s15 =	sshrl.u32 s15, $0x3;
	s10 =	sadd.s32 $0x24900, s10;
	s31 =	sadd.s32 s30, s14  }
0x11: {  	s17 =	sshll.u32 @!p0 s3, $0x6;
	s20 =	sshll.u32 @!p2 s3, $0x6;
	s5 =	sadd.s32 s28, s1  }
0x12: {  	s12 =	sshrl.u32 s29, $0x3;
	s15 =	sadd.s32 s11, s15;
	s14 =	sadd.s32 $0x4E00, s31  }
0x13: {  	s16 =	sshrl.u32 @!p1 s7, $0x3;
	s17 =	sor.u32 @!p0 $0x1C02, s17;
	s19 =	sshrl.u32 @!p3 s7, $0x3  }
0x14: {  	s20 =	sor.u32 @!p2 $0x1C02, s20;
	s11 =	sadd.s32 s11, s12;
	s12 =	sadd.s32 $0x24900, s15  }
0x15: {  	s15 =	sadd.s32 $0x67600, s31;
	s18 =	sshrl.u32 @!p0 s5, $0x3;
	s21 =	sshrl.u32 @!p2 s5, $0x3  }
.LBB2_1:
0x16: {  	s28 =	simm.s32 @!p1 $0x1FC2  }
0x17: {  	[spmem:s16], [sflag:s28] =	dma.local @!p1 [hbm:s10], $0x2800  }
0x18: {  	s28 =	simm.s32 @!p1 $0x2  }
0x19: {  	_ =	swait.ge @!p1 [sflag:s28], $0x2800  }
0x1a: {  	[sflag:s28] =	ssyncset.done @!p1 $0x0  }
0x1b: {  	[sflag:s28] =	ssyncadd.s32 @!p1 $0xFFFFD800;
	s28 =	simm.s32 @!p0 $0x2  }
0x1c: {  	[spmem:s18], [sflag:s17] =	dma.local @!p0 [hbm:s9], $0x2700  }
0x1d: {  	_ =	swait.ge @!p0 [sflag:s28], $0x2700  }
0x1e: {  	[sflag:s28] =	ssyncset.done @!p0 $0x0  }
0x1f: {  	[sflag:s28] =	ssyncadd.s32 @!p0 $0xFFFFD900;
	s28 =	simm.s32 @!p3 $0x1FC2  }
0x20: {  	[spmem:s19], [sflag:s28] =	dma.local @!p3 [hbm:s8], $0x2800  }
0x21: {  	s28 =	simm.s32 @!p3 $0x2  }
0x22: {  	_ =	swait.ge @!p3 [sflag:s28], $0x2800  }
0x23: {  	[sflag:s28] =	ssyncset.done @!p3 $0x0  }
0x24: {  	[sflag:s28] =	ssyncadd.s32 @!p3 $0xFFFFD800;
	s28 =	simm.s32 @!p2 $0x2  }
0x25: {  	[spmem:s21], [sflag:s20] =	dma.local @!p2 [hbm:s6], $0x2700  }
0x26: {  	_ =	swait.ge @!p2 [sflag:s28], $0x2700  }
0x27: {  	[sflag:s28] =	ssyncset.done @!p2 $0x0  }
0x28: {  	[sflag:s28] =	ssyncadd.s32 @!p2 $0xFFFFD900  }
0x29: {  	s28 =	sadd.s32 $0x0, s15;
	[bflag:$0x0] =	sbarrier.arrive $0xFFFF  }
0x2a: {  	[tilespmem:s2], [sflag:$0x2] =	stream.linear.gather [hbm4b:s28+s2], $0x80, $0x38;
	[tilespmem:$0x179C0] =	vst v63  }
0x2b: {  	_ =	swait.ge [sflag:s22], $0x80  }
0x2c: {  	[sflag:s22] =	ssyncset.done $0x0  }
0x2d: {  	s28 =	sadd.s32 $0x0, s14;
	[sflag:s22] =	ssyncadd.s32 $0xFFFFFF80  }
0x2e: {  	[tilespmem:s23], [sflag:$0x2] =	stream.linear.gather [hbm4b:s28+s2], $0x80, $0x38;
	[tilespmem:$0x179C0] =	vst v63  }
0x2f: {  	_ =	swait.ge [sflag:s22], $0x80  }
0x30: {  	[sflag:s22] =	ssyncset.done $0x0  }
0x31: {  	[sflag:s22] =	ssyncadd.s32 $0xFFFFFF80  }
0x32: {  	[tilespmem:s24], [sflag:$0x1] =	stream.indirect.gather [hbm4b:s4+s23], $0x80, s2, s23, $0xb8;
	[tilespmem:$0x179C0] =	vst v63  }
0x33: {  	_ =	swait.ge [sflag:s25], $0x4000  }
0x34: {  	[sflag:s25] =	ssyncset.done $0x0  }
0x35: {  	[sflag:s25] =	ssyncadd.s32 $0xFFFFC000  }
0x36: {  	[spmem:s1] =	stream.indirect.scatter.add.f32 [tilespmem:s24], [sflag:$0x2], $0x80, s23, s23, $0xb8;
	[tilespmem:$0x179C0] =	vst v63  }
0x37: {  	_ =	swait.ge [sflag:s22], $0x4000  }
0x38: {  	s29 =	simm.s32 $0x20;
	s28 =	simm.s32 $0x10;
	[sflag:s22] =	ssyncset.done $0x0  }
.LBB2_2:
0x39: {  	s30 =	sadd.s32 s28, s15  }
0x3a: {  	[sflag:s22] =	ssyncadd.s32 $0xFFFFC000;
	s31 =	smov.u32 s29;
	s0 =	sadd.s32 $0x10, s29  }
0x3b: {  	[tilespmem:s2], [sflag:$0x2] =	stream.linear.gather [hbm4b:s30+s2], $0x80, $0x38;
	[tilespmem:$0x179C0] =	vst v63  }
0x3c: {  	p5 =	sne.s32 s29, $0x4E0;
	_ =	swait.ge [sflag:s22], $0x80  }
0x3d: {  	[sflag:s22] =	ssyncset.done $0x0  }
0x3e: {  	s29 =	sadd.s32 s28, s14;
	s28 =	smov.u32 s31;
	[sflag:s22] =	ssyncadd.s32 $0xFFFFFF80  }
0x3f: {  	[tilespmem:s23], [sflag:$0x2] =	stream.linear.gather [hbm4b:s29+s2], $0x80, $0x38;
	[tilespmem:$0x179C0] =	vst v63  }
0x40: {  	_ =	swait.ge [sflag:s22], $0x80  }
0x41: {  	[sflag:s22] =	ssyncset.done $0x0  }
0x42: {  	[sflag:s22] =	ssyncadd.s32 $0xFFFFFF80  }
0x43: {  	[tilespmem:s24], [sflag:$0x1] =	stream.indirect.gather [hbm4b:s4+s23], $0x80, s2, s23, $0xb8;
	[tilespmem:$0x179C0] =	vst v63  }
0x44: {  	_ =	swait.ge [sflag:s25], $0x4000  }
.Ltmp0:
0x45: {  	[sflag:s25] =	ssyncset.done $0x0;
	(pc) =	sbr.rel @p5 .LBB2_2-.Ltmp0, $4  }
0x46: {  	[sflag:s25] =	ssyncadd.s32 $0xFFFFC000  }
0x47: {  	[spmem:s1] =	stream.indirect.scatter.add.f32 [tilespmem:s24], [sflag:$0x2], $0x80, s23, s23, $0xb8;
	[tilespmem:$0x179C0] =	vst v63  }
0x48: {  	_ =	swait.ge [sflag:s22], $0x4000  }
0x49: {  	s29 =	smov.u32 s0;
	[sflag:s22] =	ssyncset.done $0x0  }
0x4a: {  	s0 =	sadd.s32 s28, s15;
	[sflag:s22] =	ssyncadd.s32 $0xFFFFC000  }
0x4b: {  	[tilespmem:s2], [sflag:$0x2] =	stream.linear.gather [hbm4b:s0+s2], $0x80, $0x38;
	[tilespmem:$0x179C0] =	vst v63  }
0x4c: {  	_ =	swait.ge [sflag:s22], $0x80  }
0x4d: {  	[sflag:s22] =	ssyncset.done $0x0  }
0x4e: {  	s31 =	sadd.s32 s28, s14;
	[sflag:s22] =	ssyncadd.s32 $0xFFFFFF80  }
0x4f: {  	[tilespmem:s23], [sflag:$0x2] =	stream.linear.gather [hbm4b:s31+s2], $0x80, $0x38;
	[tilespmem:$0x179C0] =	vst v63  }
0x50: {  	_ =	swait.ge [sflag:s22], $0x80  }
0x51: {  	[sflag:s22] =	ssyncset.done $0x0  }
0x52: {  	[sflag:s22] =	ssyncadd.s32 $0xFFFFFF80  }
0x53: {  	[tilespmem:s24], [sflag:$0x1] =	stream.indirect.gather [hbm4b:s4+s23], $0x80, s2, s23, $0xb8;
	[tilespmem:$0x179C0] =	vst v63  }
0x54: {  	_ =	swait.ge [sflag:s25], $0x4000  }
0x55: {  	[sflag:s25] =	ssyncset.done $0x0  }
0x56: {  	[sflag:s25] =	ssyncadd.s32 $0xFFFFC000  }
0x57: {  	[spmem:s1] =	stream.indirect.scatter.add.f32 [tilespmem:s24], [sflag:$0x2], $0x80, s23, s23, $0xb8;
	[tilespmem:$0x179C0] =	vst v63  }
0x58: {  	_ =	swait.ge [sflag:s22], $0x4000  }
0x59: {  	[sflag:s22] =	ssyncset.done $0x0  }
0x5a: {  	[sflag:s22] =	ssyncadd.s32 $0xFFFFC000  }
0x5b: {  	s28 =	simm.s32 @p4 $0x1FC2;
	s0 =	sshrl.u32 @p4 s7, $0x3;
	[bflag:$0x0] =	sbarrier.arrive $0xFFFF  }
0x5c: {  	[hbm:s12], [sflag:s28] =	dma.local @p4 [spmem:s0], $0x2800  }
0x5d: {  	s0 =	simm.s32 @p4 $0x2  }
0x5e: {  	s26 =	sadd.s32 $0x1, s26;
	_ =	swait.ge @p4 [sflag:s0], $0x2800  }
0x5f: {  	p5 =	sne.s32 s26, s13;
	s28 =	sshll.u32 @!p4 s3, $0x6;
	[sflag:s0] =	ssyncset.done @p4 $0x0  }
0x60: {  	[sflag:s0] =	ssyncadd.s32 @p4 $0xFFFFD800;
	s0 =	sor.u32 @!p4 $0x1C02, s28;
	s28 =	sshrl.u32 @!p4 s5, $0x3  }
0x61: {  	[hbm:s11], [sflag:s0] =	dma.local @!p4 [spmem:s28], $0x2700  }
.Ltmp1:
0x62: {  	_ = 	snop;
	(pc) =	sbr.rel @p5 .LBB2_1-.Ltmp1, $4  }
0x63: {  	s0 =	simm.s32 @!p4 $0x2  }
0x64: {  	_ =	swait.ge @!p4 [sflag:s0], $0x2700  }
0x65: {  	[sflag:s0] =	ssyncset.done @!p4 $0x0  }
0x66: {  	[sflag:s0] =	ssyncadd.s32 @!p4 $0xFFFFD900  }
0x67: {  	_ =	sfence.sel $0x180000  }
0x68: {  	[bflag:$0x0] =	sbarrier.arrive $0xFFFF  }
0x69: {  	_ =	strace $0x90000050  }
0x6a: {  	[bflag:$0x2] =	sbarrier.arrive $0xFFFF  }
0x6b: {  	p0 =	sne.s32 s3, $0x0;
	s0 =	rddreg [dreg:$0x3]  }
0x6c: {  	s0 =	sadd.s32 @!p0 $0x100000, s0  }
0x6d: {  	[sflag:s0] =	ssyncadd.tile.s32 @!p0 $0x1;
	_ =	shalt  }
.Lfunc_end2:
_tile_overlayer_lowered:
.L_overlay_start_2:
0x6e: {  	(tag) =	ssettag $0x2  }
0x6f: {  	s0 =	rddreg [dreg:$0x0];
	s2 =	stileid.u32  }
0x70: {  	s1 =	rddreg [dreg:$0x1];
	p0 =	sne.s32 s2, $0x0  }
0x71: {  	s3 =	rddreg [dreg:$0x2];
	[bflag:$0x3] =	sbarrier.arrive $0xFFFF;
	s2 =	simm.s32 @!p0 $0x1C02  }
0x72: {  	[timem:s3], [sflag:s2] =	dma.local @!p0 [hbm:s0], s1  }
0x73: {  	s0 =	simm.s32 @!p0 $0x2  }
0x74: {  	_ =	swait.ge @!p0 [sflag:s0], s1  }
0x75: {  	s1 =	ssub.s32 @!p0 $0x0, s1;
	[sflag:s0] =	ssyncset.done @!p0 $0x0  }
0x76: {  	[sflag:s0] =	ssyncadd.s32 @!p0 s1  }
0x77: {  	[bflag:$0x3] =	sbarrier.arrive $0xFFFF  }
0x78: {  	_ =	shalt  }

// kernel: _run.24.cloned.1.call-start
scs
__scs_entry_jumppad:
0x0: {  	(pc) =	sbr.rel $0x88, $3  }
0x1: {  	(tag) =	ssettag $0x0;
	lr =	simm.s32 $0x1  }
0x2: {  	[smem:$0x3F96] =	sst lr;
	_ =	strace $0xD0000000  }
0x3: {  	_ = 	snop  }
0x4: {  	_ = 	snop  }
0x5: {  	_ = 	snop  }
0x6: {  	_ = 	snop  }
0x7: {  	_ = 	snop  }
__scs_overlays_trampoline_lowered:
0x8: {  	[smem:$0x3FA5] =	sst s0  }
0x9: {  	[smem:$0x3FA6] =	sst s1  }
0xa: {  	[smem:$0x3FA7] =	sst s2  }
0xb: {  	[smem:$0x3FA8] =	sst s3  }
0xc: {  	[smem:$0x3FA9] =	sst s4  }
0xd: {  	[smem:$0x3FAA] =	sst s5  }
0xe: {  	[smem:$0x3FAB] =	sst s6  }
0xf: {  	[smem:$0x3FAC] =	sst s7  }
0x10: {  	[smem:$0x3FAD] =	sst s8  }
0x11: {  	[smem:$0x3FAE] =	sst s9;
	s0 =	simm.s32 @!p0 $0x0  }
0x12: {  	s1 =	sld [smem:$0x3F94];
	s0 =	simm.s32 @p0 $0x1  }
0x13: {  	[smem:$0x3FAF] =	sst s0;
	s0 =	simm.s32 @!p1 $0x0  }
0x14: {  	s2 =	sld [smem:$0x3F93];
	s0 =	simm.s32 @p1 $0x1  }
0x15: {  	[smem:$0x3FB0] =	sst s0;
	s0 =	simm.s32 @!p2 $0x0  }
0x16: {  	s3 =	sld [smem:$0x3FDB];
	s0 =	simm.s32 @p2 $0x1  }
0x17: {  	s4 =	simm.s32 $0x1BF5;
	[smem:$0x3FB2] =	sst s0  }
0x18: {  	s0 =	sld [smem:$0x3F95];
	_ =	swait.ge [sflag:s4], $0x0  }
0x19: {  	s7 =	sld [smem:$0x3F96]  }
0x1a: {  	s8 =	sadd.s32 $0xFFFFE003, lr  }
0x1b: {  	s9 =	sadd.s32 $0xFFFFFEF7, lr;
	s5 =	simm.s32 $0xFFFFFFFF;
	p2 =	slt.u32 s8, $0xFFFFF086  }
0x1c: {  	p1 =	slt.u32 s9, $0xF7A;
	s5 =	simm.s32 @!p2 $0x0  }
0x1d: {  	s5 =	simm.s32 @p1 $0x1;
	p0 =	seq.s32 s7, s2  }
0x1e: {  	s7 =	smul.u32 @!p0 $0xF7A, s2;
	p2 =	seq.s32 @!p0 s5, $0x0  }
0x1f: {  	s9 =	smul.u32 $0xF7A, s1;
	s8 =	simm.s32 @!p0 $0x1BF5;
	p2 =	por !p2, p0  }
0x20: {  	[sflag:s8] =	ssyncset.s32 @!p0 $0xFFFFF086;
	s6 =	sadd.s32 @!p0 s3, s7;
	s7 =	simm.s32 @!p0 $0x108  }
0x21: {  	s3 =	sadd.s32 s3, s9;
	s6 =	sadd.s32 @!p0 $0x88, s6;
	s7 =	simm.s32 @p2 $0x1082  }
0x22: {  	[simem:s7], [sflag:s8] =	dma.local @!p0 [hbm:s6], $0xF7A  }
0x23: {  	s9 =	sor.u32 $0xD0000000, s2;
	s6 =	simm.s32 $0x108;
	_ =	swait.ge @!p0 [sflag:s8], $0x0  }
0x24: {  	s3 =	sadd.s32 $0x88, s3;
	s6 =	simm.s32 @!p1 $0x1082;
	[sflag:s4] =	ssyncset.s32 $0xFFFFF086  }
0x25: {  	[simem:s6], [sflag:s4] =	dma.local [hbm:s3], $0xF7A  }
0x26: {  	[smem:$0x3F96] =	sst s1;
	(tag) =	ssettag s2;
	_ =	strace s9  }
0x27: {  	s1 =	sld [smem:$0x3FA6]  }
0x28: {  	s2 =	sld [smem:$0x3FA7]  }
0x29: {  	s4 =	sld [smem:$0x3FA9]  }
0x2a: {  	p0 =	seq.s32 s5, $0x0;
	s5 =	sld [smem:$0x3FAA]  }
0x2b: {  	s6 =	sld [smem:$0x3FAB]  }
0x2c: {  	s7 =	sld [smem:$0x3FAC]  }
0x2d: {  	s3 =	simm.s32 $0x108;
	s8 =	sld [smem:$0x3FAD]  }
0x2e: {  	s3 =	simm.s32 @!p0 $0x1082;
	s9 =	sld [smem:$0x3FAE]  }
0x2f: {  	lr =	sadd.s32 s0, s3;
	s0 =	sld [smem:$0x3FA5]  }
0x30: {  	s3 =	sld [smem:$0x3FA8]  }
0x31: {  	[smem:$0x3FB1] =	sst s10  }
0x32: {  	s10 =	sld [smem:$0x3FAF];
	_ =	sdelay $0x3  }
0x33: {  	p0 =	seq.s32 s10, $0x1;
	s10 =	sld [smem:$0x3FB1];
	_ =	sdelay $0x3  }
0x34: {  	[smem:$0x3FB1] =	sst s10  }
0x35: {  	s10 =	sld [smem:$0x3FB0];
	_ =	sdelay $0x3  }
0x36: {  	p1 =	seq.s32 s10, $0x1;
	s10 =	sld [smem:$0x3FB1];
	_ =	sdelay $0x3  }
0x37: {  	[smem:$0x3FB1] =	sst s10  }
0x38: {  	s10 =	sld [smem:$0x3FB2]  }
0x39: {  	_ = 	snop;
	(pc) =	sbr.ind lr, $3  }
0x3a: {  	_ = 	snop  }
0x3b: {  	_ = 	snop  }
0x3c: {  	p2 =	seq.s32 s10, $0x1;
	s10 =	sld [smem:$0x3FB1]  }
0x3d: {  	_ =	shalt  }
0x3e: {  	_ =	shalt  }
0x3f: {  	_ =	shalt  }
0x40: {  	_ =	shalt  }
0x41: {  	_ =	shalt  }
0x42: {  	_ =	shalt  }
0x43: {  	_ =	shalt  }
0x44: {  	_ =	shalt  }
0x45: {  	_ =	shalt  }
0x46: {  	_ =	shalt  }
0x47: {  	_ =	shalt  }
0x48: {  	_ =	shalt  }
0x49: {  	_ =	shalt  }
0x4a: {  	_ =	shalt  }
0x4b: {  	_ =	shalt  }
0x4c: {  	_ =	shalt  }
0x4d: {  	_ =	shalt  }
0x4e: {  	_ =	shalt  }
0x4f: {  	_ =	shalt  }
0x50: {  	_ =	shalt  }
0x51: {  	_ =	shalt  }
0x52: {  	_ =	shalt  }
0x53: {  	_ =	shalt  }
0x54: {  	_ =	shalt  }
0x55: {  	_ =	shalt  }
0x56: {  	_ =	shalt  }
0x57: {  	_ =	shalt  }
0x58: {  	_ =	shalt  }
0x59: {  	_ =	shalt  }
0x5a: {  	_ =	shalt  }
0x5b: {  	_ =	shalt  }
0x5c: {  	_ =	shalt  }
0x5d: {  	_ =	shalt  }
0x5e: {  	_ =	shalt  }
0x5f: {  	_ =	shalt  }
0x60: {  	_ =	shalt  }
0x61: {  	_ =	shalt  }
0x62: {  	_ =	shalt  }
0x63: {  	_ =	shalt  }
0x64: {  	_ =	shalt  }
0x65: {  	_ =	shalt  }
0x66: {  	_ =	shalt  }
0x67: {  	_ =	shalt  }
0x68: {  	_ =	shalt  }
0x69: {  	_ =	shalt  }
0x6a: {  	_ =	shalt  }
0x6b: {  	_ =	shalt  }
0x6c: {  	_ =	shalt  }
0x6d: {  	_ =	shalt  }
0x6e: {  	_ =	shalt  }
0x6f: {  	_ =	shalt  }
0x70: {  	_ =	shalt  }
0x71: {  	_ =	shalt  }
0x72: {  	_ =	shalt  }
0x73: {  	_ =	shalt  }
0x74: {  	_ =	shalt  }
0x75: {  	_ =	shalt  }
0x76: {  	_ =	shalt  }
0x77: {  	_ =	shalt  }
0x78: {  	_ =	shalt  }
0x79: {  	_ =	shalt  }
0x7a: {  	_ =	shalt  }
0x7b: {  	_ =	shalt  }
0x7c: {  	_ =	shalt  }
0x7d: {  	_ =	shalt  }
0x7e: {  	_ =	shalt  }
0x7f: {  	_ =	shalt  }
0x80: {  	_ =	shalt  }
0x81: {  	_ =	shalt  }
0x82: {  	_ =	shalt  }
0x83: {  	_ =	shalt  }
0x84: {  	_ =	shalt  }
0x85: {  	_ =	shalt  }
0x86: {  	_ =	shalt  }
0x87: {  	_ =	shalt  }
.Lfunc_end0:
.L_simem_size_0:
called_computation.4_lowered:
.L_overlay_start_0:
0x88: {  	s2 =	sld [smem:$0x3FD9]  }
0x89: {  	s3 =	sld [smem:$0x3FFE];
	_ =	sdelay $0x1  }
0x8a: {  	s1 =	srdreg.scid  }
0x8b: {  	s0 =	sand.u32 $0x1, s1  }
0x8c: {  	s17 =	sshll.u32 s0, $0xA;
	s2 =	sadd.s32 s3, s2  }
0x8d: {  	s2 =	sadd.s32 s2, s17  }
0x8e: {  	[smem:$0x3FBD] =	sst s2  }
0x8f: {  	_ = 	snop  }
0x90: {  	s2 =	sld [smem:$0x3FD0];
	(tm) =	ssettm $0x1  }
0x91: {  	s18 =	sld [smem:$0x3FFB];
	_ =	sdelay $0x3  }
0x92: {  	_ =	strace s18  }
0x93: {  	s3 =	sld [smem:$0x3FFC];
	_ =	sdelay $0x3  }
0x94: {  	_ =	strace s3  }
0x95: {  	s3 =	sld [smem:$0x3FFD];
	_ =	sdelay $0x3  }
0x96: {  	_ =	strace s3  }
0x97: {  	_ =	strace $0x8FFFFFFF  }
0x98: {  	s19 =	sld [smem:$0x3FDB];
	_ =	sdelay $0x1  }
0x99: {  	s4 =	simm.s32 $_scs_section_size  }
0x9a: {  	s5 =	simm.s32 $_size__tile_overlayer_lowered;
	s6 =	simm.s32 $_tile_overlayer_lowered  }
0x9b: {  	s22 =	simm.s32 $0x1BFF;
	s21 =	sshll.u32 s6, $0x1;
	s3 =	sadd.s32 s4, s19  }
0x9c: {  	s7 =	simm.s32 $0x0;
	s20 =	sshll.u32 s5, $0x1;
	s5 =	sadd.s32 s21, s3  }
0x9d: {  	[timem:s7], [sflag:s22] =	dma.local [hbm:s5], s20  }
0x9e: {  	_ =	swait.ge [sflag:s22], s20  }
0x9f: {  	s4 =	ssub.s32 $0x0, s20;
	[sflag:s22] =	ssyncset.done $0x0  }
0xa0: {  	[sflag:s22] =	ssyncadd.s32 s4;
	_ =	sdelay $0x1  }
0xa1: {  	s23 =	simm.s32 $0x1B8B  }
0xa2: {  	_ =	swait.ge [sflag:s23], $0x1  }
0xa3: {  	[sflag:s23] =	ssyncset.done $0x0  }
0xa4: {  	s25 =	simm.s32 $0x1B8E;
	s24 =	sld [smem:$0x3FFE];
	[sflag:s23] =	ssyncadd.s32 $0xFFFFFFFF  }
0xa5: {  	s26 =	simm.s32 $execute0_lowered;
	[smem:$0x3FD2] =	sst s25  }
0xa6: {  	s5 =	sshll.u32 s26, $0x1;
	_ =	strace $0x80000052;
	[dreg:$0x1] =	wrdreg $0xFFFFFFFF  }
0xa7: {  	s28 =	simm.s32 $_size_execute0_lowered;
	s3 =	sadd.s32 s3, s5;
	[dreg:$0x0] =	wrdreg $0x0  }
0xa8: {  	s5 =	sshll.u32 s28, $0x1;
	[dreg:$0x2] =	wrdreg s3  }
0xa9: {  	[dreg:$0x3] =	wrdreg s5  }
0xaa: {  	[dreg:$0x4] =	wrdreg $0xC0  }
0xab: {  	_ =	task [dreg:s7], $0x5FFFF  }
0xac: {  	[dreg:$0x1] =	wrdreg $0xFFFFFFFF  }
0xad: {  	[dreg:$0x0] =	wrdreg $0x60  }
0xae: {  	[dreg:$0x2] =	wrdreg s24  }
0xaf: {  	[dreg:$0x3] =	wrdreg s2  }
0xb0: {  	[dreg:$0x4] =	wrdreg $0x41000  }
0xb1: {  	[dreg:$0x5] =	wrdreg $0x9  }
0xb2: {  	_ =	task.clear_ibuf [dreg:s7], $0x6FFFF;
	_ =	strace $0x90000052  }
0xb3: {  	s29 =	simm.s32 $0x9;
	_ =	strace $0x80000054  }
0xb4: {  	_ =	swait.ge [sflag:s29], $0x1  }
0xb5: {  	[sflag:s29] =	ssyncadd.s32 $0xFFFFFFFF  }
0xb6: {  	_ =	strace $0x90000054  }
0xb7: {  	_ =	sfence  }
0xb8: {  	s30 =	sld [smem:$0x0];
	_ =	sdelay $0x2  }
0xb9: {  	s31 =	sshll.u32 s1, $0xD;
	s1 =	sshrl.u32 s1, $0x2  }
0xba: {  	s3 =	sand.u32 $0x4000, s31;
	s1 =	sadd.s32 s1, s30  }
0xbb: {  	s0 =	sor.u32 s3, s0;
	s1 =	sshll.u32 s1, $0x11  }
0xbc: {  	s0 =	sor.u32 s1, s0  }
0xbd: {  	s0 =	sadd.s32 $0x8F2B, s0  }
0xbe: {  	[sflag:s0] =	ssyncadd.remote.s32 $0x1  }
0xbf: {  	_ =	sfence.sel $0xFFFF  }
0xc0: {  	[dreg:$0x0] =	wrdreg $0xFFFFFFFF;
	(pc) =	sbr.abs _section_cstart, $3  }
0xc1: {  	[dreg:$0x1] =	wrdreg $0xFFFFFFFF  }
0xc2: {  	_ =	task.clear_ibuf [dreg:s7], $0x2FFFF;
	_ =	strace $0x9FFFFFFF  }
0xc3: {  	(tm) =	ssettm $0x7FFFFFFF  }
tec
execute0_lowered:
.L_overlay_start_1:
0x0: {  	(tag) =	ssettag $0x1  }
0x1: {  	s8 =	rddreg [dreg:$0x0]  }
0x2: {  	s10 =	rddreg [dreg:$0x1]  }
0x3: {  	s0 =	srdreg.scid;
	s1 =	rddreg [dreg:$0x2];
	s2 =	simm.s32 $0x0  }
0x4: {  	s22 =	simm.s32 $0x2;
	s23 =	simm.s32 $0x80;
	s5 =	sand.u32 $0x1, s0  }
0x5: {  	s24 =	simm.s32 $0x100;
	s25 =	simm.s32 $0x1;
	s3 =	smul.u32 $0x4F00, s5  }
0x6: {  	s26 =	simm.s32 $0x0;
	[smem:$0x7FF] =	sst s2;
	s4 =	sadd.s32 $0x71400, s8  }
0x7: {  	s15 =	smul.u32 $0x138800, s5;
	s14 =	sadd.s32 s3, s8;
	s3 =	stileid.u32  }
0x8: {  	s11 =	sadd.s32 $0x98600, s8;
	s6 =	ssub.s32 $0x2, s5;
	s7 =	smul.u32 $0x4E000, s3  }
0x9: {  	_ =	strace $0x80000053;
	s9 =	sshrl.u32 s6, $0x1;
	s12 =	smul.u32 $0x2700, s3  }
0xa: {  	p3 =	seq.s32 s5, $0x1;
	s13 =	ssub.s32 s6, s9;
	s16 =	smul.u32 $0x13800, s3  }
0xb: {  	s8 =	sadd.s32 $0x95D00, s8;
	s30 =	smul.u32 $0x4F0, s3;
	p1 =	seq.s32 @p3 s3, $0xF  }
0xc: {  	s13 =	smax.u32 s13, $0x1;
	p4 =	seq.s32 @!p3 s3, $0xF;
	p0 =	por p1, !p3  }
0xd: {  	p1 =	por !p1, !p3;
	p2 =	por p4, p3;
	p3 =	por !p4, p3  }
0xe: {  	p4 =	seq.s32 s3, $0xF;
	s28 =	sshrl.u32 s7, $0x2;
	s6 =	sadd.s32 s4, s12  }
0xf: {  	s7 =	sadd.s32 $0x124800, s1;
	s9 =	sadd.s32 s10, s12;
	s29 =	sadd.s32 s16, s15  }
0x10: {  	s15 =	sshrl.u32 s15, $0x3;
	s10 =	sadd.s32 $0x24900, s10;
	s31 =	sadd.s32 s30, s14  }
0x11: {  	s17 =	sshll.u32 @!p0 s3, $0x6;
	s20 =	sshll.u32 @!p2 s3, $0x6;
	s5 =	sadd.s32 s28, s1  }
0x12: {  	s12 =	sshrl.u32 s29, $0x3;
	s15 =	sadd.s32 s11, s15;
	s14 =	sadd.s32 $0x4E00, s31  }
0x13: {  	s16 =	sshrl.u32 @!p1 s7, $0x3;
	s17 =	sor.u32 @!p0 $0x1C02, s17;
	s19 =	sshrl.u32 @!p3 s7, $0x3  }
0x14: {  	s20 =	sor.u32 @!p2 $0x1C02, s20;
	s11 =	sadd.s32 s11, s12;
	s12 =	sadd.s32 $0x24900, s15  }
0x15: {  	s15 =	sadd.s32 $0x67600, s31;
	s18 =	sshrl.u32 @!p0 s5, $0x3;
	s21 =	sshrl.u32 @!p2 s5, $0x3  }
.LBB2_1:
0x16: {  	s28 =	simm.s32 @!p1 $0x1FC2  }
0x17: {  	[spmem:s16], [sflag:s28] =	dma.local @!p1 [hbm:s10], $0x2800  }
0x18: {  	s28 =	simm.s32 @!p1 $0x2  }
0x19: {  	_ =	swait.ge @!p1 [sflag:s28], $0x2800  }
0x1a: {  	[sflag:s28] =	ssyncset.done @!p1 $0x0  }
0x1b: {  	[sflag:s28] =	ssyncadd.s32 @!p1 $0xFFFFD800;
	s28 =	simm.s32 @!p0 $0x2  }
0x1c: {  	[spmem:s18], [sflag:s17] =	dma.local @!p0 [hbm:s9], $0x2700  }
0x1d: {  	_ =	swait.ge @!p0 [sflag:s28], $0x2700  }
0x1e: {  	[sflag:s28] =	ssyncset.done @!p0 $0x0  }
0x1f: {  	[sflag:s28] =	ssyncadd.s32 @!p0 $0xFFFFD900;
	s28 =	simm.s32 @!p3 $0x1FC2  }
0x20: {  	[spmem:s19], [sflag:s28] =	dma.local @!p3 [hbm:s8], $0x2800  }
0x21: {  	s28 =	simm.s32 @!p3 $0x2  }
0x22: {  	_ =	swait.ge @!p3 [sflag:s28], $0x2800  }
0x23: {  	[sflag:s28] =	ssyncset.done @!p3 $0x0  }
0x24: {  	[sflag:s28] =	ssyncadd.s32 @!p3 $0xFFFFD800;
	s28 =	simm.s32 @!p2 $0x2  }
0x25: {  	[spmem:s21], [sflag:s20] =	dma.local @!p2 [hbm:s6], $0x2700  }
0x26: {  	_ =	swait.ge @!p2 [sflag:s28], $0x2700  }
0x27: {  	[sflag:s28] =	ssyncset.done @!p2 $0x0  }
0x28: {  	[sflag:s28] =	ssyncadd.s32 @!p2 $0xFFFFD900  }
0x29: {  	s28 =	sadd.s32 $0x0, s15;
	[bflag:$0x0] =	sbarrier.arrive $0xFFFF  }
0x2a: {  	[tilespmem:s2], [sflag:$0x2] =	stream.linear.gather [hbm4b:s28+s2], $0x80, $0x38;
	[tilespmem:$0x179C0] =	vst v63  }
0x2b: {  	_ =	swait.ge [sflag:s22], $0x80  }
0x2c: {  	[sflag:s22] =	ssyncset.done $0x0  }
0x2d: {  	s28 =	sadd.s32 $0x0, s14;
	[sflag:s22] =	ssyncadd.s32 $0xFFFFFF80  }
0x2e: {  	[tilespmem:s23], [sflag:$0x2] =	stream.linear.gather [hbm4b:s28+s2], $0x80, $0x38;
	[tilespmem:$0x179C0] =	vst v63  }
0x2f: {  	_ =	swait.ge [sflag:s22], $0x80  }
0x30: {  	[sflag:s22] =	ssyncset.done $0x0  }
0x31: {  	[sflag:s22] =	ssyncadd.s32 $0xFFFFFF80  }
0x32: {  	[tilespmem:s24], [sflag:$0x1] =	stream.indirect.gather [hbm4b:s4+s23], $0x80, s2, s23, $0xb8;
	[tilespmem:$0x179C0] =	vst v63  }
0x33: {  	_ =	swait.ge [sflag:s25], $0x4000  }
0x34: {  	[sflag:s25] =	ssyncset.done $0x0  }
0x35: {  	[sflag:s25] =	ssyncadd.s32 $0xFFFFC000  }
0x36: {  	[spmem:s1] =	stream.indirect.scatter.add.f32 [tilespmem:s24], [sflag:$0x2], $0x80, s23, s23, $0xb8;
	[tilespmem:$0x179C0] =	vst v63  }
0x37: {  	_ =	swait.ge [sflag:s22], $0x4000  }
0x38: {  	s29 =	simm.s32 $0x20;
	s28 =	simm.s32 $0x10;
	[sflag:s22] =	ssyncset.done $0x0  }
.LBB2_2:
0x39: {  	s30 =	sadd.s32 s28, s15  }
0x3a: {  	[sflag:s22] =	ssyncadd.s32 $0xFFFFC000;
	s31 =	smov.u32 s29;
	s0 =	sadd.s32 $0x10, s29  }
0x3b: {  	[tilespmem:s2], [sflag:$0x2] =	stream.linear.gather [hbm4b:s30+s2], $0x80, $0x38;
	[tilespmem:$0x179C0] =	vst v63  }
0x3c: {  	p5 =	sne.s32 s29, $0x4E0;
	_ =	swait.ge [sflag:s22], $0x80  }
0x3d: {  	[sflag:s22] =	ssyncset.done $0x0  }
0x3e: {  	s29 =	sadd.s32 s28, s14;
	s28 =	smov.u32 s31;
	[sflag:s22] =	ssyncadd.s32 $0xFFFFFF80  }
0x3f: {  	[tilespmem:s23], [sflag:$0x2] =	stream.linear.gather [hbm4b:s29+s2], $0x80, $0x38;
	[tilespmem:$0x179C0] =	vst v63  }
0x40: {  	_ =	swait.ge [sflag:s22], $0x80  }
0x41: {  	[sflag:s22] =	ssyncset.done $0x0  }
0x42: {  	[sflag:s22] =	ssyncadd.s32 $0xFFFFFF80  }
0x43: {  	[tilespmem:s24], [sflag:$0x1] =	stream.indirect.gather [hbm4b:s4+s23], $0x80, s2, s23, $0xb8;
	[tilespmem:$0x179C0] =	vst v63  }
0x44: {  	_ =	swait.ge [sflag:s25], $0x4000  }
.Ltmp0:
0x45: {  	[sflag:s25] =	ssyncset.done $0x0;
	(pc) =	sbr.rel @p5 .LBB2_2-.Ltmp0, $4  }
0x46: {  	[sflag:s25] =	ssyncadd.s32 $0xFFFFC000  }
0x47: {  	[spmem:s1] =	stream.indirect.scatter.add.f32 [tilespmem:s24], [sflag:$0x2], $0x80, s23, s23, $0xb8;
	[tilespmem:$0x179C0] =	vst v63  }
0x48: {  	_ =	swait.ge [sflag:s22], $0x4000  }
0x49: {  	s29 =	smov.u32 s0;
	[sflag:s22] =	ssyncset.done $0x0  }
0x4a: {  	s0 =	sadd.s32 s28, s15;
	[sflag:s22] =	ssyncadd.s32 $0xFFFFC000  }
0x4b: {  	[tilespmem:s2], [sflag:$0x2] =	stream.linear.gather [hbm4b:s0+s2], $0x80, $0x38;
	[tilespmem:$0x179C0] =	vst v63  }
0x4c: {  	_ =	swait.ge [sflag:s22], $0x80  }
0x4d: {  	[sflag:s22] =	ssyncset.done $0x0  }
0x4e: {  	s31 =	sadd.s32 s28, s14;
	[sflag:s22] =	ssyncadd.s32 $0xFFFFFF80  }
0x4f: {  	[tilespmem:s23], [sflag:$0x2] =	stream.linear.gather [hbm4b:s31+s2], $0x80, $0x38;
	[tilespmem:$0x179C0] =	vst v63  }
0x50: {  	_ =	swait.ge [sflag:s22], $0x80  }
0x51: {  	[sflag:s22] =	ssyncset.done $0x0  }
0x52: {  	[sflag:s22] =	ssyncadd.s32 $0xFFFFFF80  }
0x53: {  	[tilespmem:s24], [sflag:$0x1] =	stream.indirect.gather [hbm4b:s4+s23], $0x80, s2, s23, $0xb8;
	[tilespmem:$0x179C0] =	vst v63  }
0x54: {  	_ =	swait.ge [sflag:s25], $0x4000  }
0x55: {  	[sflag:s25] =	ssyncset.done $0x0  }
0x56: {  	[sflag:s25] =	ssyncadd.s32 $0xFFFFC000  }
0x57: {  	[spmem:s1] =	stream.indirect.scatter.add.f32 [tilespmem:s24], [sflag:$0x2], $0x80, s23, s23, $0xb8;
	[tilespmem:$0x179C0] =	vst v63  }
0x58: {  	_ =	swait.ge [sflag:s22], $0x4000  }
0x59: {  	[sflag:s22] =	ssyncset.done $0x0  }
0x5a: {  	[sflag:s22] =	ssyncadd.s32 $0xFFFFC000  }
0x5b: {  	s28 =	simm.s32 @p4 $0x1FC2;
	s0 =	sshrl.u32 @p4 s7, $0x3;
	[bflag:$0x0] =	sbarrier.arrive $0xFFFF  }
0x5c: {  	[hbm:s12], [sflag:s28] =	dma.local @p4 [spmem:s0], $0x2800  }
0x5d: {  	s0 =	simm.s32 @p4 $0x2  }
0x5e: {  	s26 =	sadd.s32 $0x1, s26;
	_ =	swait.ge @p4 [sflag:s0], $0x2800  }
0x5f: {  	p5 =	sne.s32 s26, s13;
	s28 =	sshll.u32 @!p4 s3, $0x6;
	[sflag:s0] =	ssyncset.done @p4 $0x0  }
0x60: {  	[sflag:s0] =	ssyncadd.s32 @p4 $0xFFFFD800;
	s0 =	sor.u32 @!p4 $0x1C02, s28;
	s28 =	sshrl.u32 @!p4 s5, $0x3  }
0x61: {  	[hbm:s11], [sflag:s0] =	dma.local @!p4 [spmem:s28], $0x2700  }
.Ltmp1:
0x62: {  	_ = 	snop;
	(pc) =	sbr.rel @p5 .LBB2_1-.Ltmp1, $4  }
0x63: {  	s0 =	simm.s32 @!p4 $0x2  }
0x64: {  	_ =	swait.ge @!p4 [sflag:s0], $0x2700  }
0x65: {  	[sflag:s0] =	ssyncset.done @!p4 $0x0  }
0x66: {  	[sflag:s0] =	ssyncadd.s32 @!p4 $0xFFFFD900  }
0x67: {  	_ =	sfence.sel $0x180000  }
0x68: {  	[bflag:$0x0] =	sbarrier.arrive $0xFFFF  }
0x69: {  	_ =	strace $0x90000053  }
0x6a: {  	[bflag:$0x2] =	sbarrier.arrive $0xFFFF  }
0x6b: {  	p0 =	sne.s32 s3, $0x0;
	s0 =	rddreg [dreg:$0x3]  }
0x6c: {  	s0 =	sadd.s32 @!p0 $0x100000, s0  }
0x6d: {  	[sflag:s0] =	ssyncadd.tile.s32 @!p0 $0x1;
	_ =	shalt  }
.Lfunc_end2:
_tile_overlayer_lowered:
.L_overlay_start_2:
0x6e: {  	(tag) =	ssettag $0x2  }
0x6f: {  	s0 =	rddreg [dreg:$0x0];
	s2 =	stileid.u32  }
0x70: {  	s1 =	rddreg [dreg:$0x1];
	p0 =	sne.s32 s2, $0x0  }
0x71: {  	s3 =	rddreg [dreg:$0x2];
	[bflag:$0x3] =	sbarrier.arrive $0xFFFF;
	s2 =	simm.s32 @!p0 $0x1C02  }
0x72: {  	[timem:s3], [sflag:s2] =	dma.local @!p0 [hbm:s0], s1  }
0x73: {  	s0 =	simm.s32 @!p0 $0x2  }
0x74: {  	_ =	swait.ge @!p0 [sflag:s0], s1  }
0x75: {  	s1 =	ssub.s32 @!p0 $0x0, s1;
	[sflag:s0] =	ssyncset.done @!p0 $0x0  }
0x76: {  	[sflag:s0] =	ssyncadd.s32 @!p0 s1  }
0x77: {  	[bflag:$0x3] =	sbarrier.arrive $0xFFFF  }
0x78: {  	_ =	shalt  }

</sc_bundles>
